<compile_context>
chip_gen: v7x
topology: tpu7x:2x2x1
jax: 0.10.2.dev20260603
libtpu: 0.0.44.dev20260713+nightly
codegen_flags: <defaults>
</compile_context>

<pallas_src>
import functools

import jax
import jax.numpy as jnp
from jax import lax
from jax.experimental import pallas as pl
from jax.experimental.pallas import tpu as pltpu
from jax.experimental.pallas import tpu_sc as plsc

B = 8
N = 1024
K = 20
EMB = 1024
OUT = 40
BN_TOKENS = B * N
CP = 128
NW = 32
ROWS = K * BN_TOKENS
ROWS_PER_W = ROWS // NW
NCHUNK = 512



def _knn_tc_body(xt_ref, idx_ref):
    b = pl.program_id(0)
    xt = xt_ref[0]
    g = lax.dot_general(xt, xt, (((1,), (1,)), ((), ())),
                        preferred_element_type=jnp.float32)
    inner = -2.0 * g
    xx = jnp.sum(xt * xt, axis=1)
    neg = (-xx[:, None]) - inner
    neg = neg - xx[None, :]

    iota = lax.broadcasted_iota(jnp.int32, (N, N), 1)
    base = b * N
    vals = neg
    for k in range(K):
        mx = jnp.max(vals, axis=1, keepdims=True)
        cand = jnp.where(vals == mx, iota, N)
        a = jnp.min(cand, axis=1)
        idx_ref[0, k, :] = a + base
        vals = jnp.where(iota == a[:, None], -jnp.inf, vals)


def _knn_tc(xt):
    C = xt.shape[2]
    return pl.pallas_call(
        _knn_tc_body,
        grid=(B,),
        in_specs=[pl.BlockSpec((1, N, C), lambda b: (b, 0, 0))],
        out_specs=pl.BlockSpec((1, K, N), lambda b: (b, 0, 0)),
        out_shape=jax.ShapeDtypeStruct((B, K, N), jnp.int32),
    )(xt)



def _make_gather_sc(R):
    n_chunks = ROWS_PER_W // R
    mesh = plsc.VectorSubcoreMesh(core_axis_name="c", subcore_axis_name="s")

    @functools.partial(
        pl.kernel,
        out_type=jax.ShapeDtypeStruct((ROWS, CP), jnp.float32),
        mesh=mesh,
        scratch_types=[
            pltpu.VMEM((ROWS_PER_W,), jnp.int32),
            pltpu.VMEM((R, CP), jnp.float32),
            pltpu.SemaphoreType.DMA,
        ],
    )
    def kern(table_hbm, idx_hbm, out_hbm, idx_v, rows_v, sem):
        wid = lax.axis_index("s") * 2 + lax.axis_index("c")
        rbase = wid * ROWS_PER_W
        pltpu.sync_copy(idx_hbm.at[pl.ds(rbase, ROWS_PER_W)], idx_v)

        @pl.loop(0, n_chunks)
        def _chunk(ci):
            pltpu.async_copy(
                table_hbm.at[idx_v.at[pl.ds(ci * R, R)]], rows_v, sem).wait()
            pltpu.sync_copy(rows_v, out_hbm.at[pl.ds(rbase + ci * R, R)])

    return kern



def _conv_max_body(nbr_ref, xt_ref, w_ref, s_ref, o_ref, *, C, pad):
    k = pl.program_id(2)
    ctr = xt_ref[0]
    nbr = nbr_ref[0, 0][:, :C]
    parts = [nbr - ctr, ctr]
    if pad:
        parts.append(jnp.zeros((NCHUNK, pad), jnp.float32))
    feat = jnp.concatenate(parts, axis=1)
    y = jnp.dot(feat, w_ref[...], preferred_element_type=jnp.float32)
    y = y * s_ref[...]

    @pl.when(k == 0)
    def _init():
        o_ref[0] = y

    @pl.when(k > 0)
    def _acc():
        o_ref[0] = jnp.maximum(o_ref[0], y)


def _conv_max_tc(nbr, xt, w2, s_row):
    C = xt.shape[2]
    O = w2.shape[1]
    pad = w2.shape[0] - 2 * C
    nc = N // NCHUNK
    return pl.pallas_call(
        functools.partial(_conv_max_body, C=C, pad=pad),
        grid=(B, nc, K),
        in_specs=[
            pl.BlockSpec((1, 1, NCHUNK, CP), lambda b, n, k: (k, b, n, 0)),
            pl.BlockSpec((1, NCHUNK, C), lambda b, n, k: (b, n, 0)),
            pl.BlockSpec(w2.shape, lambda b, n, k: (0, 0)),
            pl.BlockSpec((1, O), lambda b, n, k: (0, 0)),
        ],
        out_specs=pl.BlockSpec((1, NCHUNK, O), lambda b, n, k: (b, n, 0)),
        out_shape=jax.ShapeDtypeStruct((B, N, O), jnp.float32),
    )(nbr, xt, w2, s_row)



def _transpose_body(t_ref, o_ref):
    o_ref[0] = t_ref[0].T


def _transpose_tc(t):
    O = t.shape[2]
    return pl.pallas_call(
        _transpose_body,
        grid=(B,),
        in_specs=[pl.BlockSpec((1, N, O), lambda b: (b, 0, 0))],
        out_specs=pl.BlockSpec((1, O, N), lambda b: (b, 0, 0)),
        out_shape=jax.ShapeDtypeStruct((B, O, N), jnp.float32),
    )(t)


def _bn_tc(t, g, b):
    tt = _transpose_tc(t)
    m = jnp.mean(tt, axis=(0, 2), keepdims=True)
    v = jnp.var(tt, axis=(0, 2), keepdims=True)
    x = g[None, :, None] * (tt - m) * lax.rsqrt(v + 1e-5) + b[None, :, None]
    return jnp.transpose(x, (0, 2, 1))



def _conv5_stats_body(xc_ref, w_ref, sum_ref, sq_ref, mx_ref, mn_ref):
    x5 = jnp.dot(xc_ref[0], w_ref[...],
                 preferred_element_type=jnp.float32)
    sum_ref[0, 0, :] = jnp.sum(x5, axis=0)
    sq_ref[0, 0, :] = jnp.sum(x5 * x5, axis=0)
    mx_ref[0, 0, :] = jnp.max(x5, axis=0)
    mn_ref[0, 0, :] = jnp.min(x5, axis=0)


def _conv5_stats_tc(xc, w5t):
    return pl.pallas_call(
        _conv5_stats_body,
        grid=(B,),
        in_specs=[
            pl.BlockSpec((1, N, 512), lambda b: (b, 0, 0)),
            pl.BlockSpec((512, EMB), lambda b: (0, 0)),
        ],
        out_specs=[pl.BlockSpec((1, 1, EMB), lambda b: (b, 0, 0))] * 4,
        out_shape=[jax.ShapeDtypeStruct((B, 1, EMB), jnp.float32)] * 4,
    )(xc, w5t)


def _head_body(sum_ref, sq_ref, mx_ref, mn_ref, g5_ref, b5_ref,
               w1_ref, w2_ref, w3_ref,
               g1_ref, b1_ref, g2_ref, b2_ref, g3_ref, b3_ref, o_ref):
    s = sum_ref[...]
    q = sq_ref[...]
    tot = jnp.sum(s, axis=0, keepdims=True) / jnp.float32(BN_TOKENS)
    var = jnp.sum(q, axis=0, keepdims=True) / jnp.float32(BN_TOKENS) - tot * tot
    a5 = g5_ref[...] * lax.rsqrt(var + 1e-5)
    off = b5_ref[...] - a5 * tot
    hmax = jnp.where(a5 >= 0.0, a5 * mx_ref[...], a5 * mn_ref[...]) + off
    hmean = a5 * (s / jnp.float32(N)) + off
    h = jnp.concatenate([hmax, hmean], axis=1)

    def lin_bn(x, w_ref, g_ref, b_ref):
        y = jnp.dot(x, w_ref[...], preferred_element_type=jnp.float32)
        m = jnp.mean(y, axis=0, keepdims=True)
        v = jnp.mean((y - m) ** 2, axis=0, keepdims=True)
        return g_ref[...] * (y - m) * lax.rsqrt(v + 1e-5) + b_ref[...]

    h = lin_bn(h, w1_ref, g1_ref, b1_ref)
    h = lin_bn(h, w2_ref, g2_ref, b2_ref)
    o_ref[...] = lin_bn(h, w3_ref, g3_ref, b3_ref)


def _head_tc(stats, g5, b5, w1t, w2t, w3t, lbn):
    (g1, b1, g2, b2, g3, b3) = lbn
    return pl.pallas_call(
        _head_body,
        out_shape=jax.ShapeDtypeStruct((B, OUT), jnp.float32),
    )(stats[0].reshape(B, EMB), stats[1].reshape(B, EMB),
      stats[2].reshape(B, EMB), stats[3].reshape(B, EMB),
      g5.reshape(1, EMB), b5.reshape(1, EMB), w1t, w2t, w3t,
      g1.reshape(1, 512), b1.reshape(1, 512),
      g2.reshape(1, 256), b2.reshape(1, 256),
      g3.reshape(1, OUT), b3.reshape(1, OUT))



def _edge_layer(xt, conv_w, conv_s, bn_g, bn_b, gather_kern, dst):
    C = xt.shape[2]
    O = conv_w.shape[0]
    s_row = conv_s.reshape(1, O)

    xt_d = jnp.pad(xt, ((0, 0), (0, 0), (0, 5))) if C == 3 else xt
    idx_g = _knn_tc(xt_d)

    idx_km = jnp.transpose(idx_g, (1, 0, 2)).reshape(ROWS)
    table = jnp.pad(xt, ((0, 0), (0, 0), (0, CP - C))).reshape(BN_TOKENS, CP)
    nbr = gather_kern(table, idx_km).reshape(K, B, N, CP)

    w2 = conv_w.T
    if C == 3:
        w2 = jnp.pad(w2, ((0, 2), (0, 0)))
    t = _conv_max_tc(nbr, xt, w2, s_row)
    x_next = _bn_tc(t, bn_g, bn_b)

    src = jnp.transpose(idx_g, (0, 2, 1)).reshape(-1)
    ei = jnp.stack([src, dst])
    return x_next, ei


def kernel(x0, conv1_w, conv2_w, conv3_w, conv4_w, conv5_w,
           conv1_s, conv2_s, conv3_s, conv4_s, conv5_s,
           bn1_g, bn1_b, bn2_g, bn2_b, bn3_g, bn3_b, bn4_g, bn4_b, bn5_g, bn5_b,
           lin1_w, lin2_w, lin3_w,
           lbn1_g, lbn1_b, lbn2_g, lbn2_b, lbn3_g, lbn3_b):
    dst = jnp.repeat(jnp.arange(BN_TOKENS, dtype=jnp.int32), K)
    xt0 = jnp.transpose(x0, (0, 2, 1))

    gather = _make_gather_sc(320)

    x1, ei0 = _edge_layer(xt0, conv1_w, conv1_s, bn1_g, bn1_b, gather, dst)
    x2, ei1 = _edge_layer(x1, conv2_w, conv2_s, bn2_g, bn2_b, gather, dst)
    x3, ei2 = _edge_layer(x2, conv3_w, conv3_s, bn3_g, bn3_b, gather, dst)
    x4, ei3 = _edge_layer(x3, conv4_w, conv4_s, bn4_g, bn4_b, gather, dst)

    xc = jnp.concatenate([x1, x2, x3, x4], axis=2)
    w5t = conv5_w.T * conv5_s.reshape(EMB)[None, :]
    stats = _conv5_stats_tc(xc, w5t)
    logits = _head_tc(stats, bn5_g, bn5_b, lin1_w.T, lin2_w.T, lin3_w.T,
                      (lbn1_g, lbn1_b, lbn2_g, lbn2_b, lbn3_g, lbn3_b))

    aux0 = xt0.reshape(BN_TOKENS, 3)
    aux1 = x1.reshape(BN_TOKENS, 64)
    aux2 = x2.reshape(BN_TOKENS, 64)
    aux3 = x3.reshape(BN_TOKENS, 128)
    return (logits, ((aux0, ei0), (aux1, ei1), (aux2, ei2), (aux3, ei3)))

# --- scband reference (transcript-rebuilt; emitter-appended) ---
"""Pipeline reference for scband-bin-dgcnn-bf1-12635793784944 (READ-ONLY COPY).

The authoritative reference and input builder live on the scoring server;
editing this copy changes nothing except your own understanding.
"""

import jax, jax.numpy as jnp
import numpy as np

B = 8
N = 1024
K = 20
EMB = 1024
OUT = 40


def setup_inputs(seed=0) -> dict:
    key = jax.random.key(seed)
    ks = jax.random.split(key, 10)

    def w(k_, shape, fan_in):
        return jax.random.normal(k_, shape, dtype=jnp.float32) / np.sqrt(fan_in)

    inp = {}
    inp['x0'] = jax.random.normal(ks[0], (B, 3, N), dtype=jnp.float32)
    # 1x1 binary conv weights (real-valued since bin_quantize_weights=False)
    inp['conv1_w'] = w(ks[1], (64, 6), 6)
    inp['conv2_w'] = w(ks[2], (64, 128), 128)
    inp['conv3_w'] = w(ks[3], (128, 128), 128)
    inp['conv4_w'] = w(ks[4], (256, 256), 256)
    inp['conv5_w'] = w(ks[5], (EMB, 512), 512)
    # learned rescale layers (rescale_H/W/L disabled -> per-channel scalars)
    inp['conv1_s'] = jnp.ones((1, 64, 1, 1), jnp.float32)
    inp['conv2_s'] = jnp.ones((1, 64, 1, 1), jnp.float32)
    inp['conv3_s'] = jnp.ones((1, 128, 1, 1), jnp.float32)
    inp['conv4_s'] = jnp.ones((1, 256, 1, 1), jnp.float32)
    inp['conv5_s'] = jnp.ones((1, EMB, 1), jnp.float32)
    # batch norms
    for name, c in [('bn1', 64), ('bn2', 64), ('bn3', 128), ('bn4', 256), ('bn5', EMB)]:
        inp[name + '_g'] = jnp.ones((c,), jnp.float32)
        inp[name + '_b'] = jnp.zeros((c,), jnp.float32)
    # linear blocks (linear + BN, no activation since bin_prelu_in_blocks=False)
    inp['lin1_w'] = w(ks[6], (512, 2 * EMB), 2 * EMB)
    inp['lin2_w'] = w(ks[7], (256, 512), 512)
    inp['lin3_w'] = w(ks[8], (OUT, 256), 256)
    for name, c in [('lbn1', 512), ('lbn2', 256), ('lbn3', OUT)]:
        inp[name + '_g'] = jnp.ones((c,), jnp.float32)
        inp[name + '_b'] = jnp.zeros((c,), jnp.float32)
    return inp


def _forward(x0, p):
    Bb = x0.shape[0]
    Nn = x0.shape[2]

    def knn_idx(x):
        xt = jnp.transpose(x, (0, 2, 1))  # (B, N, C)
        inner = -2.0 * jnp.einsum('bnc,bmc->bnm', xt, xt)
        xx = jnp.sum(xt * xt, axis=-1)
        neg_sqdist = -xx[:, :, None] - inner - xx[:, None, :]
        return jax.lax.top_k(neg_sqdist, K)[1]  # (B, N, K)

    def graph_feature(x):
        # get_graph_feature_lsp with edge_op = sub (binary_inputs False)
        idx = knn_idx(x)
        xt = jnp.transpose(x, (0, 2, 1))  # (B, N, C)
        nbr = xt[jnp.arange(Bb)[:, None, None], idx]  # (B, N, K, C) gather
        ctr = xt[:, :, None, :]
        feat = jnp.concatenate([nbr - ctr, jnp.broadcast_to(ctr, nbr.shape)], axis=-1)
        feat = jnp.transpose(feat, (0, 3, 1, 2))  # (B, 2C, N, K)
        base = (jnp.arange(Bb) * Nn)[:, None, None]
        src = (idx + base).reshape(-1)
        dst = jnp.repeat(jnp.arange(Bb * Nn), K)
        ei = jnp.stack([src, dst]).astype(jnp.int32)
        return feat, ei

    def bn(x, g, b):
        if x.ndim == 3:
            m = jnp.mean(x, axis=(0, 2), keepdims=True)
            v = jnp.var(x, axis=(0, 2), keepdims=True)
            return g[None, :, None] * (x - m) * jax.lax.rsqrt(v + 1e-5) + b[None, :, None]
        m = jnp.mean(x, axis=0)
        v = jnp.var(x, axis=0)
        return g * (x - m) * jax.lax.rsqrt(v + 1e-5) + b

    def conv(f, W, s):
        return jnp.einsum('oi,bink->bonk', W, f) * s

    f, ei0 = graph_feature(x0)
    x1 = bn(jnp.max(conv(f, p['conv1_w'], p['conv1_s']), axis=-1), p['bn1_g'], p['bn1_b'])
    f, ei1 = graph_feature(x1)
    x2 = bn(jnp.max(conv(f, p['conv2_w'], p['conv2_s']), axis=-1), p['bn2_g'], p['bn2_b'])
    f, ei2 = graph_feature(x2)
    x3 = bn(jnp.max(conv(f, p['conv3_w'], p['conv3_s']), axis=-1), p['bn3_g'], p['bn3_b'])
    f, ei3 = graph_feature(x3)
    x4 = bn(jnp.max(conv(f, p['conv4_w'], p['conv4_s']), axis=-1), p['bn4_g'], p['bn4_b'])
    xc = jnp.concatenate([x1, x2, x3, x4], axis=1)  # (B, 512, N)
    x5 = bn(jnp.einsum('oi,bin->bon', p['conv5_w'], xc) * p['conv5_s'], p['bn5_g'], p['bn5_b'])
    h = jnp.concatenate([jnp.max(x5, axis=-1), jnp.mean(x5, axis=-1)], axis=1)  # (B, 2*EMB)
    h = bn(h @ p['lin1_w'].T, p['lbn1_g'], p['lbn1_b'])
    h = bn(h @ p['lin2_w'].T, p['lbn2_g'], p['lbn2_b'])
    logits = bn(h @ p['lin3_w'].T, p['lbn3_g'], p['lbn3_b'])
    aux0 = jnp.transpose(x0, (0, 2, 1)).reshape(Bb * Nn, -1)
    aux1 = jnp.transpose(x1, (0, 2, 1)).reshape(Bb * Nn, -1)
    aux2 = jnp.transpose(x2, (0, 2, 1)).reshape(Bb * Nn, -1)
    aux3 = jnp.transpose(x3, (0, 2, 1)).reshape(Bb * Nn, -1)
    return (logits, ((aux0, ei0), (aux1, ei1), (aux2, ei2), (aux3, ei3)))


def reference(x0, conv1_w, conv2_w, conv3_w, conv4_w, conv5_w,
              conv1_s, conv2_s, conv3_s, conv4_s, conv5_s,
              bn1_g, bn1_b, bn2_g, bn2_b, bn3_g, bn3_b, bn4_g, bn4_b, bn5_g, bn5_b,
              lin1_w, lin2_w, lin3_w,
              lbn1_g, lbn1_b, lbn2_g, lbn2_b, lbn3_g, lbn3_b):
    params = dict(locals())
    del params['x0']
    return _forward(x0, params)

if __name__ == "__main__":
    import jax
    _d = setup_inputs()
    print(jax.jit(kernel)(*tuple(_d.values())))

</pallas_src>

<mosaic_0001>
#map = affine_map<(d0, d1) -> (0, 0)>
#map1 = affine_map<(d0, d1) -> (0)>
module attributes {stable_mosaic.version = 14 : i64} {
  func.func @kern(%arg0: i32, %arg1: i32, %arg2: memref<8192x128xf32, #tpu.memory_space<hbm>>, %arg3: memref<163840xi32, #tpu.memory_space<hbm>>, %arg4: memref<163840x128xf32, #tpu.memory_space<hbm>>, %arg5: memref<5120xi32, #tpu.memory_space<vmem>>, %arg6: memref<320x128xf32, #tpu.memory_space<vmem>>, %arg7: memref<!tpu.dma_semaphore, #tpu.memory_space<semaphore_mem>>) attributes {dimension_semantics = [#tpu.dimension_semantics<core_parallel>, #tpu.dimension_semantics<subcore_parallel>], iteration_bounds = array<i64: 2, 16>, scalar_prefetch = 0 : i64, scratch_operands = 3 : i64, tpu.core_type = #tpu.core_type<sc_vector_subcore>, window_params = [{transform_indices = #map}, {transform_indices = #map1}, {transform_indices = #map}]} {
    %mul3A = arith.constant 2 : i32
    %mul3A_0 = arith.muli %arg1, %mul3A : i32
    %add3A = arith.addi %mul3A_0, %arg0 : i32
    %mul3A_1 = arith.constant 5120 : i32
    %mul3A_2 = arith.muli %add3A, %mul3A_1 : i32
    "tpu.region"() ({
      %run_scoped3A = tpu.sem_alloc : memref<!tpu.dma_semaphore, #tpu.memory_space<semaphore_mem>>
      %dma_start3A = tpu.memref_slice %arg3[%mul3A_2] : memref<163840xi32, #tpu.memory_space<hbm>> -> memref<5120xi32, #tpu.memory_space<hbm>>
      %dma_start3A_7 = tpu.memref_slice %arg3[%mul3A_2] : memref<163840xi32, #tpu.memory_space<hbm>> -> memref<5120xi32, #tpu.memory_space<hbm>>
      tpu.enqueue_dma source(%dma_start3A_7 : memref<5120xi32, #tpu.memory_space<hbm>>) target(%arg5 : memref<5120xi32, #tpu.memory_space<vmem>>) target_semaphore(%run_scoped3A : memref<!tpu.dma_semaphore, #tpu.memory_space<semaphore_mem>>)
      %dma_wait3A = tpu.memref_slice %arg3[%mul3A_2] : memref<163840xi32, #tpu.memory_space<hbm>> -> memref<5120xi32, #tpu.memory_space<hbm>>
      %dma_wait3A_8 = tpu.memref_slice %arg3[%mul3A_2] : memref<163840xi32, #tpu.memory_space<hbm>> -> memref<5120xi32, #tpu.memory_space<hbm>>
      tpu.wait_dma2 semaphore(%run_scoped3A : memref<!tpu.dma_semaphore, #tpu.memory_space<semaphore_mem>>) src(%dma_wait3A_8 : memref<5120xi32, #tpu.memory_space<hbm>>) dst(%arg5 : memref<5120xi32, #tpu.memory_space<vmem>>)
      tpu.yield
    }) : () -> ()
    %scan3A = arith.constant 0 : i32
    %scan3A_3 = arith.constant 16 : i32
    %scan3A_4 = arith.addi %scan3A, %scan3A_3 : i32
    %scan3A_5 = arith.constant 1 : i32
    scf.for %scan3A_7 = %scan3A to %scan3A_4 step %scan3A_5  : i32 {
      %mul3A_8 = arith.constant 1 : i32
      %mul3A_9 = arith.muli %scan3A_7, %mul3A_8 : i32
      %add3A_10 = arith.constant 0 : i32
      %add3A_11 = arith.addi %add3A_10, %mul3A_9 : i32
      %mul3A_12 = arith.constant 320 : i32
      %mul3A_13 = arith.muli %add3A_11, %mul3A_12 : i32
      %dma_start3A = tpu.memref_slice %arg5[%mul3A_13] : memref<5120xi32, #tpu.memory_space<vmem>> -> memref<320xi32, #tpu.memory_space<vmem>>
      %dma_start3A_14 = arith.constant 0 : i32
      %dma_start3A_15 = arith.constant 0 : i32
      %dma_start3A_16 = tpu.memref_slice %arg2[%dma_start3A_14, %dma_start3A_15] : memref<8192x128xf32, #tpu.memory_space<hbm>> -> memref<8192x128xf32, #tpu.memory_space<hbm>>
      tpu.enqueue_indirect_dma source(%dma_start3A_16 : memref<8192x128xf32, #tpu.memory_space<hbm>>) target(%arg6 : memref<320x128xf32, #tpu.memory_space<vmem>>) offsets(%dma_start3A : memref<320xi32, #tpu.memory_space<vmem>>) semaphore(%arg7 : memref<!tpu.dma_semaphore, #tpu.memory_space<semaphore_mem>>)
      %dma_wait3A = tpu.memref_slice %arg5[%mul3A_13] : memref<5120xi32, #tpu.memory_space<vmem>> -> memref<320xi32, #tpu.memory_space<vmem>>
      %dma_wait3A_17 = arith.constant 0 : i32
      %dma_wait3A_18 = arith.constant 0 : i32
      %dma_wait3A_19 = tpu.memref_slice %arg2[%dma_wait3A_17, %dma_wait3A_18] : memref<8192x128xf32, #tpu.memory_space<hbm>> -> memref<8192x128xf32, #tpu.memory_space<hbm>>
      tpu.wait_indirect_dma semaphore(%arg7 : memref<!tpu.dma_semaphore, #tpu.memory_space<semaphore_mem>>) src(%dma_wait3A_19 : memref<8192x128xf32, #tpu.memory_space<hbm>>) dst(%arg6 : memref<320x128xf32, #tpu.memory_space<vmem>>)
      %mul3A_20 = arith.constant 320 : i32
      %mul3A_21 = arith.muli %add3A_11, %mul3A_20 : i32
      %add3A_22 = arith.addi %mul3A_2, %mul3A_21 : i32
      "tpu.region"() ({
        %run_scoped3A = tpu.sem_alloc : memref<!tpu.dma_semaphore, #tpu.memory_space<semaphore_mem>>
        %dma_start3A_23 = arith.constant 0 : i32
        %dma_start3A_24 = tpu.memref_slice %arg4[%add3A_22, %dma_start3A_23] : memref<163840x128xf32, #tpu.memory_space<hbm>> -> memref<320x128xf32, #tpu.memory_space<hbm>>
        %dma_start3A_25 = arith.constant 0 : i32
        %dma_start3A_26 = tpu.memref_slice %arg4[%add3A_22, %dma_start3A_25] : memref<163840x128xf32, #tpu.memory_space<hbm>> -> memref<320x128xf32, #tpu.memory_space<hbm>>
        tpu.enqueue_dma source(%arg6 : memref<320x128xf32, #tpu.memory_space<vmem>>) target(%dma_start3A_26 : memref<320x128xf32, #tpu.memory_space<hbm>>) target_semaphore(%run_scoped3A : memref<!tpu.dma_semaphore, #tpu.memory_space<semaphore_mem>>)
        %dma_wait3A_27 = arith.constant 0 : i32
        %dma_wait3A_28 = tpu.memref_slice %arg4[%add3A_22, %dma_wait3A_27] : memref<163840x128xf32, #tpu.memory_space<hbm>> -> memref<320x128xf32, #tpu.memory_space<hbm>>
        %dma_wait3A_29 = arith.constant 0 : i32
        %dma_wait3A_30 = tpu.memref_slice %arg4[%add3A_22, %dma_wait3A_29] : memref<163840x128xf32, #tpu.memory_space<hbm>> -> memref<320x128xf32, #tpu.memory_space<hbm>>
        tpu.wait_dma2 semaphore(%run_scoped3A : memref<!tpu.dma_semaphore, #tpu.memory_space<semaphore_mem>>) src(%arg6 : memref<320x128xf32, #tpu.memory_space<vmem>>) dst(%dma_wait3A_30 : memref<320x128xf32, #tpu.memory_space<hbm>>)
        tpu.yield
      }) : () -> ()
    }
    %scan3A_6 = arith.constant 16 : i32
    return
  }
}

#map = affine_map<(d0, d1) -> (0, 0)>
#map1 = affine_map<(d0, d1) -> (0)>
module attributes {stable_mosaic.version = 14 : i64} {
  func.func @kern(%arg0: i32, %arg1: i32, %arg2: memref<8192x128xf32, #tpu.memory_space<hbm>>, %arg3: memref<163840xi32, #tpu.memory_space<hbm>>, %arg4: memref<163840x128xf32, #tpu.memory_space<hbm>>, %arg5: memref<5120xi32, #tpu.memory_space<vmem>>, %arg6: memref<320x128xf32, #tpu.memory_space<vmem>>, %arg7: memref<!tpu.dma_semaphore, #tpu.memory_space<semaphore_mem>>) attributes {dimension_semantics = [#tpu.dimension_semantics<core_parallel>, #tpu.dimension_semantics<subcore_parallel>], iteration_bounds = array<i64: 2, 16>, scalar_prefetch = 0 : i64, scratch_operands = 3 : i64, tpu.core_type = #tpu.core_type<sc_vector_subcore>, window_params = [{transform_indices = #map}, {transform_indices = #map1}, {transform_indices = #map}]} {
    %mul3A = arith.constant 2 : i32
    %mul3A_0 = arith.muli %arg1, %mul3A : i32
    %add3A = arith.addi %mul3A_0, %arg0 : i32
    %mul3A_1 = arith.constant 5120 : i32
    %mul3A_2 = arith.muli %add3A, %mul3A_1 : i32
    "tpu.region"() ({
      %run_scoped3A = tpu.sem_alloc : memref<!tpu.dma_semaphore, #tpu.memory_space<semaphore_mem>>
      %dma_start3A = tpu.memref_slice %arg3[%mul3A_2] : memref<163840xi32, #tpu.memory_space<hbm>> -> memref<5120xi32, #tpu.memory_space<hbm>>
      %dma_start3A_7 = tpu.memref_slice %arg3[%mul3A_2] : memref<163840xi32, #tpu.memory_space<hbm>> -> memref<5120xi32, #tpu.memory_space<hbm>>
      tpu.enqueue_dma source(%dma_start3A_7 : memref<5120xi32, #tpu.memory_space<hbm>>) target(%arg5 : memref<5120xi32, #tpu.memory_space<vmem>>) target_semaphore(%run_scoped3A : memref<!tpu.dma_semaphore, #tpu.memory_space<semaphore_mem>>)
      %dma_wait3A = tpu.memref_slice %arg3[%mul3A_2] : memref<163840xi32, #tpu.memory_space<hbm>> -> memref<5120xi32, #tpu.memory_space<hbm>>
      %dma_wait3A_8 = tpu.memref_slice %arg3[%mul3A_2] : memref<163840xi32, #tpu.memory_space<hbm>> -> memref<5120xi32, #tpu.memory_space<hbm>>
      tpu.wait_dma2 semaphore(%run_scoped3A : memref<!tpu.dma_semaphore, #tpu.memory_space<semaphore_mem>>) src(%dma_wait3A_8 : memref<5120xi32, #tpu.memory_space<hbm>>) dst(%arg5 : memref<5120xi32, #tpu.memory_space<vmem>>)
      tpu.yield
    }) : () -> ()
    %scan3A = arith.constant 0 : i32
    %scan3A_3 = arith.constant 16 : i32
    %scan3A_4 = arith.addi %scan3A, %scan3A_3 : i32
    %scan3A_5 = arith.constant 1 : i32
    scf.for %scan3A_7 = %scan3A to %scan3A_4 step %scan3A_5  : i32 {
      %mul3A_8 = arith.constant 1 : i32
      %mul3A_9 = arith.muli %scan3A_7, %mul3A_8 : i32
      %add3A_10 = arith.constant 0 : i32
      %add3A_11 = arith.addi %add3A_10, %mul3A_9 : i32
      %mul3A_12 = arith.constant 320 : i32
      %mul3A_13 = arith.muli %add3A_11, %mul3A_12 : i32
      %dma_start3A = tpu.memref_slice %arg5[%mul3A_13] : memref<5120xi32, #tpu.memory_space<vmem>> -> memref<320xi32, #tpu.memory_space<vmem>>
      %dma_start3A_14 = arith.constant 0 : i32
      %dma_start3A_15 = arith.constant 0 : i32
      %dma_start3A_16 = tpu.memref_slice %arg2[%dma_start3A_14, %dma_start3A_15] : memref<8192x128xf32, #tpu.memory_space<hbm>> -> memref<8192x128xf32, #tpu.memory_space<hbm>>
      tpu.enqueue_indirect_dma source(%dma_start3A_16 : memref<8192x128xf32, #tpu.memory_space<hbm>>) target(%arg6 : memref<320x128xf32, #tpu.memory_space<vmem>>) offsets(%dma_start3A : memref<320xi32, #tpu.memory_space<vmem>>) semaphore(%arg7 : memref<!tpu.dma_semaphore, #tpu.memory_space<semaphore_mem>>)
      %dma_wait3A = tpu.memref_slice %arg5[%mul3A_13] : memref<5120xi32, #tpu.memory_space<vmem>> -> memref<320xi32, #tpu.memory_space<vmem>>
      %dma_wait3A_17 = arith.constant 0 : i32
      %dma_wait3A_18 = arith.constant 0 : i32
      %dma_wait3A_19 = tpu.memref_slice %arg2[%dma_wait3A_17, %dma_wait3A_18] : memref<8192x128xf32, #tpu.memory_space<hbm>> -> memref<8192x128xf32, #tpu.memory_space<hbm>>
      tpu.wait_indirect_dma semaphore(%arg7 : memref<!tpu.dma_semaphore, #tpu.memory_space<semaphore_mem>>) src(%dma_wait3A_19 : memref<8192x128xf32, #tpu.memory_space<hbm>>) dst(%arg6 : memref<320x128xf32, #tpu.memory_space<vmem>>)
      %mul3A_20 = arith.constant 320 : i32
      %mul3A_21 = arith.muli %add3A_11, %mul3A_20 : i32
      %add3A_22 = arith.addi %mul3A_2, %mul3A_21 : i32
      "tpu.region"() ({
        %run_scoped3A = tpu.sem_alloc : memref<!tpu.dma_semaphore, #tpu.memory_space<semaphore_mem>>
        %dma_start3A_23 = arith.constant 0 : i32
        %dma_start3A_24 = tpu.memref_slice %arg4[%add3A_22, %dma_start3A_23] : memref<163840x128xf32, #tpu.memory_space<hbm>> -> memref<320x128xf32, #tpu.memory_space<hbm>>
        %dma_start3A_25 = arith.constant 0 : i32
        %dma_start3A_26 = tpu.memref_slice %arg4[%add3A_22, %dma_start3A_25] : memref<163840x128xf32, #tpu.memory_space<hbm>> -> memref<320x128xf32, #tpu.memory_space<hbm>>
        tpu.enqueue_dma source(%arg6 : memref<320x128xf32, #tpu.memory_space<vmem>>) target(%dma_start3A_26 : memref<320x128xf32, #tpu.memory_space<hbm>>) target_semaphore(%run_scoped3A : memref<!tpu.dma_semaphore, #tpu.memory_space<semaphore_mem>>)
        %dma_wait3A_27 = arith.constant 0 : i32
        %dma_wait3A_28 = tpu.memref_slice %arg4[%add3A_22, %dma_wait3A_27] : memref<163840x128xf32, #tpu.memory_space<hbm>> -> memref<320x128xf32, #tpu.memory_space<hbm>>
        %dma_wait3A_29 = arith.constant 0 : i32
        %dma_wait3A_30 = tpu.memref_slice %arg4[%add3A_22, %dma_wait3A_29] : memref<163840x128xf32, #tpu.memory_space<hbm>> -> memref<320x128xf32, #tpu.memory_space<hbm>>
        tpu.wait_dma2 semaphore(%run_scoped3A : memref<!tpu.dma_semaphore, #tpu.memory_space<semaphore_mem>>) src(%arg6 : memref<320x128xf32, #tpu.memory_space<vmem>>) dst(%dma_wait3A_30 : memref<320x128xf32, #tpu.memory_space<hbm>>)
        tpu.yield
      }) : () -> ()
    }
    %scan3A_6 = arith.constant 16 : i32
    return
  }
}

#map = affine_map<(d0, d1) -> (0, 0)>
#map1 = affine_map<(d0, d1) -> (0)>
module attributes {stable_mosaic.version = 14 : i64} {
  func.func @kern(%arg0: i32, %arg1: i32, %arg2: memref<8192x128xf32, #tpu.memory_space<hbm>>, %arg3: memref<163840xi32, #tpu.memory_space<hbm>>, %arg4: memref<163840x128xf32, #tpu.memory_space<hbm>>, %arg5: memref<5120xi32, #tpu.memory_space<vmem>>, %arg6: memref<320x128xf32, #tpu.memory_space<vmem>>, %arg7: memref<!tpu.dma_semaphore, #tpu.memory_space<semaphore_mem>>) attributes {dimension_semantics = [#tpu.dimension_semantics<core_parallel>, #tpu.dimension_semantics<subcore_parallel>], iteration_bounds = array<i64: 2, 16>, scalar_prefetch = 0 : i64, scratch_operands = 3 : i64, tpu.core_type = #tpu.core_type<sc_vector_subcore>, window_params = [{transform_indices = #map}, {transform_indices = #map1}, {transform_indices = #map}]} {
    %mul3A = arith.constant 2 : i32
    %mul3A_0 = arith.muli %arg1, %mul3A : i32
    %add3A = arith.addi %mul3A_0, %arg0 : i32
    %mul3A_1 = arith.constant 5120 : i32
    %mul3A_2 = arith.muli %add3A, %mul3A_1 : i32
    "tpu.region"() ({
      %run_scoped3A = tpu.sem_alloc : memref<!tpu.dma_semaphore, #tpu.memory_space<semaphore_mem>>
      %dma_start3A = tpu.memref_slice %arg3[%mul3A_2] : memref<163840xi32, #tpu.memory_space<hbm>> -> memref<5120xi32, #tpu.memory_space<hbm>>
      %dma_start3A_7 = tpu.memref_slice %arg3[%mul3A_2] : memref<163840xi32, #tpu.memory_space<hbm>> -> memref<5120xi32, #tpu.memory_space<hbm>>
      tpu.enqueue_dma source(%dma_start3A_7 : memref<5120xi32, #tpu.memory_space<hbm>>) target(%arg5 : memref<5120xi32, #tpu.memory_space<vmem>>) target_semaphore(%run_scoped3A : memref<!tpu.dma_semaphore, #tpu.memory_space<semaphore_mem>>)
      %dma_wait3A = tpu.memref_slice %arg3[%mul3A_2] : memref<163840xi32, #tpu.memory_space<hbm>> -> memref<5120xi32, #tpu.memory_space<hbm>>
      %dma_wait3A_8 = tpu.memref_slice %arg3[%mul3A_2] : memref<163840xi32, #tpu.memory_space<hbm>> -> memref<5120xi32, #tpu.memory_space<hbm>>
      tpu.wait_dma2 semaphore(%run_scoped3A : memref<!tpu.dma_semaphore, #tpu.memory_space<semaphore_mem>>) src(%dma_wait3A_8 : memref<5120xi32, #tpu.memory_space<hbm>>) dst(%arg5 : memref<5120xi32, #tpu.memory_space<vmem>>)
      tpu.yield
    }) : () -> ()
    %scan3A = arith.constant 0 : i32
    %scan3A_3 = arith.constant 16 : i32
    %scan3A_4 = arith.addi %scan3A, %scan3A_3 : i32
    %scan3A_5 = arith.constant 1 : i32
    scf.for %scan3A_7 = %scan3A to %scan3A_4 step %scan3A_5  : i32 {
      %mul3A_8 = arith.constant 1 : i32
      %mul3A_9 = arith.muli %scan3A_7, %mul3A_8 : i32
      %add3A_10 = arith.constant 0 : i32
      %add3A_11 = arith.addi %add3A_10, %mul3A_9 : i32
      %mul3A_12 = arith.constant 320 : i32
      %mul3A_13 = arith.muli %add3A_11, %mul3A_12 : i32
      %dma_start3A = tpu.memref_slice %arg5[%mul3A_13] : memref<5120xi32, #tpu.memory_space<vmem>> -> memref<320xi32, #tpu.memory_space<vmem>>
      %dma_start3A_14 = arith.constant 0 : i32
      %dma_start3A_15 = arith.constant 0 : i32
      %dma_start3A_16 = tpu.memref_slice %arg2[%dma_start3A_14, %dma_start3A_15] : memref<8192x128xf32, #tpu.memory_space<hbm>> -> memref<8192x128xf32, #tpu.memory_space<hbm>>
      tpu.enqueue_indirect_dma source(%dma_start3A_16 : memref<8192x128xf32, #tpu.memory_space<hbm>>) target(%arg6 : memref<320x128xf32, #tpu.memory_space<vmem>>) offsets(%dma_start3A : memref<320xi32, #tpu.memory_space<vmem>>) semaphore(%arg7 : memref<!tpu.dma_semaphore, #tpu.memory_space<semaphore_mem>>)
      %dma_wait3A = tpu.memref_slice %arg5[%mul3A_13] : memref<5120xi32, #tpu.memory_space<vmem>> -> memref<320xi32, #tpu.memory_space<vmem>>
      %dma_wait3A_17 = arith.constant 0 : i32
      %dma_wait3A_18 = arith.constant 0 : i32
      %dma_wait3A_19 = tpu.memref_slice %arg2[%dma_wait3A_17, %dma_wait3A_18] : memref<8192x128xf32, #tpu.memory_space<hbm>> -> memref<8192x128xf32, #tpu.memory_space<hbm>>
      tpu.wait_indirect_dma semaphore(%arg7 : memref<!tpu.dma_semaphore, #tpu.memory_space<semaphore_mem>>) src(%dma_wait3A_19 : memref<8192x128xf32, #tpu.memory_space<hbm>>) dst(%arg6 : memref<320x128xf32, #tpu.memory_space<vmem>>)
      %mul3A_20 = arith.constant 320 : i32
      %mul3A_21 = arith.muli %add3A_11, %mul3A_20 : i32
      %add3A_22 = arith.addi %mul3A_2, %mul3A_21 : i32
      "tpu.region"() ({
        %run_scoped3A = tpu.sem_alloc : memref<!tpu.dma_semaphore, #tpu.memory_space<semaphore_mem>>
        %dma_start3A_23 = arith.constant 0 : i32
        %dma_start3A_24 = tpu.memref_slice %arg4[%add3A_22, %dma_start3A_23] : memref<163840x128xf32, #tpu.memory_space<hbm>> -> memref<320x128xf32, #tpu.memory_space<hbm>>
        %dma_start3A_25 = arith.constant 0 : i32
        %dma_start3A_26 = tpu.memref_slice %arg4[%add3A_22, %dma_start3A_25] : memref<163840x128xf32, #tpu.memory_space<hbm>> -> memref<320x128xf32, #tpu.memory_space<hbm>>
        tpu.enqueue_dma source(%arg6 : memref<320x128xf32, #tpu.memory_space<vmem>>) target(%dma_start3A_26 : memref<320x128xf32, #tpu.memory_space<hbm>>) target_semaphore(%run_scoped3A : memref<!tpu.dma_semaphore, #tpu.memory_space<semaphore_mem>>)
        %dma_wait3A_27 = arith.constant 0 : i32
        %dma_wait3A_28 = tpu.memref_slice %arg4[%add3A_22, %dma_wait3A_27] : memref<163840x128xf32, #tpu.memory_space<hbm>> -> memref<320x128xf32, #tpu.memory_space<hbm>>
        %dma_wait3A_29 = arith.constant 0 : i32
        %dma_wait3A_30 = tpu.memref_slice %arg4[%add3A_22, %dma_wait3A_29] : memref<163840x128xf32, #tpu.memory_space<hbm>> -> memref<320x128xf32, #tpu.memory_space<hbm>>
        tpu.wait_dma2 semaphore(%run_scoped3A : memref<!tpu.dma_semaphore, #tpu.memory_space<semaphore_mem>>) src(%arg6 : memref<320x128xf32, #tpu.memory_space<vmem>>) dst(%dma_wait3A_30 : memref<320x128xf32, #tpu.memory_space<hbm>>)
        tpu.yield
      }) : () -> ()
    }
    %scan3A_6 = arith.constant 16 : i32
    return
  }
}

#map = affine_map<(d0, d1) -> (0, 0)>
#map1 = affine_map<(d0, d1) -> (0)>
module attributes {stable_mosaic.version = 14 : i64} {
  func.func @kern(%arg0: i32, %arg1: i32, %arg2: memref<8192x128xf32, #tpu.memory_space<hbm>>, %arg3: memref<163840xi32, #tpu.memory_space<hbm>>, %arg4: memref<163840x128xf32, #tpu.memory_space<hbm>>, %arg5: memref<5120xi32, #tpu.memory_space<vmem>>, %arg6: memref<320x128xf32, #tpu.memory_space<vmem>>, %arg7: memref<!tpu.dma_semaphore, #tpu.memory_space<semaphore_mem>>) attributes {dimension_semantics = [#tpu.dimension_semantics<core_parallel>, #tpu.dimension_semantics<subcore_parallel>], iteration_bounds = array<i64: 2, 16>, scalar_prefetch = 0 : i64, scratch_operands = 3 : i64, tpu.core_type = #tpu.core_type<sc_vector_subcore>, window_params = [{transform_indices = #map}, {transform_indices = #map1}, {transform_indices = #map}]} {
    %mul3A = arith.constant 2 : i32
    %mul3A_0 = arith.muli %arg1, %mul3A : i32
    %add3A = arith.addi %mul3A_0, %arg0 : i32
    %mul3A_1 = arith.constant 5120 : i32
    %mul3A_2 = arith.muli %add3A, %mul3A_1 : i32
    "tpu.region"() ({
      %run_scoped3A = tpu.sem_alloc : memref<!tpu.dma_semaphore, #tpu.memory_space<semaphore_mem>>
      %dma_start3A = tpu.memref_slice %arg3[%mul3A_2] : memref<163840xi32, #tpu.memory_space<hbm>> -> memref<5120xi32, #tpu.memory_space<hbm>>
      %dma_start3A_7 = tpu.memref_slice %arg3[%mul3A_2] : memref<163840xi32, #tpu.memory_space<hbm>> -> memref<5120xi32, #tpu.memory_space<hbm>>
      tpu.enqueue_dma source(%dma_start3A_7 : memref<5120xi32, #tpu.memory_space<hbm>>) target(%arg5 : memref<5120xi32, #tpu.memory_space<vmem>>) target_semaphore(%run_scoped3A : memref<!tpu.dma_semaphore, #tpu.memory_space<semaphore_mem>>)
      %dma_wait3A = tpu.memref_slice %arg3[%mul3A_2] : memref<163840xi32, #tpu.memory_space<hbm>> -> memref<5120xi32, #tpu.memory_space<hbm>>
      %dma_wait3A_8 = tpu.memref_slice %arg3[%mul3A_2] : memref<163840xi32, #tpu.memory_space<hbm>> -> memref<5120xi32, #tpu.memory_space<hbm>>
      tpu.wait_dma2 semaphore(%run_scoped3A : memref<!tpu.dma_semaphore, #tpu.memory_space<semaphore_mem>>) src(%dma_wait3A_8 : memref<5120xi32, #tpu.memory_space<hbm>>) dst(%arg5 : memref<5120xi32, #tpu.memory_space<vmem>>)
      tpu.yield
    }) : () -> ()
    %scan3A = arith.constant 0 : i32
    %scan3A_3 = arith.constant 16 : i32
    %scan3A_4 = arith.addi %scan3A, %scan3A_3 : i32
    %scan3A_5 = arith.constant 1 : i32
    scf.for %scan3A_7 = %scan3A to %scan3A_4 step %scan3A_5  : i32 {
      %mul3A_8 = arith.constant 1 : i32
      %mul3A_9 = arith.muli %scan3A_7, %mul3A_8 : i32
      %add3A_10 = arith.constant 0 : i32
      %add3A_11 = arith.addi %add3A_10, %mul3A_9 : i32
      %mul3A_12 = arith.constant 320 : i32
      %mul3A_13 = arith.muli %add3A_11, %mul3A_12 : i32
      %dma_start3A = tpu.memref_slice %arg5[%mul3A_13] : memref<5120xi32, #tpu.memory_space<vmem>> -> memref<320xi32, #tpu.memory_space<vmem>>
      %dma_start3A_14 = arith.constant 0 : i32
      %dma_start3A_15 = arith.constant 0 : i32
      %dma_start3A_16 = tpu.memref_slice %arg2[%dma_start3A_14, %dma_start3A_15] : memref<8192x128xf32, #tpu.memory_space<hbm>> -> memref<8192x128xf32, #tpu.memory_space<hbm>>
      tpu.enqueue_indirect_dma source(%dma_start3A_16 : memref<8192x128xf32, #tpu.memory_space<hbm>>) target(%arg6 : memref<320x128xf32, #tpu.memory_space<vmem>>) offsets(%dma_start3A : memref<320xi32, #tpu.memory_space<vmem>>) semaphore(%arg7 : memref<!tpu.dma_semaphore, #tpu.memory_space<semaphore_mem>>)
      %dma_wait3A = tpu.memref_slice %arg5[%mul3A_13] : memref<5120xi32, #tpu.memory_space<vmem>> -> memref<320xi32, #tpu.memory_space<vmem>>
      %dma_wait3A_17 = arith.constant 0 : i32
      %dma_wait3A_18 = arith.constant 0 : i32
      %dma_wait3A_19 = tpu.memref_slice %arg2[%dma_wait3A_17, %dma_wait3A_18] : memref<8192x128xf32, #tpu.memory_space<hbm>> -> memref<8192x128xf32, #tpu.memory_space<hbm>>
      tpu.wait_indirect_dma semaphore(%arg7 : memref<!tpu.dma_semaphore, #tpu.memory_space<semaphore_mem>>) src(%dma_wait3A_19 : memref<8192x128xf32, #tpu.memory_space<hbm>>) dst(%arg6 : memref<320x128xf32, #tpu.memory_space<vmem>>)
      %mul3A_20 = arith.constant 320 : i32
      %mul3A_21 = arith.muli %add3A_11, %mul3A_20 : i32
      %add3A_22 = arith.addi %mul3A_2, %mul3A_21 : i32
      "tpu.region"() ({
        %run_scoped3A = tpu.sem_alloc : memref<!tpu.dma_semaphore, #tpu.memory_space<semaphore_mem>>
        %dma_start3A_23 = arith.constant 0 : i32
        %dma_start3A_24 = tpu.memref_slice %arg4[%add3A_22, %dma_start3A_23] : memref<163840x128xf32, #tpu.memory_space<hbm>> -> memref<320x128xf32, #tpu.memory_space<hbm>>
        %dma_start3A_25 = arith.constant 0 : i32
        %dma_start3A_26 = tpu.memref_slice %arg4[%add3A_22, %dma_start3A_25] : memref<163840x128xf32, #tpu.memory_space<hbm>> -> memref<320x128xf32, #tpu.memory_space<hbm>>
        tpu.enqueue_dma source(%arg6 : memref<320x128xf32, #tpu.memory_space<vmem>>) target(%dma_start3A_26 : memref<320x128xf32, #tpu.memory_space<hbm>>) target_semaphore(%run_scoped3A : memref<!tpu.dma_semaphore, #tpu.memory_space<semaphore_mem>>)
        %dma_wait3A_27 = arith.constant 0 : i32
        %dma_wait3A_28 = tpu.memref_slice %arg4[%add3A_22, %dma_wait3A_27] : memref<163840x128xf32, #tpu.memory_space<hbm>> -> memref<320x128xf32, #tpu.memory_space<hbm>>
        %dma_wait3A_29 = arith.constant 0 : i32
        %dma_wait3A_30 = tpu.memref_slice %arg4[%add3A_22, %dma_wait3A_29] : memref<163840x128xf32, #tpu.memory_space<hbm>> -> memref<320x128xf32, #tpu.memory_space<hbm>>
        tpu.wait_dma2 semaphore(%run_scoped3A : memref<!tpu.dma_semaphore, #tpu.memory_space<semaphore_mem>>) src(%arg6 : memref<320x128xf32, #tpu.memory_space<vmem>>) dst(%dma_wait3A_30 : memref<320x128xf32, #tpu.memory_space<hbm>>)
        tpu.yield
      }) : () -> ()
    }
    %scan3A_6 = arith.constant 16 : i32
    return
  }
}

module attributes {stable_mosaic.version = 14 : i64} {
  func.func @_knn_tc_body(%arg0: i32, %arg1: memref<1x1024x8xf32, #tpu.memory_space<vmem>>, %arg2: memref<1x20x1024xi32, #tpu.memory_space<vmem>>) attributes {dimension_semantics = [#tpu.dimension_semantics<arbitrary>], iteration_bounds = array<i64: 8>, scalar_prefetch = 0 : i64, scratch_operands = 0 : i64, tpu.core_type = #tpu.core_type<tc>, window_params = [{transform_indices = @transform_0, window_bounds = array<i64: 1, 1024, 8>}, {transform_indices = @transform_1, window_bounds = array<i64: 1, 20, 1024>}]} {
    %get3A = arith.constant 0 : index
    %get3A_0 = arith.constant 0 : index
    %get3A_1 = arith.constant 0 : index
    %get3A_2 = vector.load %arg1[%get3A, %get3A_0, %get3A_1] : memref<1x1024x8xf32, #tpu.memory_space<vmem>>, vector<1x1024x8xf32>
    %get3A_3 = vector.shape_cast %get3A_2 : vector<1x1024x8xf32> to vector<1024x8xf32>
    %dot_general3A = arith.constant dense<0.000000e+00> : vector<1024x1024xf32>
    %dot_general3A_4 = tpu.matmul %get3A_3, %get3A_3, %dot_general3A {dimension_numbers = #tpu.dot_dimension_numbers<[1], [1], [0], [0], [0, 0, 1, 0], [], []>, transpose_lhs_hint = false} : vector<1024x8xf32>, vector<1024x8xf32>, vector<1024x1024xf32> -> vector<1024x1024xf32>
    %mul3A = arith.constant -2.000000e+00 : f32
    %mul3A_5 = vector.broadcast %mul3A : f32 to vector<1024x1024xf32>
    %mul3A_6 = arith.mulf %mul3A_5, %dot_general3A_4 : vector<1024x1024xf32>
    %mul3A_7 = arith.mulf %get3A_3, %get3A_3 : vector<1024x8xf32>
    %reduce_sum3A = arith.constant dense<0.000000e+00> : vector<1024xf32>
    %reduce_sum3A_8 = vector.multi_reduction <add>, %mul3A_7, %reduce_sum3A [1] : vector<1024x8xf32> to vector<1024xf32>
    %broadcast_in_dim3A = vector.shape_cast %reduce_sum3A_8 : vector<1024xf32> to vector<1024x1xf32>
    %neg3A = arith.constant 0.000000e+00 : f32
    %neg3A_9 = vector.broadcast %neg3A : f32 to vector<1024x1xf32>
    %neg3A_10 = arith.subf %neg3A_9, %broadcast_in_dim3A : vector<1024x1xf32>
    %sub3A = vector.broadcast %neg3A_10 : vector<1024x1xf32> to vector<1024x1024xf32>
    %sub3A_11 = arith.subf %sub3A, %mul3A_6 : vector<1024x1024xf32>
    %broadcast_in_dim3A_12 = vector.shape_cast %reduce_sum3A_8 : vector<1024xf32> to vector<1x1024xf32>
    %sub3A_13 = vector.broadcast %broadcast_in_dim3A_12 : vector<1x1024xf32> to vector<1024x1024xf32>
    %sub3A_14 = arith.subf %sub3A_11, %sub3A_13 : vector<1024x1024xf32>
    %iota3A = tpu.iota {dimensions = array<i32: 1>} : vector<1024x1024xi32>
    %mul3A_15 = arith.constant 1024 : i32
    %mul3A_16 = arith.muli %arg0, %mul3A_15 : i32
    %reduce_max3A = arith.constant dense<0xFF800000> : vector<1024xf32>
    %reduce_max3A_17 = vector.multi_reduction <maximumf>, %sub3A_14, %reduce_max3A [1] : vector<1024x1024xf32> to vector<1024xf32>
    %broadcast_in_dim3A_18 = vector.shape_cast %reduce_max3A_17 : vector<1024xf32> to vector<1024x1xf32>
    %eq3A = vector.broadcast %broadcast_in_dim3A_18 : vector<1024x1xf32> to vector<1024x1024xf32>
    %eq3A_19 = arith.cmpf oeq, %sub3A_14, %eq3A : vector<1024x1024xf32>
    %jit3A = arith.constant 1024 : i32
    %broadcast_in_dim3A_20 = vector.broadcast %jit3A : i32 to vector<1024x1024xi32>
    %select_n3A = arith.select %eq3A_19, %iota3A, %broadcast_in_dim3A_20 : vector<1024x1024xi1>, vector<1024x1024xi32>
    %reduce_min3A = arith.constant dense<2147483647> : vector<1024xi32>
    %reduce_min3A_21 = vector.multi_reduction <minsi>, %select_n3A, %reduce_min3A [1] : vector<1024x1024xi32> to vector<1024xi32>
    %add3A = vector.broadcast %mul3A_16 : i32 to vector<1024xi32>
    %add3A_22 = arith.addi %reduce_min3A_21, %add3A : vector<1024xi32>
    %swap3A = arith.constant 0 : index
    %swap3A_23 = arith.constant 0 : index
    %swap3A_24 = arith.constant 0 : index
    %swap3A_25 = vector.load %arg2[%swap3A, %swap3A_23, %swap3A_24] : memref<1x20x1024xi32, #tpu.memory_space<vmem>>, vector<1x1x1024xi32>
    %swap3A_26 = vector.shape_cast %swap3A_25 : vector<1x1x1024xi32> to vector<1024xi32>
    %swap3A_27 = vector.shape_cast %add3A_22 : vector<1024xi32> to vector<1x1x1024xi32>
    tpu.vector_store %arg2[%swap3A, %swap3A_23, %swap3A_24], %swap3A_27 {strides = array<i32>} : memref<1x20x1024xi32, #tpu.memory_space<vmem>>, vector<1x1x1024xi32>,
    %broadcast_in_dim3A_28 = vector.shape_cast %reduce_min3A_21 : vector<1024xi32> to vector<1024x1xi32>
    %eq3A_29 = vector.broadcast %broadcast_in_dim3A_28 : vector<1024x1xi32> to vector<1024x1024xi32>
    %eq3A_30 = arith.cmpi eq, %iota3A, %eq3A_29 : vector<1024x1024xi32>
    %jit3A_31 = arith.constant 0xFF800000 : f32
    %broadcast_in_dim3A_32 = vector.broadcast %jit3A_31 : f32 to vector<1024x1024xf32>
    %select_n3A_33 = arith.select %eq3A_30, %broadcast_in_dim3A_32, %sub3A_14 : vector<1024x1024xi1>, vector<1024x1024xf32>
    %reduce_max3A_34 = arith.constant dense<0xFF800000> : vector<1024xf32>
    %reduce_max3A_35 = vector.multi_reduction <maximumf>, %select_n3A_33, %reduce_max3A_34 [1] : vector<1024x1024xf32> to vector<1024xf32>
    %broadcast_in_dim3A_36 = vector.shape_cast %reduce_max3A_35 : vector<1024xf32> to vector<1024x1xf32>
    %eq3A_37 = vector.broadcast %broadcast_in_dim3A_36 : vector<1024x1xf32> to vector<1024x1024xf32>
    %eq3A_38 = arith.cmpf oeq, %select_n3A_33, %eq3A_37 : vector<1024x1024xf32>
    %jit3A_39 = arith.constant 1024 : i32
    %broadcast_in_dim3A_40 = vector.broadcast %jit3A_39 : i32 to vector<1024x1024xi32>
    %select_n3A_41 = arith.select %eq3A_38, %iota3A, %broadcast_in_dim3A_40 : vector<1024x1024xi1>, vector<1024x1024xi32>
    %reduce_min3A_42 = arith.constant dense<2147483647> : vector<1024xi32>
    %reduce_min3A_43 = vector.multi_reduction <minsi>, %select_n3A_41, %reduce_min3A_42 [1] : vector<1024x1024xi32> to vector<1024xi32>
    %add3A_44 = vector.broadcast %mul3A_16 : i32 to vector<1024xi32>
    %add3A_45 = arith.addi %reduce_min3A_43, %add3A_44 : vector<1024xi32>
    %swap3A_46 = arith.constant 0 : index
    %swap3A_47 = arith.constant 1 : index
    %swap3A_48 = arith.constant 0 : index
    %swap3A_49 = vector.load %arg2[%swap3A_46, %swap3A_47, %swap3A_48] : memref<1x20x1024xi32, #tpu.memory_space<vmem>>, vector<1x1x1024xi32>
    %swap3A_50 = vector.shape_cast %swap3A_49 : vector<1x1x1024xi32> to vector<1024xi32>
    %swap3A_51 = vector.shape_cast %add3A_45 : vector<1024xi32> to vector<1x1x1024xi32>
    tpu.vector_store %arg2[%swap3A_46, %swap3A_47, %swap3A_48], %swap3A_51 {strides = array<i32>} : memref<1x20x1024xi32, #tpu.memory_space<vmem>>, vector<1x1x1024xi32>,
    %broadcast_in_dim3A_52 = vector.shape_cast %reduce_min3A_43 : vector<1024xi32> to vector<1024x1xi32>
    %eq3A_53 = vector.broadcast %broadcast_in_dim3A_52 : vector<1024x1xi32> to vector<1024x1024xi32>
    %eq3A_54 = arith.cmpi eq, %iota3A, %eq3A_53 : vector<1024x1024xi32>
    %jit3A_55 = arith.constant 0xFF800000 : f32
    %broadcast_in_dim3A_56 = vector.broadcast %jit3A_55 : f32 to vector<1024x1024xf32>
    %select_n3A_57 = arith.select %eq3A_54, %broadcast_in_dim3A_56, %select_n3A_33 : vector<1024x1024xi1>, vector<1024x1024xf32>
    %reduce_max3A_58 = arith.constant dense<0xFF800000> : vector<1024xf32>
    %reduce_max3A_59 = vector.multi_reduction <maximumf>, %select_n3A_57, %reduce_max3A_58 [1] : vector<1024x1024xf32> to vector<1024xf32>
    %broadcast_in_dim3A_60 = vector.shape_cast %reduce_max3A_59 : vector<1024xf32> to vector<1024x1xf32>
    %eq3A_61 = vector.broadcast %broadcast_in_dim3A_60 : vector<1024x1xf32> to vector<1024x1024xf32>
    %eq3A_62 = arith.cmpf oeq, %select_n3A_57, %eq3A_61 : vector<1024x1024xf32>
    %jit3A_63 = arith.constant 1024 : i32
    %broadcast_in_dim3A_64 = vector.broadcast %jit3A_63 : i32 to vector<1024x1024xi32>
    %select_n3A_65 = arith.select %eq3A_62, %iota3A, %broadcast_in_dim3A_64 : vector<1024x1024xi1>, vector<1024x1024xi32>
    %reduce_min3A_66 = arith.constant dense<2147483647> : vector<1024xi32>
    %reduce_min3A_67 = vector.multi_reduction <minsi>, %select_n3A_65, %reduce_min3A_66 [1] : vector<1024x1024xi32> to vector<1024xi32>
    %add3A_68 = vector.broadcast %mul3A_16 : i32 to vector<1024xi32>
    %add3A_69 = arith.addi %reduce_min3A_67, %add3A_68 : vector<1024xi32>
    %swap3A_70 = arith.constant 0 : index
    %swap3A_71 = arith.constant 2 : index
    %swap3A_72 = arith.constant 0 : index
    %swap3A_73 = vector.load %arg2[%swap3A_70, %swap3A_71, %swap3A_72] : memref<1x20x1024xi32, #tpu.memory_space<vmem>>, vector<1x1x1024xi32>
    %swap3A_74 = vector.shape_cast %swap3A_73 : vector<1x1x1024xi32> to vector<1024xi32>
    %swap3A_75 = vector.shape_cast %add3A_69 : vector<1024xi32> to vector<1x1x1024xi32>
    tpu.vector_store %arg2[%swap3A_70, %swap3A_71, %swap3A_72], %swap3A_75 {strides = array<i32>} : memref<1x20x1024xi32, #tpu.memory_space<vmem>>, vector<1x1x1024xi32>,
    %broadcast_in_dim3A_76 = vector.shape_cast %reduce_min3A_67 : vector<1024xi32> to vector<1024x1xi32>
    %eq3A_77 = vector.broadcast %broadcast_in_dim3A_76 : vector<1024x1xi32> to vector<1024x1024xi32>
    %eq3A_78 = arith.cmpi eq, %iota3A, %eq3A_77 : vector<1024x1024xi32>
    %jit3A_79 = arith.constant 0xFF800000 : f32
    %broadcast_in_dim3A_80 = vector.broadcast %jit3A_79 : f32 to vector<1024x1024xf32>
    %select_n3A_81 = arith.select %eq3A_78, %broadcast_in_dim3A_80, %select_n3A_57 : vector<1024x1024xi1>, vector<1024x1024xf32>
    %reduce_max3A_82 = arith.constant dense<0xFF800000> : vector<1024xf32>
    %reduce_max3A_83 = vector.multi_reduction <maximumf>, %select_n3A_81, %reduce_max3A_82 [1] : vector<1024x1024xf32> to vector<1024xf32>
    %broadcast_in_dim3A_84 = vector.shape_cast %reduce_max3A_83 : vector<1024xf32> to vector<1024x1xf32>
    %eq3A_85 = vector.broadcast %broadcast_in_dim3A_84 : vector<1024x1xf32> to vector<1024x1024xf32>
    %eq3A_86 = arith.cmpf oeq, %select_n3A_81, %eq3A_85 : vector<1024x1024xf32>
    %jit3A_87 = arith.constant 1024 : i32
    %broadcast_in_dim3A_88 = vector.broadcast %jit3A_87 : i32 to vector<1024x1024xi32>
    %select_n3A_89 = arith.select %eq3A_86, %iota3A, %broadcast_in_dim3A_88 : vector<1024x1024xi1>, vector<1024x1024xi32>
    %reduce_min3A_90 = arith.constant dense<2147483647> : vector<1024xi32>
    %reduce_min3A_91 = vector.multi_reduction <minsi>, %select_n3A_89, %reduce_min3A_90 [1] : vector<1024x1024xi32> to vector<1024xi32>
    %add3A_92 = vector.broadcast %mul3A_16 : i32 to vector<1024xi32>
    %add3A_93 = arith.addi %reduce_min3A_91, %add3A_92 : vector<1024xi32>
    %swap3A_94 = arith.constant 0 : index
    %swap3A_95 = arith.constant 3 : index
    %swap3A_96 = arith.constant 0 : index
    %swap3A_97 = vector.load %arg2[%swap3A_94, %swap3A_95, %swap3A_96] : memref<1x20x1024xi32, #tpu.memory_space<vmem>>, vector<1x1x1024xi32>
    %swap3A_98 = vector.shape_cast %swap3A_97 : vector<1x1x1024xi32> to vector<1024xi32>
    %swap3A_99 = vector.shape_cast %add3A_93 : vector<1024xi32> to vector<1x1x1024xi32>
    tpu.vector_store %arg2[%swap3A_94, %swap3A_95, %swap3A_96], %swap3A_99 {strides = array<i32>} : memref<1x20x1024xi32, #tpu.memory_space<vmem>>, vector<1x1x1024xi32>,
    %broadcast_in_dim3A_100 = vector.shape_cast %reduce_min3A_91 : vector<1024xi32> to vector<1024x1xi32>
    %eq3A_101 = vector.broadcast %broadcast_in_dim3A_100 : vector<1024x1xi32> to vector<1024x1024xi32>
    %eq3A_102 = arith.cmpi eq, %iota3A, %eq3A_101 : vector<1024x1024xi32>
    %jit3A_103 = arith.constant 0xFF800000 : f32
    %broadcast_in_dim3A_104 = vector.broadcast %jit3A_103 : f32 to vector<1024x1024xf32>
    %select_n3A_105 = arith.select %eq3A_102, %broadcast_in_dim3A_104, %select_n3A_81 : vector<1024x1024xi1>, vector<1024x1024xf32>
    %reduce_max3A_106 = arith.constant dense<0xFF800000> : vector<1024xf32>
    %reduce_max3A_107 = vector.multi_reduction <maximumf>, %select_n3A_105, %reduce_max3A_106 [1] : vector<1024x1024xf32> to vector<1024xf32>
    %broadcast_in_dim3A_108 = vector.shape_cast %reduce_max3A_107 : vector<1024xf32> to vector<1024x1xf32>
    %eq3A_109 = vector.broadcast %broadcast_in_dim3A_108 : vector<1024x1xf32> to vector<1024x1024xf32>
    %eq3A_110 = arith.cmpf oeq, %select_n3A_105, %eq3A_109 : vector<1024x1024xf32>
    %jit3A_111 = arith.constant 1024 : i32
    %broadcast_in_dim3A_112 = vector.broadcast %jit3A_111 : i32 to vector<1024x1024xi32>
    %select_n3A_113 = arith.select %eq3A_110, %iota3A, %broadcast_in_dim3A_112 : vector<1024x1024xi1>, vector<1024x1024xi32>
    %reduce_min3A_114 = arith.constant dense<2147483647> : vector<1024xi32>
    %reduce_min3A_115 = vector.multi_reduction <minsi>, %select_n3A_113, %reduce_min3A_114 [1] : vector<1024x1024xi32> to vector<1024xi32>
    %add3A_116 = vector.broadcast %mul3A_16 : i32 to vector<1024xi32>
    %add3A_117 = arith.addi %reduce_min3A_115, %add3A_116 : vector<1024xi32>
    %swap3A_118 = arith.constant 0 : index
    %swap3A_119 = arith.constant 4 : index
    %swap3A_120 = arith.constant 0 : index
    %swap3A_121 = vector.load %arg2[%swap3A_118, %swap3A_119, %swap3A_120] : memref<1x20x1024xi32, #tpu.memory_space<vmem>>, vector<1x1x1024xi32>
    %swap3A_122 = vector.shape_cast %swap3A_121 : vector<1x1x1024xi32> to vector<1024xi32>
    %swap3A_123 = vector.shape_cast %add3A_117 : vector<1024xi32> to vector<1x1x1024xi32>
    tpu.vector_store %arg2[%swap3A_118, %swap3A_119, %swap3A_120], %swap3A_123 {strides = array<i32>} : memref<1x20x1024xi32, #tpu.memory_space<vmem>>, vector<1x1x1024xi32>,
    %broadcast_in_dim3A_124 = vector.shape_cast %reduce_min3A_115 : vector<1024xi32> to vector<1024x1xi32>
    %eq3A_125 = vector.broadcast %broadcast_in_dim3A_124 : vector<1024x1xi32> to vector<1024x1024xi32>
    %eq3A_126 = arith.cmpi eq, %iota3A, %eq3A_125 : vector<1024x1024xi32>
    %jit3A_127 = arith.constant 0xFF800000 : f32
    %broadcast_in_dim3A_128 = vector.broadcast %jit3A_127 : f32 to vector<1024x1024xf32>
    %select_n3A_129 = arith.select %eq3A_126, %broadcast_in_dim3A_128, %select_n3A_105 : vector<1024x1024xi1>, vector<1024x1024xf32>
    %reduce_max3A_130 = arith.constant dense<0xFF800000> : vector<1024xf32>
    %reduce_max3A_131 = vector.multi_reduction <maximumf>, %select_n3A_129, %reduce_max3A_130 [1] : vector<1024x1024xf32> to vector<1024xf32>
    %broadcast_in_dim3A_132 = vector.shape_cast %reduce_max3A_131 : vector<1024xf32> to vector<1024x1xf32>
    %eq3A_133 = vector.broadcast %broadcast_in_dim3A_132 : vector<1024x1xf32> to vector<1024x1024xf32>
    %eq3A_134 = arith.cmpf oeq, %select_n3A_129, %eq3A_133 : vector<1024x1024xf32>
    %jit3A_135 = arith.constant 1024 : i32
    %broadcast_in_dim3A_136 = vector.broadcast %jit3A_135 : i32 to vector<1024x1024xi32>
    %select_n3A_137 = arith.select %eq3A_134, %iota3A, %broadcast_in_dim3A_136 : vector<1024x1024xi1>, vector<1024x1024xi32>
    %reduce_min3A_138 = arith.constant dense<2147483647> : vector<1024xi32>
    %reduce_min3A_139 = vector.multi_reduction <minsi>, %select_n3A_137, %reduce_min3A_138 [1] : vector<1024x1024xi32> to vector<1024xi32>
    %add3A_140 = vector.broadcast %mul3A_16 : i32 to vector<1024xi32>
    %add3A_141 = arith.addi %reduce_min3A_139, %add3A_140 : vector<1024xi32>
    %swap3A_142 = arith.constant 0 : index
    %swap3A_143 = arith.constant 5 : index
    %swap3A_144 = arith.constant 0 : index
    %swap3A_145 = vector.load %arg2[%swap3A_142, %swap3A_143, %swap3A_144] : memref<1x20x1024xi32, #tpu.memory_space<vmem>>, vector<1x1x1024xi32>
    %swap3A_146 = vector.shape_cast %swap3A_145 : vector<1x1x1024xi32> to vector<1024xi32>
    %swap3A_147 = vector.shape_cast %add3A_141 : vector<1024xi32> to vector<1x1x1024xi32>
    tpu.vector_store %arg2[%swap3A_142, %swap3A_143, %swap3A_144], %swap3A_147 {strides = array<i32>} : memref<1x20x1024xi32, #tpu.memory_space<vmem>>, vector<1x1x1024xi32>,
    %broadcast_in_dim3A_148 = vector.shape_cast %reduce_min3A_139 : vector<1024xi32> to vector<1024x1xi32>
    %eq3A_149 = vector.broadcast %broadcast_in_dim3A_148 : vector<1024x1xi32> to vector<1024x1024xi32>
    %eq3A_150 = arith.cmpi eq, %iota3A, %eq3A_149 : vector<1024x1024xi32>
    %jit3A_151 = arith.constant 0xFF800000 : f32
    %broadcast_in_dim3A_152 = vector.broadcast %jit3A_151 : f32 to vector<1024x1024xf32>
    %select_n3A_153 = arith.select %eq3A_150, %broadcast_in_dim3A_152, %select_n3A_129 : vector<1024x1024xi1>, vector<1024x1024xf32>
    %reduce_max3A_154 = arith.constant dense<0xFF800000> : vector<1024xf32>
    %reduce_max3A_155 = vector.multi_reduction <maximumf>, %select_n3A_153, %reduce_max3A_154 [1] : vector<1024x1024xf32> to vector<1024xf32>
    %broadcast_in_dim3A_156 = vector.shape_cast %reduce_max3A_155 : vector<1024xf32> to vector<1024x1xf32>
    %eq3A_157 = vector.broadcast %broadcast_in_dim3A_156 : vector<1024x1xf32> to vector<1024x1024xf32>
    %eq3A_158 = arith.cmpf oeq, %select_n3A_153, %eq3A_157 : vector<1024x1024xf32>
    %jit3A_159 = arith.constant 1024 : i32
    %broadcast_in_dim3A_160 = vector.broadcast %jit3A_159 : i32 to vector<1024x1024xi32>
    %select_n3A_161 = arith.select %eq3A_158, %iota3A, %broadcast_in_dim3A_160 : vector<1024x1024xi1>, vector<1024x1024xi32>
    %reduce_min3A_162 = arith.constant dense<2147483647> : vector<1024xi32>
    %reduce_min3A_163 = vector.multi_reduction <minsi>, %select_n3A_161, %reduce_min3A_162 [1] : vector<1024x1024xi32> to vector<1024xi32>
    %add3A_164 = vector.broadcast %mul3A_16 : i32 to vector<1024xi32>
    %add3A_165 = arith.addi %reduce_min3A_163, %add3A_164 : vector<1024xi32>
    %swap3A_166 = arith.constant 0 : index
    %swap3A_167 = arith.constant 6 : index
    %swap3A_168 = arith.constant 0 : index
    %swap3A_169 = vector.load %arg2[%swap3A_166, %swap3A_167, %swap3A_168] : memref<1x20x1024xi32, #tpu.memory_space<vmem>>, vector<1x1x1024xi32>
    %swap3A_170 = vector.shape_cast %swap3A_169 : vector<1x1x1024xi32> to vector<1024xi32>
    %swap3A_171 = vector.shape_cast %add3A_165 : vector<1024xi32> to vector<1x1x1024xi32>
    tpu.vector_store %arg2[%swap3A_166, %swap3A_167, %swap3A_168], %swap3A_171 {strides = array<i32>} : memref<1x20x1024xi32, #tpu.memory_space<vmem>>, vector<1x1x1024xi32>,
    %broadcast_in_dim3A_172 = vector.shape_cast %reduce_min3A_163 : vector<1024xi32> to vector<1024x1xi32>
    %eq3A_173 = vector.broadcast %broadcast_in_dim3A_172 : vector<1024x1xi32> to vector<1024x1024xi32>
    %eq3A_174 = arith.cmpi eq, %iota3A, %eq3A_173 : vector<1024x1024xi32>
    %jit3A_175 = arith.constant 0xFF800000 : f32
    %broadcast_in_dim3A_176 = vector.broadcast %jit3A_175 : f32 to vector<1024x1024xf32>
    %select_n3A_177 = arith.select %eq3A_174, %broadcast_in_dim3A_176, %select_n3A_153 : vector<1024x1024xi1>, vector<1024x1024xf32>
    %reduce_max3A_178 = arith.constant dense<0xFF800000> : vector<1024xf32>
    %reduce_max3A_179 = vector.multi_reduction <maximumf>, %select_n3A_177, %reduce_max3A_178 [1] : vector<1024x1024xf32> to vector<1024xf32>
    %broadcast_in_dim3A_180 = vector.shape_cast %reduce_max3A_179 : vector<1024xf32> to vector<1024x1xf32>
    %eq3A_181 = vector.broadcast %broadcast_in_dim3A_180 : vector<1024x1xf32> to vector<1024x1024xf32>
    %eq3A_182 = arith.cmpf oeq, %select_n3A_177, %eq3A_181 : vector<1024x1024xf32>
    %jit3A_183 = arith.constant 1024 : i32
    %broadcast_in_dim3A_184 = vector.broadcast %jit3A_183 : i32 to vector<1024x1024xi32>
    %select_n3A_185 = arith.select %eq3A_182, %iota3A, %broadcast_in_dim3A_184 : vector<1024x1024xi1>, vector<1024x1024xi32>
    %reduce_min3A_186 = arith.constant dense<2147483647> : vector<1024xi32>
    %reduce_min3A_187 = vector.multi_reduction <minsi>, %select_n3A_185, %reduce_min3A_186 [1] : vector<1024x1024xi32> to vector<1024xi32>
    %add3A_188 = vector.broadcast %mul3A_16 : i32 to vector<1024xi32>
    %add3A_189 = arith.addi %reduce_min3A_187, %add3A_188 : vector<1024xi32>
    %swap3A_190 = arith.constant 0 : index
    %swap3A_191 = arith.constant 7 : index
    %swap3A_192 = arith.constant 0 : index
    %swap3A_193 = vector.load %arg2[%swap3A_190, %swap3A_191, %swap3A_192] : memref<1x20x1024xi32, #tpu.memory_space<vmem>>, vector<1x1x1024xi32>
    %swap3A_194 = vector.shape_cast %swap3A_193 : vector<1x1x1024xi32> to vector<1024xi32>
    %swap3A_195 = vector.shape_cast %add3A_189 : vector<1024xi32> to vector<1x1x1024xi32>
    tpu.vector_store %arg2[%swap3A_190, %swap3A_191, %swap3A_192], %swap3A_195 {strides = array<i32>} : memref<1x20x1024xi32, #tpu.memory_space<vmem>>, vector<1x1x1024xi32>,
    %broadcast_in_dim3A_196 = vector.shape_cast %reduce_min3A_187 : vector<1024xi32> to vector<1024x1xi32>
    %eq3A_197 = vector.broadcast %broadcast_in_dim3A_196 : vector<1024x1xi32> to vector<1024x1024xi32>
    %eq3A_198 = arith.cmpi eq, %iota3A, %eq3A_197 : vector<1024x1024xi32>
    %jit3A_199 = arith.constant 0xFF800000 : f32
    %broadcast_in_dim3A_200 = vector.broadcast %jit3A_199 : f32 to vector<1024x1024xf32>
    %select_n3A_201 = arith.select %eq3A_198, %broadcast_in_dim3A_200, %select_n3A_177 : vector<1024x1024xi1>, vector<1024x1024xf32>
    %reduce_max3A_202 = arith.constant dense<0xFF800000> : vector<1024xf32>
    %reduce_max3A_203 = vector.multi_reduction <maximumf>, %select_n3A_201, %reduce_max3A_202 [1] : vector<1024x1024xf32> to vector<1024xf32>
    %broadcast_in_dim3A_204 = vector.shape_cast %reduce_max3A_203 : vector<1024xf32> to vector<1024x1xf32>
    %eq3A_205 = vector.broadcast %broadcast_in_dim3A_204 : vector<1024x1xf32> to vector<1024x1024xf32>
    %eq3A_206 = arith.cmpf oeq, %select_n3A_201, %eq3A_205 : vector<1024x1024xf32>
    %jit3A_207 = arith.constant 1024 : i32
    %broadcast_in_dim3A_208 = vector.broadcast %jit3A_207 : i32 to vector<1024x1024xi32>
    %select_n3A_209 = arith.select %eq3A_206, %iota3A, %broadcast_in_dim3A_208 : vector<1024x1024xi1>, vector<1024x1024xi32>
    %reduce_min3A_210 = arith.constant dense<2147483647> : vector<1024xi32>
    %reduce_min3A_211 = vector.multi_reduction <minsi>, %select_n3A_209, %reduce_min3A_210 [1] : vector<1024x1024xi32> to vector<1024xi32>
    %add3A_212 = vector.broadcast %mul3A_16 : i32 to vector<1024xi32>
    %add3A_213 = arith.addi %reduce_min3A_211, %add3A_212 : vector<1024xi32>
    %swap3A_214 = arith.constant 0 : index
    %swap3A_215 = arith.constant 8 : index
    %swap3A_216 = arith.constant 0 : index
    %swap3A_217 = vector.load %arg2[%swap3A_214, %swap3A_215, %swap3A_216] : memref<1x20x1024xi32, #tpu.memory_space<vmem>>, vector<1x1x1024xi32>
    %swap3A_218 = vector.shape_cast %swap3A_217 : vector<1x1x1024xi32> to vector<1024xi32>
    %swap3A_219 = vector.shape_cast %add3A_213 : vector<1024xi32> to vector<1x1x1024xi32>
    tpu.vector_store %arg2[%swap3A_214, %swap3A_215, %swap3A_216], %swap3A_219 {strides = array<i32>} : memref<1x20x1024xi32, #tpu.memory_space<vmem>>, vector<1x1x1024xi32>,
    %broadcast_in_dim3A_220 = vector.shape_cast %reduce_min3A_211 : vector<1024xi32> to vector<1024x1xi32>
    %eq3A_221 = vector.broadcast %broadcast_in_dim3A_220 : vector<1024x1xi32> to vector<1024x1024xi32>
    %eq3A_222 = arith.cmpi eq, %iota3A, %eq3A_221 : vector<1024x1024xi32>
    %jit3A_223 = arith.constant 0xFF800000 : f32
    %broadcast_in_dim3A_224 = vector.broadcast %jit3A_223 : f32 to vector<1024x1024xf32>
    %select_n3A_225 = arith.select %eq3A_222, %broadcast_in_dim3A_224, %select_n3A_201 : vector<1024x1024xi1>, vector<1024x1024xf32>
    %reduce_max3A_226 = arith.constant dense<0xFF800000> : vector<1024xf32>
    %reduce_max3A_227 = vector.multi_reduction <maximumf>, %select_n3A_225, %reduce_max3A_226 [1] : vector<1024x1024xf32> to vector<1024xf32>
    %broadcast_in_dim3A_228 = vector.shape_cast %reduce_max3A_227 : vector<1024xf32> to vector<1024x1xf32>
    %eq3A_229 = vector.broadcast %broadcast_in_dim3A_228 : vector<1024x1xf32> to vector<1024x1024xf32>
    %eq3A_230 = arith.cmpf oeq, %select_n3A_225, %eq3A_229 : vector<1024x1024xf32>
    %jit3A_231 = arith.constant 1024 : i32
    %broadcast_in_dim3A_232 = vector.broadcast %jit3A_231 : i32 to vector<1024x1024xi32>
    %select_n3A_233 = arith.select %eq3A_230, %iota3A, %broadcast_in_dim3A_232 : vector<1024x1024xi1>, vector<1024x1024xi32>
    %reduce_min3A_234 = arith.constant dense<2147483647> : vector<1024xi32>
    %reduce_min3A_235 = vector.multi_reduction <minsi>, %select_n3A_233, %reduce_min3A_234 [1] : vector<1024x1024xi32> to vector<1024xi32>
    %add3A_236 = vector.broadcast %mul3A_16 : i32 to vector<1024xi32>
    %add3A_237 = arith.addi %reduce_min3A_235, %add3A_236 : vector<1024xi32>
    %swap3A_238 = arith.constant 0 : index
    %swap3A_239 = arith.constant 9 : index
    %swap3A_240 = arith.constant 0 : index
    %swap3A_241 = vector.load %arg2[%swap3A_238, %swap3A_239, %swap3A_240] : memref<1x20x1024xi32, #tpu.memory_space<vmem>>, vector<1x1x1024xi32>
    %swap3A_242 = vector.shape_cast %swap3A_241 : vector<1x1x1024xi32> to vector<1024xi32>
    %swap3A_243 = vector.shape_cast %add3A_237 : vector<1024xi32> to vector<1x1x1024xi32>
    tpu.vector_store %arg2[%swap3A_238, %swap3A_239, %swap3A_240], %swap3A_243 {strides = array<i32>} : memref<1x20x1024xi32, #tpu.memory_space<vmem>>, vector<1x1x1024xi32>,
    %broadcast_in_dim3A_244 = vector.shape_cast %reduce_min3A_235 : vector<1024xi32> to vector<1024x1xi32>
    %eq3A_245 = vector.broadcast %broadcast_in_dim3A_244 : vector<1024x1xi32> to vector<1024x1024xi32>
    %eq3A_246 = arith.cmpi eq, %iota3A, %eq3A_245 : vector<1024x1024xi32>
    %jit3A_247 = arith.constant 0xFF800000 : f32
    %broadcast_in_dim3A_248 = vector.broadcast %jit3A_247 : f32 to vector<1024x1024xf32>
    %select_n3A_249 = arith.select %eq3A_246, %broadcast_in_dim3A_248, %select_n3A_225 : vector<1024x1024xi1>, vector<1024x1024xf32>
    %reduce_max3A_250 = arith.constant dense<0xFF800000> : vector<1024xf32>
    %reduce_max3A_251 = vector.multi_reduction <maximumf>, %select_n3A_249, %reduce_max3A_250 [1] : vector<1024x1024xf32> to vector<1024xf32>
    %broadcast_in_dim3A_252 = vector.shape_cast %reduce_max3A_251 : vector<1024xf32> to vector<1024x1xf32>
    %eq3A_253 = vector.broadcast %broadcast_in_dim3A_252 : vector<1024x1xf32> to vector<1024x1024xf32>
    %eq3A_254 = arith.cmpf oeq, %select_n3A_249, %eq3A_253 : vector<1024x1024xf32>
    %jit3A_255 = arith.constant 1024 : i32
    %broadcast_in_dim3A_256 = vector.broadcast %jit3A_255 : i32 to vector<1024x1024xi32>
    %select_n3A_257 = arith.select %eq3A_254, %iota3A, %broadcast_in_dim3A_256 : vector<1024x1024xi1>, vector<1024x1024xi32>
    %reduce_min3A_258 = arith.constant dense<2147483647> : vector<1024xi32>
    %reduce_min3A_259 = vector.multi_reduction <minsi>, %select_n3A_257, %reduce_min3A_258 [1] : vector<1024x1024xi32> to vector<1024xi32>
    %add3A_260 = vector.broadcast %mul3A_16 : i32 to vector<1024xi32>
    %add3A_261 = arith.addi %reduce_min3A_259, %add3A_260 : vector<1024xi32>
    %swap3A_262 = arith.constant 0 : index
    %swap3A_263 = arith.constant 10 : index
    %swap3A_264 = arith.constant 0 : index
    %swap3A_265 = vector.load %arg2[%swap3A_262, %swap3A_263, %swap3A_264] : memref<1x20x1024xi32, #tpu.memory_space<vmem>>, vector<1x1x1024xi32>
    %swap3A_266 = vector.shape_cast %swap3A_265 : vector<1x1x1024xi32> to vector<1024xi32>
    %swap3A_267 = vector.shape_cast %add3A_261 : vector<1024xi32> to vector<1x1x1024xi32>
    tpu.vector_store %arg2[%swap3A_262, %swap3A_263, %swap3A_264], %swap3A_267 {strides = array<i32>} : memref<1x20x1024xi32, #tpu.memory_space<vmem>>, vector<1x1x1024xi32>,
    %broadcast_in_dim3A_268 = vector.shape_cast %reduce_min3A_259 : vector<1024xi32> to vector<1024x1xi32>
    %eq3A_269 = vector.broadcast %broadcast_in_dim3A_268 : vector<1024x1xi32> to vector<1024x1024xi32>
    %eq3A_270 = arith.cmpi eq, %iota3A, %eq3A_269 : vector<1024x1024xi32>
    %jit3A_271 = arith.constant 0xFF800000 : f32
    %broadcast_in_dim3A_272 = vector.broadcast %jit3A_271 : f32 to vector<1024x1024xf32>
    %select_n3A_273 = arith.select %eq3A_270, %broadcast_in_dim3A_272, %select_n3A_249 : vector<1024x1024xi1>, vector<1024x1024xf32>
    %reduce_max3A_274 = arith.constant dense<0xFF800000> : vector<1024xf32>
    %reduce_max3A_275 = vector.multi_reduction <maximumf>, %select_n3A_273, %reduce_max3A_274 [1] : vector<1024x1024xf32> to vector<1024xf32>
    %broadcast_in_dim3A_276 = vector.shape_cast %reduce_max3A_275 : vector<1024xf32> to vector<1024x1xf32>
    %eq3A_277 = vector.broadcast %broadcast_in_dim3A_276 : vector<1024x1xf32> to vector<1024x1024xf32>
    %eq3A_278 = arith.cmpf oeq, %select_n3A_273, %eq3A_277 : vector<1024x1024xf32>
    %jit3A_279 = arith.constant 1024 : i32
    %broadcast_in_dim3A_280 = vector.broadcast %jit3A_279 : i32 to vector<1024x1024xi32>
    %select_n3A_281 = arith.select %eq3A_278, %iota3A, %broadcast_in_dim3A_280 : vector<1024x1024xi1>, vector<1024x1024xi32>
    %reduce_min3A_282 = arith.constant dense<2147483647> : vector<1024xi32>
    %reduce_min3A_283 = vector.multi_reduction <minsi>, %select_n3A_281, %reduce_min3A_282 [1] : vector<1024x1024xi32> to vector<1024xi32>
    %add3A_284 = vector.broadcast %mul3A_16 : i32 to vector<1024xi32>
    %add3A_285 = arith.addi %reduce_min3A_283, %add3A_284 : vector<1024xi32>
    %swap3A_286 = arith.constant 0 : index
    %swap3A_287 = arith.constant 11 : index
    %swap3A_288 = arith.constant 0 : index
    %swap3A_289 = vector.load %arg2[%swap3A_286, %swap3A_287, %swap3A_288] : memref<1x20x1024xi32, #tpu.memory_space<vmem>>, vector<1x1x1024xi32>
    %swap3A_290 = vector.shape_cast %swap3A_289 : vector<1x1x1024xi32> to vector<1024xi32>
    %swap3A_291 = vector.shape_cast %add3A_285 : vector<1024xi32> to vector<1x1x1024xi32>
    tpu.vector_store %arg2[%swap3A_286, %swap3A_287, %swap3A_288], %swap3A_291 {strides = array<i32>} : memref<1x20x1024xi32, #tpu.memory_space<vmem>>, vector<1x1x1024xi32>,
    %broadcast_in_dim3A_292 = vector.shape_cast %reduce_min3A_283 : vector<1024xi32> to vector<1024x1xi32>
    %eq3A_293 = vector.broadcast %broadcast_in_dim3A_292 : vector<1024x1xi32> to vector<1024x1024xi32>
    %eq3A_294 = arith.cmpi eq, %iota3A, %eq3A_293 : vector<1024x1024xi32>
    %jit3A_295 = arith.constant 0xFF800000 : f32
    %broadcast_in_dim3A_296 = vector.broadcast %jit3A_295 : f32 to vector<1024x1024xf32>
    %select_n3A_297 = arith.select %eq3A_294, %broadcast_in_dim3A_296, %select_n3A_273 : vector<1024x1024xi1>, vector<1024x1024xf32>
    %reduce_max3A_298 = arith.constant dense<0xFF800000> : vector<1024xf32>
    %reduce_max3A_299 = vector.multi_reduction <maximumf>, %select_n3A_297, %reduce_max3A_298 [1] : vector<1024x1024xf32> to vector<1024xf32>
    %broadcast_in_dim3A_300 = vector.shape_cast %reduce_max3A_299 : vector<1024xf32> to vector<1024x1xf32>
    %eq3A_301 = vector.broadcast %broadcast_in_dim3A_300 : vector<1024x1xf32> to vector<1024x1024xf32>
    %eq3A_302 = arith.cmpf oeq, %select_n3A_297, %eq3A_301 : vector<1024x1024xf32>
    %jit3A_303 = arith.constant 1024 : i32
    %broadcast_in_dim3A_304 = vector.broadcast %jit3A_303 : i32 to vector<1024x1024xi32>
    %select_n3A_305 = arith.select %eq3A_302, %iota3A, %broadcast_in_dim3A_304 : vector<1024x1024xi1>, vector<1024x1024xi32>
    %reduce_min3A_306 = arith.constant dense<2147483647> : vector<1024xi32>
    %reduce_min3A_307 = vector.multi_reduction <minsi>, %select_n3A_305, %reduce_min3A_306 [1] : vector<1024x1024xi32> to vector<1024xi32>
    %add3A_308 = vector.broadcast %mul3A_16 : i32 to vector<1024xi32>
    %add3A_309 = arith.addi %reduce_min3A_307, %add3A_308 : vector<1024xi32>
    %swap3A_310 = arith.constant 0 : index
    %swap3A_311 = arith.constant 12 : index
    %swap3A_312 = arith.constant 0 : index
    %swap3A_313 = vector.load %arg2[%swap3A_310, %swap3A_311, %swap3A_312] : memref<1x20x1024xi32, #tpu.memory_space<vmem>>, vector<1x1x1024xi32>
    %swap3A_314 = vector.shape_cast %swap3A_313 : vector<1x1x1024xi32> to vector<1024xi32>
    %swap3A_315 = vector.shape_cast %add3A_309 : vector<1024xi32> to vector<1x1x1024xi32>
    tpu.vector_store %arg2[%swap3A_310, %swap3A_311, %swap3A_312], %swap3A_315 {strides = array<i32>} : memref<1x20x1024xi32, #tpu.memory_space<vmem>>, vector<1x1x1024xi32>,
    %broadcast_in_dim3A_316 = vector.shape_cast %reduce_min3A_307 : vector<1024xi32> to vector<1024x1xi32>
    %eq3A_317 = vector.broadcast %broadcast_in_dim3A_316 : vector<1024x1xi32> to vector<1024x1024xi32>
    %eq3A_318 = arith.cmpi eq, %iota3A, %eq3A_317 : vector<1024x1024xi32>
    %jit3A_319 = arith.constant 0xFF800000 : f32
    %broadcast_in_dim3A_320 = vector.broadcast %jit3A_319 : f32 to vector<1024x1024xf32>
    %select_n3A_321 = arith.select %eq3A_318, %broadcast_in_dim3A_320, %select_n3A_297 : vector<1024x1024xi1>, vector<1024x1024xf32>
    %reduce_max3A_322 = arith.constant dense<0xFF800000> : vector<1024xf32>
    %reduce_max3A_323 = vector.multi_reduction <maximumf>, %select_n3A_321, %reduce_max3A_322 [1] : vector<1024x1024xf32> to vector<1024xf32>
    %broadcast_in_dim3A_324 = vector.shape_cast %reduce_max3A_323 : vector<1024xf32> to vector<1024x1xf32>
    %eq3A_325 = vector.broadcast %broadcast_in_dim3A_324 : vector<1024x1xf32> to vector<1024x1024xf32>
    %eq3A_326 = arith.cmpf oeq, %select_n3A_321, %eq3A_325 : vector<1024x1024xf32>
    %jit3A_327 = arith.constant 1024 : i32
    %broadcast_in_dim3A_328 = vector.broadcast %jit3A_327 : i32 to vector<1024x1024xi32>
    %select_n3A_329 = arith.select %eq3A_326, %iota3A, %broadcast_in_dim3A_328 : vector<1024x1024xi1>, vector<1024x1024xi32>
    %reduce_min3A_330 = arith.constant dense<2147483647> : vector<1024xi32>
    %reduce_min3A_331 = vector.multi_reduction <minsi>, %select_n3A_329, %reduce_min3A_330 [1] : vector<1024x1024xi32> to vector<1024xi32>
    %add3A_332 = vector.broadcast %mul3A_16 : i32 to vector<1024xi32>
    %add3A_333 = arith.addi %reduce_min3A_331, %add3A_332 : vector<1024xi32>
    %swap3A_334 = arith.constant 0 : index
    %swap3A_335 = arith.constant 13 : index
    %swap3A_336 = arith.constant 0 : index
    %swap3A_337 = vector.load %arg2[%swap3A_334, %swap3A_335, %swap3A_336] : memref<1x20x1024xi32, #tpu.memory_space<vmem>>, vector<1x1x1024xi32>
    %swap3A_338 = vector.shape_cast %swap3A_337 : vector<1x1x1024xi32> to vector<1024xi32>
    %swap3A_339 = vector.shape_cast %add3A_333 : vector<1024xi32> to vector<1x1x1024xi32>
    tpu.vector_store %arg2[%swap3A_334, %swap3A_335, %swap3A_336], %swap3A_339 {strides = array<i32>} : memref<1x20x1024xi32, #tpu.memory_space<vmem>>, vector<1x1x1024xi32>,
    %broadcast_in_dim3A_340 = vector.shape_cast %reduce_min3A_331 : vector<1024xi32> to vector<1024x1xi32>
    %eq3A_341 = vector.broadcast %broadcast_in_dim3A_340 : vector<1024x1xi32> to vector<1024x1024xi32>
    %eq3A_342 = arith.cmpi eq, %iota3A, %eq3A_341 : vector<1024x1024xi32>
    %jit3A_343 = arith.constant 0xFF800000 : f32
    %broadcast_in_dim3A_344 = vector.broadcast %jit3A_343 : f32 to vector<1024x1024xf32>
    %select_n3A_345 = arith.select %eq3A_342, %broadcast_in_dim3A_344, %select_n3A_321 : vector<1024x1024xi1>, vector<1024x1024xf32>
    %reduce_max3A_346 = arith.constant dense<0xFF800000> : vector<1024xf32>
    %reduce_max3A_347 = vector.multi_reduction <maximumf>, %select_n3A_345, %reduce_max3A_346 [1] : vector<1024x1024xf32> to vector<1024xf32>
    %broadcast_in_dim3A_348 = vector.shape_cast %reduce_max3A_347 : vector<1024xf32> to vector<1024x1xf32>
    %eq3A_349 = vector.broadcast %broadcast_in_dim3A_348 : vector<1024x1xf32> to vector<1024x1024xf32>
    %eq3A_350 = arith.cmpf oeq, %select_n3A_345, %eq3A_349 : vector<1024x1024xf32>
    %jit3A_351 = arith.constant 1024 : i32
    %broadcast_in_dim3A_352 = vector.broadcast %jit3A_351 : i32 to vector<1024x1024xi32>
    %select_n3A_353 = arith.select %eq3A_350, %iota3A, %broadcast_in_dim3A_352 : vector<1024x1024xi1>, vector<1024x1024xi32>
    %reduce_min3A_354 = arith.constant dense<2147483647> : vector<1024xi32>
    %reduce_min3A_355 = vector.multi_reduction <minsi>, %select_n3A_353, %reduce_min3A_354 [1] : vector<1024x1024xi32> to vector<1024xi32>
    %add3A_356 = vector.broadcast %mul3A_16 : i32 to vector<1024xi32>
    %add3A_357 = arith.addi %reduce_min3A_355, %add3A_356 : vector<1024xi32>
    %swap3A_358 = arith.constant 0 : index
    %swap3A_359 = arith.constant 14 : index
    %swap3A_360 = arith.constant 0 : index
    %swap3A_361 = vector.load %arg2[%swap3A_358, %swap3A_359, %swap3A_360] : memref<1x20x1024xi32, #tpu.memory_space<vmem>>, vector<1x1x1024xi32>
    %swap3A_362 = vector.shape_cast %swap3A_361 : vector<1x1x1024xi32> to vector<1024xi32>
    %swap3A_363 = vector.shape_cast %add3A_357 : vector<1024xi32> to vector<1x1x1024xi32>
    tpu.vector_store %arg2[%swap3A_358, %swap3A_359, %swap3A_360], %swap3A_363 {strides = array<i32>} : memref<1x20x1024xi32, #tpu.memory_space<vmem>>, vector<1x1x1024xi32>,
    %broadcast_in_dim3A_364 = vector.shape_cast %reduce_min3A_355 : vector<1024xi32> to vector<1024x1xi32>
    %eq3A_365 = vector.broadcast %broadcast_in_dim3A_364 : vector<1024x1xi32> to vector<1024x1024xi32>
    %eq3A_366 = arith.cmpi eq, %iota3A, %eq3A_365 : vector<1024x1024xi32>
    %jit3A_367 = arith.constant 0xFF800000 : f32
    %broadcast_in_dim3A_368 = vector.broadcast %jit3A_367 : f32 to vector<1024x1024xf32>
    %select_n3A_369 = arith.select %eq3A_366, %broadcast_in_dim3A_368, %select_n3A_345 : vector<1024x1024xi1>, vector<1024x1024xf32>
    %reduce_max3A_370 = arith.constant dense<0xFF800000> : vector<1024xf32>
    %reduce_max3A_371 = vector.multi_reduction <maximumf>, %select_n3A_369, %reduce_max3A_370 [1] : vector<1024x1024xf32> to vector<1024xf32>
    %broadcast_in_dim3A_372 = vector.shape_cast %reduce_max3A_371 : vector<1024xf32> to vector<1024x1xf32>
    %eq3A_373 = vector.broadcast %broadcast_in_dim3A_372 : vector<1024x1xf32> to vector<1024x1024xf32>
    %eq3A_374 = arith.cmpf oeq, %select_n3A_369, %eq3A_373 : vector<1024x1024xf32>
    %jit3A_375 = arith.constant 1024 : i32
    %broadcast_in_dim3A_376 = vector.broadcast %jit3A_375 : i32 to vector<1024x1024xi32>
    %select_n3A_377 = arith.select %eq3A_374, %iota3A, %broadcast_in_dim3A_376 : vector<1024x1024xi1>, vector<1024x1024xi32>
    %reduce_min3A_378 = arith.constant dense<2147483647> : vector<1024xi32>
    %reduce_min3A_379 = vector.multi_reduction <minsi>, %select_n3A_377, %reduce_min3A_378 [1] : vector<1024x1024xi32> to vector<1024xi32>
    %add3A_380 = vector.broadcast %mul3A_16 : i32 to vector<1024xi32>
    %add3A_381 = arith.addi %reduce_min3A_379, %add3A_380 : vector<1024xi32>
    %swap3A_382 = arith.constant 0 : index
    %swap3A_383 = arith.constant 15 : index
    %swap3A_384 = arith.constant 0 : index
    %swap3A_385 = vector.load %arg2[%swap3A_382, %swap3A_383, %swap3A_384] : memref<1x20x1024xi32, #tpu.memory_space<vmem>>, vector<1x1x1024xi32>
    %swap3A_386 = vector.shape_cast %swap3A_385 : vector<1x1x1024xi32> to vector<1024xi32>
    %swap3A_387 = vector.shape_cast %add3A_381 : vector<1024xi32> to vector<1x1x1024xi32>
    tpu.vector_store %arg2[%swap3A_382, %swap3A_383, %swap3A_384], %swap3A_387 {strides = array<i32>} : memref<1x20x1024xi32, #tpu.memory_space<vmem>>, vector<1x1x1024xi32>,
    %broadcast_in_dim3A_388 = vector.shape_cast %reduce_min3A_379 : vector<1024xi32> to vector<1024x1xi32>
    %eq3A_389 = vector.broadcast %broadcast_in_dim3A_388 : vector<1024x1xi32> to vector<1024x1024xi32>
    %eq3A_390 = arith.cmpi eq, %iota3A, %eq3A_389 : vector<1024x1024xi32>
    %jit3A_391 = arith.constant 0xFF800000 : f32
    %broadcast_in_dim3A_392 = vector.broadcast %jit3A_391 : f32 to vector<1024x1024xf32>
    %select_n3A_393 = arith.select %eq3A_390, %broadcast_in_dim3A_392, %select_n3A_369 : vector<1024x1024xi1>, vector<1024x1024xf32>
    %reduce_max3A_394 = arith.constant dense<0xFF800000> : vector<1024xf32>
    %reduce_max3A_395 = vector.multi_reduction <maximumf>, %select_n3A_393, %reduce_max3A_394 [1] : vector<1024x1024xf32> to vector<1024xf32>
    %broadcast_in_dim3A_396 = vector.shape_cast %reduce_max3A_395 : vector<1024xf32> to vector<1024x1xf32>
    %eq3A_397 = vector.broadcast %broadcast_in_dim3A_396 : vector<1024x1xf32> to vector<1024x1024xf32>
    %eq3A_398 = arith.cmpf oeq, %select_n3A_393, %eq3A_397 : vector<1024x1024xf32>
    %jit3A_399 = arith.constant 1024 : i32
    %broadcast_in_dim3A_400 = vector.broadcast %jit3A_399 : i32 to vector<1024x1024xi32>
    %select_n3A_401 = arith.select %eq3A_398, %iota3A, %broadcast_in_dim3A_400 : vector<1024x1024xi1>, vector<1024x1024xi32>
    %reduce_min3A_402 = arith.constant dense<2147483647> : vector<1024xi32>
    %reduce_min3A_403 = vector.multi_reduction <minsi>, %select_n3A_401, %reduce_min3A_402 [1] : vector<1024x1024xi32> to vector<1024xi32>
    %add3A_404 = vector.broadcast %mul3A_16 : i32 to vector<1024xi32>
    %add3A_405 = arith.addi %reduce_min3A_403, %add3A_404 : vector<1024xi32>
    %swap3A_406 = arith.constant 0 : index
    %swap3A_407 = arith.constant 16 : index
    %swap3A_408 = arith.constant 0 : index
    %swap3A_409 = vector.load %arg2[%swap3A_406, %swap3A_407, %swap3A_408] : memref<1x20x1024xi32, #tpu.memory_space<vmem>>, vector<1x1x1024xi32>
    %swap3A_410 = vector.shape_cast %swap3A_409 : vector<1x1x1024xi32> to vector<1024xi32>
    %swap3A_411 = vector.shape_cast %add3A_405 : vector<1024xi32> to vector<1x1x1024xi32>
    tpu.vector_store %arg2[%swap3A_406, %swap3A_407, %swap3A_408], %swap3A_411 {strides = array<i32>} : memref<1x20x1024xi32, #tpu.memory_space<vmem>>, vector<1x1x1024xi32>,
    %broadcast_in_dim3A_412 = vector.shape_cast %reduce_min3A_403 : vector<1024xi32> to vector<1024x1xi32>
    %eq3A_413 = vector.broadcast %broadcast_in_dim3A_412 : vector<1024x1xi32> to vector<1024x1024xi32>
    %eq3A_414 = arith.cmpi eq, %iota3A, %eq3A_413 : vector<1024x1024xi32>
    %jit3A_415 = arith.constant 0xFF800000 : f32
    %broadcast_in_dim3A_416 = vector.broadcast %jit3A_415 : f32 to vector<1024x1024xf32>
    %select_n3A_417 = arith.select %eq3A_414, %broadcast_in_dim3A_416, %select_n3A_393 : vector<1024x1024xi1>, vector<1024x1024xf32>
    %reduce_max3A_418 = arith.constant dense<0xFF800000> : vector<1024xf32>
    %reduce_max3A_419 = vector.multi_reduction <maximumf>, %select_n3A_417, %reduce_max3A_418 [1] : vector<1024x1024xf32> to vector<1024xf32>
    %broadcast_in_dim3A_420 = vector.shape_cast %reduce_max3A_419 : vector<1024xf32> to vector<1024x1xf32>
    %eq3A_421 = vector.broadcast %broadcast_in_dim3A_420 : vector<1024x1xf32> to vector<1024x1024xf32>
    %eq3A_422 = arith.cmpf oeq, %select_n3A_417, %eq3A_421 : vector<1024x1024xf32>
    %jit3A_423 = arith.constant 1024 : i32
    %broadcast_in_dim3A_424 = vector.broadcast %jit3A_423 : i32 to vector<1024x1024xi32>
    %select_n3A_425 = arith.select %eq3A_422, %iota3A, %broadcast_in_dim3A_424 : vector<1024x1024xi1>, vector<1024x1024xi32>
    %reduce_min3A_426 = arith.constant dense<2147483647> : vector<1024xi32>
    %reduce_min3A_427 = vector.multi_reduction <minsi>, %select_n3A_425, %reduce_min3A_426 [1] : vector<1024x1024xi32> to vector<1024xi32>
    %add3A_428 = vector.broadcast %mul3A_16 : i32 to vector<1024xi32>
    %add3A_429 = arith.addi %reduce_min3A_427, %add3A_428 : vector<1024xi32>
    %swap3A_430 = arith.constant 0 : index
    %swap3A_431 = arith.constant 17 : index
    %swap3A_432 = arith.constant 0 : index
    %swap3A_433 = vector.load %arg2[%swap3A_430, %swap3A_431, %swap3A_432] : memref<1x20x1024xi32, #tpu.memory_space<vmem>>, vector<1x1x1024xi32>
    %swap3A_434 = vector.shape_cast %swap3A_433 : vector<1x1x1024xi32> to vector<1024xi32>
    %swap3A_435 = vector.shape_cast %add3A_429 : vector<1024xi32> to vector<1x1x1024xi32>
    tpu.vector_store %arg2[%swap3A_430, %swap3A_431, %swap3A_432], %swap3A_435 {strides = array<i32>} : memref<1x20x1024xi32, #tpu.memory_space<vmem>>, vector<1x1x1024xi32>,
    %broadcast_in_dim3A_436 = vector.shape_cast %reduce_min3A_427 : vector<1024xi32> to vector<1024x1xi32>
    %eq3A_437 = vector.broadcast %broadcast_in_dim3A_436 : vector<1024x1xi32> to vector<1024x1024xi32>
    %eq3A_438 = arith.cmpi eq, %iota3A, %eq3A_437 : vector<1024x1024xi32>
    %jit3A_439 = arith.constant 0xFF800000 : f32
    %broadcast_in_dim3A_440 = vector.broadcast %jit3A_439 : f32 to vector<1024x1024xf32>
    %select_n3A_441 = arith.select %eq3A_438, %broadcast_in_dim3A_440, %select_n3A_417 : vector<1024x1024xi1>, vector<1024x1024xf32>
    %reduce_max3A_442 = arith.constant dense<0xFF800000> : vector<1024xf32>
    %reduce_max3A_443 = vector.multi_reduction <maximumf>, %select_n3A_441, %reduce_max3A_442 [1] : vector<1024x1024xf32> to vector<1024xf32>
    %broadcast_in_dim3A_444 = vector.shape_cast %reduce_max3A_443 : vector<1024xf32> to vector<1024x1xf32>
    %eq3A_445 = vector.broadcast %broadcast_in_dim3A_444 : vector<1024x1xf32> to vector<1024x1024xf32>
    %eq3A_446 = arith.cmpf oeq, %select_n3A_441, %eq3A_445 : vector<1024x1024xf32>
    %jit3A_447 = arith.constant 1024 : i32
    %broadcast_in_dim3A_448 = vector.broadcast %jit3A_447 : i32 to vector<1024x1024xi32>
    %select_n3A_449 = arith.select %eq3A_446, %iota3A, %broadcast_in_dim3A_448 : vector<1024x1024xi1>, vector<1024x1024xi32>
    %reduce_min3A_450 = arith.constant dense<2147483647> : vector<1024xi32>
    %reduce_min3A_451 = vector.multi_reduction <minsi>, %select_n3A_449, %reduce_min3A_450 [1] : vector<1024x1024xi32> to vector<1024xi32>
    %add3A_452 = vector.broadcast %mul3A_16 : i32 to vector<1024xi32>
    %add3A_453 = arith.addi %reduce_min3A_451, %add3A_452 : vector<1024xi32>
    %swap3A_454 = arith.constant 0 : index
    %swap3A_455 = arith.constant 18 : index
    %swap3A_456 = arith.constant 0 : index
    %swap3A_457 = vector.load %arg2[%swap3A_454, %swap3A_455, %swap3A_456] : memref<1x20x1024xi32, #tpu.memory_space<vmem>>, vector<1x1x1024xi32>
    %swap3A_458 = vector.shape_cast %swap3A_457 : vector<1x1x1024xi32> to vector<1024xi32>
    %swap3A_459 = vector.shape_cast %add3A_453 : vector<1024xi32> to vector<1x1x1024xi32>
    tpu.vector_store %arg2[%swap3A_454, %swap3A_455, %swap3A_456], %swap3A_459 {strides = array<i32>} : memref<1x20x1024xi32, #tpu.memory_space<vmem>>, vector<1x1x1024xi32>,
    %broadcast_in_dim3A_460 = vector.shape_cast %reduce_min3A_451 : vector<1024xi32> to vector<1024x1xi32>
    %eq3A_461 = vector.broadcast %broadcast_in_dim3A_460 : vector<1024x1xi32> to vector<1024x1024xi32>
    %eq3A_462 = arith.cmpi eq, %iota3A, %eq3A_461 : vector<1024x1024xi32>
    %jit3A_463 = arith.constant 0xFF800000 : f32
    %broadcast_in_dim3A_464 = vector.broadcast %jit3A_463 : f32 to vector<1024x1024xf32>
    %select_n3A_465 = arith.select %eq3A_462, %broadcast_in_dim3A_464, %select_n3A_441 : vector<1024x1024xi1>, vector<1024x1024xf32>
    %reduce_max3A_466 = arith.constant dense<0xFF800000> : vector<1024xf32>
    %reduce_max3A_467 = vector.multi_reduction <maximumf>, %select_n3A_465, %reduce_max3A_466 [1] : vector<1024x1024xf32> to vector<1024xf32>
    %broadcast_in_dim3A_468 = vector.shape_cast %reduce_max3A_467 : vector<1024xf32> to vector<1024x1xf32>
    %eq3A_469 = vector.broadcast %broadcast_in_dim3A_468 : vector<1024x1xf32> to vector<1024x1024xf32>
    %eq3A_470 = arith.cmpf oeq, %select_n3A_465, %eq3A_469 : vector<1024x1024xf32>
    %jit3A_471 = arith.constant 1024 : i32
    %broadcast_in_dim3A_472 = vector.broadcast %jit3A_471 : i32 to vector<1024x1024xi32>
    %select_n3A_473 = arith.select %eq3A_470, %iota3A, %broadcast_in_dim3A_472 : vector<1024x1024xi1>, vector<1024x1024xi32>
    %reduce_min3A_474 = arith.constant dense<2147483647> : vector<1024xi32>
    %reduce_min3A_475 = vector.multi_reduction <minsi>, %select_n3A_473, %reduce_min3A_474 [1] : vector<1024x1024xi32> to vector<1024xi32>
    %add3A_476 = vector.broadcast %mul3A_16 : i32 to vector<1024xi32>
    %add3A_477 = arith.addi %reduce_min3A_475, %add3A_476 : vector<1024xi32>
    %swap3A_478 = arith.constant 0 : index
    %swap3A_479 = arith.constant 19 : index
    %swap3A_480 = arith.constant 0 : index
    %swap3A_481 = vector.load %arg2[%swap3A_478, %swap3A_479, %swap3A_480] : memref<1x20x1024xi32, #tpu.memory_space<vmem>>, vector<1x1x1024xi32>
    %swap3A_482 = vector.shape_cast %swap3A_481 : vector<1x1x1024xi32> to vector<1024xi32>
    %swap3A_483 = vector.shape_cast %add3A_477 : vector<1024xi32> to vector<1x1x1024xi32>
    tpu.vector_store %arg2[%swap3A_478, %swap3A_479, %swap3A_480], %swap3A_483 {strides = array<i32>} : memref<1x20x1024xi32, #tpu.memory_space<vmem>>, vector<1x1x1024xi32>,
    return
  }
  func.func @transform_0(%arg0: i32) -> (i32, i32, i32) {
    %c0_i32 = arith.constant 0 : i32
    %c0_i32_0 = arith.constant 0 : i32
    %c0_i32_1 = arith.constant 0 : i32
    return %arg0, %c0_i32, %c0_i32_0 : i32, i32, i32
  }
  func.func @transform_1(%arg0: i32) -> (i32, i32, i32) {
    %c0_i32 = arith.constant 0 : i32
    %c0_i32_0 = arith.constant 0 : i32
    %c0_i32_1 = arith.constant 0 : i32
    return %arg0, %c0_i32, %c0_i32_0 : i32, i32, i32
  }
}

module attributes {stable_mosaic.version = 14 : i64} {
  func.func @_conv_max_body(%arg0: i32, %arg1: i32, %arg2: i32, %arg3: memref<1x1x512x128xf32, #tpu.memory_space<vmem>>, %arg4: memref<1x512x3xf32, #tpu.memory_space<vmem>>, %arg5: memref<8x64xf32, #tpu.memory_space<vmem>>, %arg6: memref<1x64xf32, #tpu.memory_space<vmem>>, %arg7: memref<1x512x64xf32, #tpu.memory_space<vmem>>) attributes {dimension_semantics = [#tpu.dimension_semantics<arbitrary>, #tpu.dimension_semantics<arbitrary>, #tpu.dimension_semantics<arbitrary>], iteration_bounds = array<i64: 8, 2, 20>, scalar_prefetch = 0 : i64, scratch_operands = 0 : i64, tpu.core_type = #tpu.core_type<tc>, window_params = [{transform_indices = @transform_0, window_bounds = array<i64: 1, 1, 512, 128>}, {transform_indices = @transform_1, window_bounds = array<i64: 1, 512, 3>}, {pipeline_mode = #tpu.pipeline_mode<synchronous>, transform_indices = @transform_2, window_bounds = array<i64: 8, 64>}, {pipeline_mode = #tpu.pipeline_mode<synchronous>, transform_indices = @transform_3, window_bounds = array<i64: 1, 64>}, {transform_indices = @transform_4, window_bounds = array<i64: 1, 512, 64>}]} {
    %get3A = arith.constant 0 : index
    %get3A_0 = arith.constant 0 : index
    %get3A_1 = arith.constant 0 : index
    %get3A_2 = vector.load %arg4[%get3A, %get3A_0, %get3A_1] : memref<1x512x3xf32, #tpu.memory_space<vmem>>, vector<1x512x3xf32>
    %get3A_3 = vector.shape_cast %get3A_2 : vector<1x512x3xf32> to vector<512x3xf32>
    %get3A_4 = arith.constant 0 : index
    %get3A_5 = arith.constant 0 : index
    %get3A_6 = arith.constant 0 : index
    %get3A_7 = arith.constant 0 : index
    %get3A_8 = vector.load %arg3[%get3A_4, %get3A_5, %get3A_6, %get3A_7] : memref<1x1x512x128xf32, #tpu.memory_space<vmem>>, vector<1x1x512x128xf32>
    %get3A_9 = vector.shape_cast %get3A_8 : vector<1x1x512x128xf32> to vector<512x128xf32>
    %slice3A = vector.extract_strided_slice %get3A_9 {offsets = [0, 0], sizes = [512, 3], strides = [1, 1]} : vector<512x128xf32> to vector<512x3xf32>
    %sub3A = arith.subf %slice3A, %get3A_3 : vector<512x3xf32>
    %broadcast_in_dim3A = arith.constant 0.000000e+00 : f32
    %broadcast_in_dim3A_10 = vector.broadcast %broadcast_in_dim3A : f32 to vector<512x2xf32>
    %concatenate3A = tpu.concatenate %sub3A, %get3A_3, %broadcast_in_dim3A_10 in 1 : vector<512x3xf32>, vector<512x3xf32>, vector<512x2xf32> -> vector<512x8xf32>
    %get3A_11 = arith.constant 0 : index
    %get3A_12 = arith.constant 0 : index
    %get3A_13 = vector.load %arg5[%get3A_11, %get3A_12] : memref<8x64xf32, #tpu.memory_space<vmem>>, vector<8x64xf32>
    %dot_general3A = arith.constant dense<0.000000e+00> : vector<512x64xf32>
    %dot_general3A_14 = tpu.matmul %concatenate3A, %get3A_13, %dot_general3A {dimension_numbers = #tpu.dot_dimension_numbers<[1], [0], [0], [1], [0, 0, 1, 1], [], []>, transpose_lhs_hint = false} : vector<512x8xf32>, vector<8x64xf32>, vector<512x64xf32> -> vector<512x64xf32>
    %get3A_15 = arith.constant 0 : index
    %get3A_16 = arith.constant 0 : index
    %get3A_17 = vector.load %arg6[%get3A_15, %get3A_16] : memref<1x64xf32, #tpu.memory_space<vmem>>, vector<1x64xf32>
    %mul3A = vector.broadcast %get3A_17 : vector<1x64xf32> to vector<512x64xf32>
    %mul3A_18 = arith.mulf %dot_general3A_14, %mul3A : vector<512x64xf32>
    %eq3A = arith.constant 0 : i32
    %eq3A_19 = arith.cmpi eq, %arg2, %eq3A : i32
    %convert_element_type3A = arith.extui %eq3A_19 : i1 to i32
    %cond3A = arith.constant 0 : i32
    %cond3A_20 = arith.cmpi ne, %convert_element_type3A, %cond3A : i32
    scf.if %cond3A_20 {
      %swap3A = arith.constant 0 : index
      %swap3A_25 = arith.constant 0 : index
      %swap3A_26 = arith.constant 0 : index
      %swap3A_27 = vector.load %arg7[%swap3A, %swap3A_25, %swap3A_26] : memref<1x512x64xf32, #tpu.memory_space<vmem>>, vector<1x512x64xf32>
      %swap3A_28 = vector.shape_cast %swap3A_27 : vector<1x512x64xf32> to vector<512x64xf32>
      %swap3A_29 = vector.shape_cast %mul3A_18 : vector<512x64xf32> to vector<1x512x64xf32>
      tpu.vector_store %arg7[%swap3A, %swap3A_25, %swap3A_26], %swap3A_29 {strides = array<i32>} : memref<1x512x64xf32, #tpu.memory_space<vmem>>, vector<1x512x64xf32>,
    } else {
    }
    %gt3A = arith.constant 0 : i32
    %gt3A_21 = arith.cmpi sgt, %arg2, %gt3A : i32
    %convert_element_type3A_22 = arith.extui %gt3A_21 : i1 to i32
    %cond3A_23 = arith.constant 0 : i32
    %cond3A_24 = arith.cmpi ne, %convert_element_type3A_22, %cond3A_23 : i32
    scf.if %cond3A_24 {
      %get3A_25 = arith.constant 0 : index
      %get3A_26 = arith.constant 0 : index
      %get3A_27 = arith.constant 0 : index
      %get3A_28 = vector.load %arg7[%get3A_25, %get3A_26, %get3A_27] : memref<1x512x64xf32, #tpu.memory_space<vmem>>, vector<1x512x64xf32>
      %get3A_29 = vector.shape_cast %get3A_28 : vector<1x512x64xf32> to vector<512x64xf32>
      %max3A = arith.maximumf %get3A_29, %mul3A_18 : vector<512x64xf32>
      %swap3A = arith.constant 0 : index
      %swap3A_30 = arith.constant 0 : index
      %swap3A_31 = arith.constant 0 : index
      %swap3A_32 = vector.load %arg7[%swap3A, %swap3A_30, %swap3A_31] : memref<1x512x64xf32, #tpu.memory_space<vmem>>, vector<1x512x64xf32>
      %swap3A_33 = vector.shape_cast %swap3A_32 : vector<1x512x64xf32> to vector<512x64xf32>
      %swap3A_34 = vector.shape_cast %max3A : vector<512x64xf32> to vector<1x512x64xf32>
      tpu.vector_store %arg7[%swap3A, %swap3A_30, %swap3A_31], %swap3A_34 {strides = array<i32>} : memref<1x512x64xf32, #tpu.memory_space<vmem>>, vector<1x512x64xf32>,
    } else {
    }
    return
  }
  func.func @transform_0(%arg0: i32, %arg1: i32, %arg2: i32) -> (i32, i32, i32, i32) {
    %c0_i32 = arith.constant 0 : i32
    %c0_i32_0 = arith.constant 0 : i32
    return %arg2, %arg0, %arg1, %c0_i32 : i32, i32, i32, i32
  }
  func.func @transform_1(%arg0: i32, %arg1: i32, %arg2: i32) -> (i32, i32, i32) {
    %c0_i32 = arith.constant 0 : i32
    %c0_i32_0 = arith.constant 0 : i32
    return %arg0, %arg1, %c0_i32 : i32, i32, i32
  }
  func.func @transform_2(%arg0: i32, %arg1: i32, %arg2: i32) -> (i32, i32) {
    %c0_i32 = arith.constant 0 : i32
    %c0_i32_0 = arith.constant 0 : i32
    %c0_i32_1 = arith.constant 0 : i32
    return %c0_i32, %c0_i32_0 : i32, i32
  }
  func.func @transform_3(%arg0: i32, %arg1: i32, %arg2: i32) -> (i32, i32) {
    %c0_i32 = arith.constant 0 : i32
    %c0_i32_0 = arith.constant 0 : i32
    %c0_i32_1 = arith.constant 0 : i32
    return %c0_i32, %c0_i32_0 : i32, i32
  }
  func.func @transform_4(%arg0: i32, %arg1: i32, %arg2: i32) -> (i32, i32, i32) {
    %c0_i32 = arith.constant 0 : i32
    %c0_i32_0 = arith.constant 0 : i32
    return %arg0, %arg1, %c0_i32 : i32, i32, i32
  }
}

module attributes {stable_mosaic.version = 14 : i64} {
  func.func @_transpose_body(%arg0: i32, %arg1: memref<1x1024x64xf32, #tpu.memory_space<vmem>>, %arg2: memref<1x64x1024xf32, #tpu.memory_space<vmem>>) attributes {dimension_semantics = [#tpu.dimension_semantics<arbitrary>], iteration_bounds = array<i64: 8>, scalar_prefetch = 0 : i64, scratch_operands = 0 : i64, tpu.core_type = #tpu.core_type<tc>, window_params = [{transform_indices = @transform_0, window_bounds = array<i64: 1, 1024, 64>}, {transform_indices = @transform_1, window_bounds = array<i64: 1, 64, 1024>}]} {
    %get3A = arith.constant 0 : index
    %get3A_0 = arith.constant 0 : index
    %get3A_1 = arith.constant 0 : index
    %get3A_2 = vector.load %arg1[%get3A, %get3A_0, %get3A_1] : memref<1x1024x64xf32, #tpu.memory_space<vmem>>, vector<1x1024x64xf32>
    %get3A_3 = vector.shape_cast %get3A_2 : vector<1x1024x64xf32> to vector<1024x64xf32>
    %transpose3A = tpu.transpose %get3A_3, [1, 0] : vector<1024x64xf32> -> vector<64x1024xf32>
    %swap3A = arith.constant 0 : index
    %swap3A_4 = arith.constant 0 : index
    %swap3A_5 = arith.constant 0 : index
    %swap3A_6 = vector.load %arg2[%swap3A, %swap3A_4, %swap3A_5] : memref<1x64x1024xf32, #tpu.memory_space<vmem>>, vector<1x64x1024xf32>
    %swap3A_7 = vector.shape_cast %swap3A_6 : vector<1x64x1024xf32> to vector<64x1024xf32>
    %swap3A_8 = vector.shape_cast %transpose3A : vector<64x1024xf32> to vector<1x64x1024xf32>
    tpu.vector_store %arg2[%swap3A, %swap3A_4, %swap3A_5], %swap3A_8 {strides = array<i32>} : memref<1x64x1024xf32, #tpu.memory_space<vmem>>, vector<1x64x1024xf32>,
    return
  }
  func.func @transform_0(%arg0: i32) -> (i32, i32, i32) {
    %c0_i32 = arith.constant 0 : i32
    %c0_i32_0 = arith.constant 0 : i32
    %c0_i32_1 = arith.constant 0 : i32
    return %arg0, %c0_i32, %c0_i32_0 : i32, i32, i32
  }
  func.func @transform_1(%arg0: i32) -> (i32, i32, i32) {
    %c0_i32 = arith.constant 0 : i32
    %c0_i32_0 = arith.constant 0 : i32
    %c0_i32_1 = arith.constant 0 : i32
    return %arg0, %c0_i32, %c0_i32_0 : i32, i32, i32
  }
}

module attributes {stable_mosaic.version = 14 : i64} {
  func.func @_knn_tc_body(%arg0: i32, %arg1: memref<1x1024x64xf32, #tpu.memory_space<vmem>>, %arg2: memref<1x20x1024xi32, #tpu.memory_space<vmem>>) attributes {dimension_semantics = [#tpu.dimension_semantics<arbitrary>], iteration_bounds = array<i64: 8>, scalar_prefetch = 0 : i64, scratch_operands = 0 : i64, tpu.core_type = #tpu.core_type<tc>, window_params = [{transform_indices = @transform_0, window_bounds = array<i64: 1, 1024, 64>}, {transform_indices = @transform_1, window_bounds = array<i64: 1, 20, 1024>}]} {
    %get3A = arith.constant 0 : index
    %get3A_0 = arith.constant 0 : index
    %get3A_1 = arith.constant 0 : index
    %get3A_2 = vector.load %arg1[%get3A, %get3A_0, %get3A_1] : memref<1x1024x64xf32, #tpu.memory_space<vmem>>, vector<1x1024x64xf32>
    %get3A_3 = vector.shape_cast %get3A_2 : vector<1x1024x64xf32> to vector<1024x64xf32>
    %dot_general3A = arith.constant dense<0.000000e+00> : vector<1024x1024xf32>
    %dot_general3A_4 = tpu.matmul %get3A_3, %get3A_3, %dot_general3A {dimension_numbers = #tpu.dot_dimension_numbers<[1], [1], [0], [0], [0, 0, 1, 0], [], []>, transpose_lhs_hint = false} : vector<1024x64xf32>, vector<1024x64xf32>, vector<1024x1024xf32> -> vector<1024x1024xf32>
    %mul3A = arith.constant -2.000000e+00 : f32
    %mul3A_5 = vector.broadcast %mul3A : f32 to vector<1024x1024xf32>
    %mul3A_6 = arith.mulf %mul3A_5, %dot_general3A_4 : vector<1024x1024xf32>
    %mul3A_7 = arith.mulf %get3A_3, %get3A_3 : vector<1024x64xf32>
    %reduce_sum3A = arith.constant dense<0.000000e+00> : vector<1024xf32>
    %reduce_sum3A_8 = vector.multi_reduction <add>, %mul3A_7, %reduce_sum3A [1] : vector<1024x64xf32> to vector<1024xf32>
    %broadcast_in_dim3A = vector.shape_cast %reduce_sum3A_8 : vector<1024xf32> to vector<1024x1xf32>
    %neg3A = arith.constant 0.000000e+00 : f32
    %neg3A_9 = vector.broadcast %neg3A : f32 to vector<1024x1xf32>
    %neg3A_10 = arith.subf %neg3A_9, %broadcast_in_dim3A : vector<1024x1xf32>
    %sub3A = vector.broadcast %neg3A_10 : vector<1024x1xf32> to vector<1024x1024xf32>
    %sub3A_11 = arith.subf %sub3A, %mul3A_6 : vector<1024x1024xf32>
    %broadcast_in_dim3A_12 = vector.shape_cast %reduce_sum3A_8 : vector<1024xf32> to vector<1x1024xf32>
    %sub3A_13 = vector.broadcast %broadcast_in_dim3A_12 : vector<1x1024xf32> to vector<1024x1024xf32>
    %sub3A_14 = arith.subf %sub3A_11, %sub3A_13 : vector<1024x1024xf32>
    %iota3A = tpu.iota {dimensions = array<i32: 1>} : vector<1024x1024xi32>
    %mul3A_15 = arith.constant 1024 : i32
    %mul3A_16 = arith.muli %arg0, %mul3A_15 : i32
    %reduce_max3A = arith.constant dense<0xFF800000> : vector<1024xf32>
    %reduce_max3A_17 = vector.multi_reduction <maximumf>, %sub3A_14, %reduce_max3A [1] : vector<1024x1024xf32> to vector<1024xf32>
    %broadcast_in_dim3A_18 = vector.shape_cast %reduce_max3A_17 : vector<1024xf32> to vector<1024x1xf32>
    %eq3A = vector.broadcast %broadcast_in_dim3A_18 : vector<1024x1xf32> to vector<1024x1024xf32>
    %eq3A_19 = arith.cmpf oeq, %sub3A_14, %eq3A : vector<1024x1024xf32>
    %jit3A = arith.constant 1024 : i32
    %broadcast_in_dim3A_20 = vector.broadcast %jit3A : i32 to vector<1024x1024xi32>
    %select_n3A = arith.select %eq3A_19, %iota3A, %broadcast_in_dim3A_20 : vector<1024x1024xi1>, vector<1024x1024xi32>
    %reduce_min3A = arith.constant dense<2147483647> : vector<1024xi32>
    %reduce_min3A_21 = vector.multi_reduction <minsi>, %select_n3A, %reduce_min3A [1] : vector<1024x1024xi32> to vector<1024xi32>
    %add3A = vector.broadcast %mul3A_16 : i32 to vector<1024xi32>
    %add3A_22 = arith.addi %reduce_min3A_21, %add3A : vector<1024xi32>
    %swap3A = arith.constant 0 : index
    %swap3A_23 = arith.constant 0 : index
    %swap3A_24 = arith.constant 0 : index
    %swap3A_25 = vector.load %arg2[%swap3A, %swap3A_23, %swap3A_24] : memref<1x20x1024xi32, #tpu.memory_space<vmem>>, vector<1x1x1024xi32>
    %swap3A_26 = vector.shape_cast %swap3A_25 : vector<1x1x1024xi32> to vector<1024xi32>
    %swap3A_27 = vector.shape_cast %add3A_22 : vector<1024xi32> to vector<1x1x1024xi32>
    tpu.vector_store %arg2[%swap3A, %swap3A_23, %swap3A_24], %swap3A_27 {strides = array<i32>} : memref<1x20x1024xi32, #tpu.memory_space<vmem>>, vector<1x1x1024xi32>,
    %broadcast_in_dim3A_28 = vector.shape_cast %reduce_min3A_21 : vector<1024xi32> to vector<1024x1xi32>
    %eq3A_29 = vector.broadcast %broadcast_in_dim3A_28 : vector<1024x1xi32> to vector<1024x1024xi32>
    %eq3A_30 = arith.cmpi eq, %iota3A, %eq3A_29 : vector<1024x1024xi32>
    %jit3A_31 = arith.constant 0xFF800000 : f32
    %broadcast_in_dim3A_32 = vector.broadcast %jit3A_31 : f32 to vector<1024x1024xf32>
    %select_n3A_33 = arith.select %eq3A_30, %broadcast_in_dim3A_32, %sub3A_14 : vector<1024x1024xi1>, vector<1024x1024xf32>
    %reduce_max3A_34 = arith.constant dense<0xFF800000> : vector<1024xf32>
    %reduce_max3A_35 = vector.multi_reduction <maximumf>, %select_n3A_33, %reduce_max3A_34 [1] : vector<1024x1024xf32> to vector<1024xf32>
    %broadcast_in_dim3A_36 = vector.shape_cast %reduce_max3A_35 : vector<1024xf32> to vector<1024x1xf32>
    %eq3A_37 = vector.broadcast %broadcast_in_dim3A_36 : vector<1024x1xf32> to vector<1024x1024xf32>
    %eq3A_38 = arith.cmpf oeq, %select_n3A_33, %eq3A_37 : vector<1024x1024xf32>
    %jit3A_39 = arith.constant 1024 : i32
    %broadcast_in_dim3A_40 = vector.broadcast %jit3A_39 : i32 to vector<1024x1024xi32>
    %select_n3A_41 = arith.select %eq3A_38, %iota3A, %broadcast_in_dim3A_40 : vector<1024x1024xi1>, vector<1024x1024xi32>
    %reduce_min3A_42 = arith.constant dense<2147483647> : vector<1024xi32>
    %reduce_min3A_43 = vector.multi_reduction <minsi>, %select_n3A_41, %reduce_min3A_42 [1] : vector<1024x1024xi32> to vector<1024xi32>
    %add3A_44 = vector.broadcast %mul3A_16 : i32 to vector<1024xi32>
    %add3A_45 = arith.addi %reduce_min3A_43, %add3A_44 : vector<1024xi32>
    %swap3A_46 = arith.constant 0 : index
    %swap3A_47 = arith.constant 1 : index
    %swap3A_48 = arith.constant 0 : index
    %swap3A_49 = vector.load %arg2[%swap3A_46, %swap3A_47, %swap3A_48] : memref<1x20x1024xi32, #tpu.memory_space<vmem>>, vector<1x1x1024xi32>
    %swap3A_50 = vector.shape_cast %swap3A_49 : vector<1x1x1024xi32> to vector<1024xi32>
    %swap3A_51 = vector.shape_cast %add3A_45 : vector<1024xi32> to vector<1x1x1024xi32>
    tpu.vector_store %arg2[%swap3A_46, %swap3A_47, %swap3A_48], %swap3A_51 {strides = array<i32>} : memref<1x20x1024xi32, #tpu.memory_space<vmem>>, vector<1x1x1024xi32>,
    %broadcast_in_dim3A_52 = vector.shape_cast %reduce_min3A_43 : vector<1024xi32> to vector<1024x1xi32>
    %eq3A_53 = vector.broadcast %broadcast_in_dim3A_52 : vector<1024x1xi32> to vector<1024x1024xi32>
    %eq3A_54 = arith.cmpi eq, %iota3A, %eq3A_53 : vector<1024x1024xi32>
    %jit3A_55 = arith.constant 0xFF800000 : f32
    %broadcast_in_dim3A_56 = vector.broadcast %jit3A_55 : f32 to vector<1024x1024xf32>
    %select_n3A_57 = arith.select %eq3A_54, %broadcast_in_dim3A_56, %select_n3A_33 : vector<1024x1024xi1>, vector<1024x1024xf32>
    %reduce_max3A_58 = arith.constant dense<0xFF800000> : vector<1024xf32>
    %reduce_max3A_59 = vector.multi_reduction <maximumf>, %select_n3A_57, %reduce_max3A_58 [1] : vector<1024x1024xf32> to vector<1024xf32>
    %broadcast_in_dim3A_60 = vector.shape_cast %reduce_max3A_59 : vector<1024xf32> to vector<1024x1xf32>
    %eq3A_61 = vector.broadcast %broadcast_in_dim3A_60 : vector<1024x1xf32> to vector<1024x1024xf32>
    %eq3A_62 = arith.cmpf oeq, %select_n3A_57, %eq3A_61 : vector<1024x1024xf32>
    %jit3A_63 = arith.constant 1024 : i32
    %broadcast_in_dim3A_64 = vector.broadcast %jit3A_63 : i32 to vector<1024x1024xi32>
    %select_n3A_65 = arith.select %eq3A_62, %iota3A, %broadcast_in_dim3A_64 : vector<1024x1024xi1>, vector<1024x1024xi32>
    %reduce_min3A_66 = arith.constant dense<2147483647> : vector<1024xi32>
    %reduce_min3A_67 = vector.multi_reduction <minsi>, %select_n3A_65, %reduce_min3A_66 [1] : vector<1024x1024xi32> to vector<1024xi32>
    %add3A_68 = vector.broadcast %mul3A_16 : i32 to vector<1024xi32>
    %add3A_69 = arith.addi %reduce_min3A_67, %add3A_68 : vector<1024xi32>
    %swap3A_70 = arith.constant 0 : index
    %swap3A_71 = arith.constant 2 : index
    %swap3A_72 = arith.constant 0 : index
    %swap3A_73 = vector.load %arg2[%swap3A_70, %swap3A_71, %swap3A_72] : memref<1x20x1024xi32, #tpu.memory_space<vmem>>, vector<1x1x1024xi32>
    %swap3A_74 = vector.shape_cast %swap3A_73 : vector<1x1x1024xi32> to vector<1024xi32>
    %swap3A_75 = vector.shape_cast %add3A_69 : vector<1024xi32> to vector<1x1x1024xi32>
    tpu.vector_store %arg2[%swap3A_70, %swap3A_71, %swap3A_72], %swap3A_75 {strides = array<i32>} : memref<1x20x1024xi32, #tpu.memory_space<vmem>>, vector<1x1x1024xi32>,
    %broadcast_in_dim3A_76 = vector.shape_cast %reduce_min3A_67 : vector<1024xi32> to vector<1024x1xi32>
    %eq3A_77 = vector.broadcast %broadcast_in_dim3A_76 : vector<1024x1xi32> to vector<1024x1024xi32>
    %eq3A_78 = arith.cmpi eq, %iota3A, %eq3A_77 : vector<1024x1024xi32>
    %jit3A_79 = arith.constant 0xFF800000 : f32
    %broadcast_in_dim3A_80 = vector.broadcast %jit3A_79 : f32 to vector<1024x1024xf32>
    %select_n3A_81 = arith.select %eq3A_78, %broadcast_in_dim3A_80, %select_n3A_57 : vector<1024x1024xi1>, vector<1024x1024xf32>
    %reduce_max3A_82 = arith.constant dense<0xFF800000> : vector<1024xf32>
    %reduce_max3A_83 = vector.multi_reduction <maximumf>, %select_n3A_81, %reduce_max3A_82 [1] : vector<1024x1024xf32> to vector<1024xf32>
    %broadcast_in_dim3A_84 = vector.shape_cast %reduce_max3A_83 : vector<1024xf32> to vector<1024x1xf32>
    %eq3A_85 = vector.broadcast %broadcast_in_dim3A_84 : vector<1024x1xf32> to vector<1024x1024xf32>
    %eq3A_86 = arith.cmpf oeq, %select_n3A_81, %eq3A_85 : vector<1024x1024xf32>
    %jit3A_87 = arith.constant 1024 : i32
    %broadcast_in_dim3A_88 = vector.broadcast %jit3A_87 : i32 to vector<1024x1024xi32>
    %select_n3A_89 = arith.select %eq3A_86, %iota3A, %broadcast_in_dim3A_88 : vector<1024x1024xi1>, vector<1024x1024xi32>
    %reduce_min3A_90 = arith.constant dense<2147483647> : vector<1024xi32>
    %reduce_min3A_91 = vector.multi_reduction <minsi>, %select_n3A_89, %reduce_min3A_90 [1] : vector<1024x1024xi32> to vector<1024xi32>
    %add3A_92 = vector.broadcast %mul3A_16 : i32 to vector<1024xi32>
    %add3A_93 = arith.addi %reduce_min3A_91, %add3A_92 : vector<1024xi32>
    %swap3A_94 = arith.constant 0 : index
    %swap3A_95 = arith.constant 3 : index
    %swap3A_96 = arith.constant 0 : index
    %swap3A_97 = vector.load %arg2[%swap3A_94, %swap3A_95, %swap3A_96] : memref<1x20x1024xi32, #tpu.memory_space<vmem>>, vector<1x1x1024xi32>
    %swap3A_98 = vector.shape_cast %swap3A_97 : vector<1x1x1024xi32> to vector<1024xi32>
    %swap3A_99 = vector.shape_cast %add3A_93 : vector<1024xi32> to vector<1x1x1024xi32>
    tpu.vector_store %arg2[%swap3A_94, %swap3A_95, %swap3A_96], %swap3A_99 {strides = array<i32>} : memref<1x20x1024xi32, #tpu.memory_space<vmem>>, vector<1x1x1024xi32>,
    %broadcast_in_dim3A_100 = vector.shape_cast %reduce_min3A_91 : vector<1024xi32> to vector<1024x1xi32>
    %eq3A_101 = vector.broadcast %broadcast_in_dim3A_100 : vector<1024x1xi32> to vector<1024x1024xi32>
    %eq3A_102 = arith.cmpi eq, %iota3A, %eq3A_101 : vector<1024x1024xi32>
    %jit3A_103 = arith.constant 0xFF800000 : f32
    %broadcast_in_dim3A_104 = vector.broadcast %jit3A_103 : f32 to vector<1024x1024xf32>
    %select_n3A_105 = arith.select %eq3A_102, %broadcast_in_dim3A_104, %select_n3A_81 : vector<1024x1024xi1>, vector<1024x1024xf32>
    %reduce_max3A_106 = arith.constant dense<0xFF800000> : vector<1024xf32>
    %reduce_max3A_107 = vector.multi_reduction <maximumf>, %select_n3A_105, %reduce_max3A_106 [1] : vector<1024x1024xf32> to vector<1024xf32>
    %broadcast_in_dim3A_108 = vector.shape_cast %reduce_max3A_107 : vector<1024xf32> to vector<1024x1xf32>
    %eq3A_109 = vector.broadcast %broadcast_in_dim3A_108 : vector<1024x1xf32> to vector<1024x1024xf32>
    %eq3A_110 = arith.cmpf oeq, %select_n3A_105, %eq3A_109 : vector<1024x1024xf32>
    %jit3A_111 = arith.constant 1024 : i32
    %broadcast_in_dim3A_112 = vector.broadcast %jit3A_111 : i32 to vector<1024x1024xi32>
    %select_n3A_113 = arith.select %eq3A_110, %iota3A, %broadcast_in_dim3A_112 : vector<1024x1024xi1>, vector<1024x1024xi32>
    %reduce_min3A_114 = arith.constant dense<2147483647> : vector<1024xi32>
    %reduce_min3A_115 = vector.multi_reduction <minsi>, %select_n3A_113, %reduce_min3A_114 [1] : vector<1024x1024xi32> to vector<1024xi32>
    %add3A_116 = vector.broadcast %mul3A_16 : i32 to vector<1024xi32>
    %add3A_117 = arith.addi %reduce_min3A_115, %add3A_116 : vector<1024xi32>
    %swap3A_118 = arith.constant 0 : index
    %swap3A_119 = arith.constant 4 : index
    %swap3A_120 = arith.constant 0 : index
    %swap3A_121 = vector.load %arg2[%swap3A_118, %swap3A_119, %swap3A_120] : memref<1x20x1024xi32, #tpu.memory_space<vmem>>, vector<1x1x1024xi32>
    %swap3A_122 = vector.shape_cast %swap3A_121 : vector<1x1x1024xi32> to vector<1024xi32>
    %swap3A_123 = vector.shape_cast %add3A_117 : vector<1024xi32> to vector<1x1x1024xi32>
    tpu.vector_store %arg2[%swap3A_118, %swap3A_119, %swap3A_120], %swap3A_123 {strides = array<i32>} : memref<1x20x1024xi32, #tpu.memory_space<vmem>>, vector<1x1x1024xi32>,
    %broadcast_in_dim3A_124 = vector.shape_cast %reduce_min3A_115 : vector<1024xi32> to vector<1024x1xi32>
    %eq3A_125 = vector.broadcast %broadcast_in_dim3A_124 : vector<1024x1xi32> to vector<1024x1024xi32>
    %eq3A_126 = arith.cmpi eq, %iota3A, %eq3A_125 : vector<1024x1024xi32>
    %jit3A_127 = arith.constant 0xFF800000 : f32
    %broadcast_in_dim3A_128 = vector.broadcast %jit3A_127 : f32 to vector<1024x1024xf32>
    %select_n3A_129 = arith.select %eq3A_126, %broadcast_in_dim3A_128, %select_n3A_105 : vector<1024x1024xi1>, vector<1024x1024xf32>
    %reduce_max3A_130 = arith.constant dense<0xFF800000> : vector<1024xf32>
    %reduce_max3A_131 = vector.multi_reduction <maximumf>, %select_n3A_129, %reduce_max3A_130 [1] : vector<1024x1024xf32> to vector<1024xf32>
    %broadcast_in_dim3A_132 = vector.shape_cast %reduce_max3A_131 : vector<1024xf32> to vector<1024x1xf32>
    %eq3A_133 = vector.broadcast %broadcast_in_dim3A_132 : vector<1024x1xf32> to vector<1024x1024xf32>
    %eq3A_134 = arith.cmpf oeq, %select_n3A_129, %eq3A_133 : vector<1024x1024xf32>
    %jit3A_135 = arith.constant 1024 : i32
    %broadcast_in_dim3A_136 = vector.broadcast %jit3A_135 : i32 to vector<1024x1024xi32>
    %select_n3A_137 = arith.select %eq3A_134, %iota3A, %broadcast_in_dim3A_136 : vector<1024x1024xi1>, vector<1024x1024xi32>
    %reduce_min3A_138 = arith.constant dense<2147483647> : vector<1024xi32>
    %reduce_min3A_139 = vector.multi_reduction <minsi>, %select_n3A_137, %reduce_min3A_138 [1] : vector<1024x1024xi32> to vector<1024xi32>
    %add3A_140 = vector.broadcast %mul3A_16 : i32 to vector<1024xi32>
    %add3A_141 = arith.addi %reduce_min3A_139, %add3A_140 : vector<1024xi32>
    %swap3A_142 = arith.constant 0 : index
    %swap3A_143 = arith.constant 5 : index
    %swap3A_144 = arith.constant 0 : index
    %swap3A_145 = vector.load %arg2[%swap3A_142, %swap3A_143, %swap3A_144] : memref<1x20x1024xi32, #tpu.memory_space<vmem>>, vector<1x1x1024xi32>
    %swap3A_146 = vector.shape_cast %swap3A_145 : vector<1x1x1024xi32> to vector<1024xi32>
    %swap3A_147 = vector.shape_cast %add3A_141 : vector<1024xi32> to vector<1x1x1024xi32>
    tpu.vector_store %arg2[%swap3A_142, %swap3A_143, %swap3A_144], %swap3A_147 {strides = array<i32>} : memref<1x20x1024xi32, #tpu.memory_space<vmem>>, vector<1x1x1024xi32>,
    %broadcast_in_dim3A_148 = vector.shape_cast %reduce_min3A_139 : vector<1024xi32> to vector<1024x1xi32>
    %eq3A_149 = vector.broadcast %broadcast_in_dim3A_148 : vector<1024x1xi32> to vector<1024x1024xi32>
    %eq3A_150 = arith.cmpi eq, %iota3A, %eq3A_149 : vector<1024x1024xi32>
    %jit3A_151 = arith.constant 0xFF800000 : f32
    %broadcast_in_dim3A_152 = vector.broadcast %jit3A_151 : f32 to vector<1024x1024xf32>
    %select_n3A_153 = arith.select %eq3A_150, %broadcast_in_dim3A_152, %select_n3A_129 : vector<1024x1024xi1>, vector<1024x1024xf32>
    %reduce_max3A_154 = arith.constant dense<0xFF800000> : vector<1024xf32>
    %reduce_max3A_155 = vector.multi_reduction <maximumf>, %select_n3A_153, %reduce_max3A_154 [1] : vector<1024x1024xf32> to vector<1024xf32>
    %broadcast_in_dim3A_156 = vector.shape_cast %reduce_max3A_155 : vector<1024xf32> to vector<1024x1xf32>
    %eq3A_157 = vector.broadcast %broadcast_in_dim3A_156 : vector<1024x1xf32> to vector<1024x1024xf32>
    %eq3A_158 = arith.cmpf oeq, %select_n3A_153, %eq3A_157 : vector<1024x1024xf32>
    %jit3A_159 = arith.constant 1024 : i32
    %broadcast_in_dim3A_160 = vector.broadcast %jit3A_159 : i32 to vector<1024x1024xi32>
    %select_n3A_161 = arith.select %eq3A_158, %iota3A, %broadcast_in_dim3A_160 : vector<1024x1024xi1>, vector<1024x1024xi32>
    %reduce_min3A_162 = arith.constant dense<2147483647> : vector<1024xi32>
    %reduce_min3A_163 = vector.multi_reduction <minsi>, %select_n3A_161, %reduce_min3A_162 [1] : vector<1024x1024xi32> to vector<1024xi32>
    %add3A_164 = vector.broadcast %mul3A_16 : i32 to vector<1024xi32>
    %add3A_165 = arith.addi %reduce_min3A_163, %add3A_164 : vector<1024xi32>
    %swap3A_166 = arith.constant 0 : index
    %swap3A_167 = arith.constant 6 : index
    %swap3A_168 = arith.constant 0 : index
    %swap3A_169 = vector.load %arg2[%swap3A_166, %swap3A_167, %swap3A_168] : memref<1x20x1024xi32, #tpu.memory_space<vmem>>, vector<1x1x1024xi32>
    %swap3A_170 = vector.shape_cast %swap3A_169 : vector<1x1x1024xi32> to vector<1024xi32>
    %swap3A_171 = vector.shape_cast %add3A_165 : vector<1024xi32> to vector<1x1x1024xi32>
    tpu.vector_store %arg2[%swap3A_166, %swap3A_167, %swap3A_168], %swap3A_171 {strides = array<i32>} : memref<1x20x1024xi32, #tpu.memory_space<vmem>>, vector<1x1x1024xi32>,
    %broadcast_in_dim3A_172 = vector.shape_cast %reduce_min3A_163 : vector<1024xi32> to vector<1024x1xi32>
    %eq3A_173 = vector.broadcast %broadcast_in_dim3A_172 : vector<1024x1xi32> to vector<1024x1024xi32>
    %eq3A_174 = arith.cmpi eq, %iota3A, %eq3A_173 : vector<1024x1024xi32>
    %jit3A_175 = arith.constant 0xFF800000 : f32
    %broadcast_in_dim3A_176 = vector.broadcast %jit3A_175 : f32 to vector<1024x1024xf32>
    %select_n3A_177 = arith.select %eq3A_174, %broadcast_in_dim3A_176, %select_n3A_153 : vector<1024x1024xi1>, vector<1024x1024xf32>
    %reduce_max3A_178 = arith.constant dense<0xFF800000> : vector<1024xf32>
    %reduce_max3A_179 = vector.multi_reduction <maximumf>, %select_n3A_177, %reduce_max3A_178 [1] : vector<1024x1024xf32> to vector<1024xf32>
    %broadcast_in_dim3A_180 = vector.shape_cast %reduce_max3A_179 : vector<1024xf32> to vector<1024x1xf32>
    %eq3A_181 = vector.broadcast %broadcast_in_dim3A_180 : vector<1024x1xf32> to vector<1024x1024xf32>
    %eq3A_182 = arith.cmpf oeq, %select_n3A_177, %eq3A_181 : vector<1024x1024xf32>
    %jit3A_183 = arith.constant 1024 : i32
    %broadcast_in_dim3A_184 = vector.broadcast %jit3A_183 : i32 to vector<1024x1024xi32>
    %select_n3A_185 = arith.select %eq3A_182, %iota3A, %broadcast_in_dim3A_184 : vector<1024x1024xi1>, vector<1024x1024xi32>
    %reduce_min3A_186 = arith.constant dense<2147483647> : vector<1024xi32>
    %reduce_min3A_187 = vector.multi_reduction <minsi>, %select_n3A_185, %reduce_min3A_186 [1] : vector<1024x1024xi32> to vector<1024xi32>
    %add3A_188 = vector.broadcast %mul3A_16 : i32 to vector<1024xi32>
    %add3A_189 = arith.addi %reduce_min3A_187, %add3A_188 : vector<1024xi32>
    %swap3A_190 = arith.constant 0 : index
    %swap3A_191 = arith.constant 7 : index
    %swap3A_192 = arith.constant 0 : index
    %swap3A_193 = vector.load %arg2[%swap3A_190, %swap3A_191, %swap3A_192] : memref<1x20x1024xi32, #tpu.memory_space<vmem>>, vector<1x1x1024xi32>
    %swap3A_194 = vector.shape_cast %swap3A_193 : vector<1x1x1024xi32> to vector<1024xi32>
    %swap3A_195 = vector.shape_cast %add3A_189 : vector<1024xi32> to vector<1x1x1024xi32>
    tpu.vector_store %arg2[%swap3A_190, %swap3A_191, %swap3A_192], %swap3A_195 {strides = array<i32>} : memref<1x20x1024xi32, #tpu.memory_space<vmem>>, vector<1x1x1024xi32>,
    %broadcast_in_dim3A_196 = vector.shape_cast %reduce_min3A_187 : vector<1024xi32> to vector<1024x1xi32>
    %eq3A_197 = vector.broadcast %broadcast_in_dim3A_196 : vector<1024x1xi32> to vector<1024x1024xi32>
    %eq3A_198 = arith.cmpi eq, %iota3A, %eq3A_197 : vector<1024x1024xi32>
    %jit3A_199 = arith.constant 0xFF800000 : f32
    %broadcast_in_dim3A_200 = vector.broadcast %jit3A_199 : f32 to vector<1024x1024xf32>
    %select_n3A_201 = arith.select %eq3A_198, %broadcast_in_dim3A_200, %select_n3A_177 : vector<1024x1024xi1>, vector<1024x1024xf32>
    %reduce_max3A_202 = arith.constant dense<0xFF800000> : vector<1024xf32>
    %reduce_max3A_203 = vector.multi_reduction <maximumf>, %select_n3A_201, %reduce_max3A_202 [1] : vector<1024x1024xf32> to vector<1024xf32>
    %broadcast_in_dim3A_204 = vector.shape_cast %reduce_max3A_203 : vector<1024xf32> to vector<1024x1xf32>
    %eq3A_205 = vector.broadcast %broadcast_in_dim3A_204 : vector<1024x1xf32> to vector<1024x1024xf32>
    %eq3A_206 = arith.cmpf oeq, %select_n3A_201, %eq3A_205 : vector<1024x1024xf32>
    %jit3A_207 = arith.constant 1024 : i32
    %broadcast_in_dim3A_208 = vector.broadcast %jit3A_207 : i32 to vector<1024x1024xi32>
    %select_n3A_209 = arith.select %eq3A_206, %iota3A, %broadcast_in_dim3A_208 : vector<1024x1024xi1>, vector<1024x1024xi32>
    %reduce_min3A_210 = arith.constant dense<2147483647> : vector<1024xi32>
    %reduce_min3A_211 = vector.multi_reduction <minsi>, %select_n3A_209, %reduce_min3A_210 [1] : vector<1024x1024xi32> to vector<1024xi32>
    %add3A_212 = vector.broadcast %mul3A_16 : i32 to vector<1024xi32>
    %add3A_213 = arith.addi %reduce_min3A_211, %add3A_212 : vector<1024xi32>
    %swap3A_214 = arith.constant 0 : index
    %swap3A_215 = arith.constant 8 : index
    %swap3A_216 = arith.constant 0 : index
    %swap3A_217 = vector.load %arg2[%swap3A_214, %swap3A_215, %swap3A_216] : memref<1x20x1024xi32, #tpu.memory_space<vmem>>, vector<1x1x1024xi32>
    %swap3A_218 = vector.shape_cast %swap3A_217 : vector<1x1x1024xi32> to vector<1024xi32>
    %swap3A_219 = vector.shape_cast %add3A_213 : vector<1024xi32> to vector<1x1x1024xi32>
    tpu.vector_store %arg2[%swap3A_214, %swap3A_215, %swap3A_216], %swap3A_219 {strides = array<i32>} : memref<1x20x1024xi32, #tpu.memory_space<vmem>>, vector<1x1x1024xi32>,
    %broadcast_in_dim3A_220 = vector.shape_cast %reduce_min3A_211 : vector<1024xi32> to vector<1024x1xi32>
    %eq3A_221 = vector.broadcast %broadcast_in_dim3A_220 : vector<1024x1xi32> to vector<1024x1024xi32>
    %eq3A_222 = arith.cmpi eq, %iota3A, %eq3A_221 : vector<1024x1024xi32>
    %jit3A_223 = arith.constant 0xFF800000 : f32
    %broadcast_in_dim3A_224 = vector.broadcast %jit3A_223 : f32 to vector<1024x1024xf32>
    %select_n3A_225 = arith.select %eq3A_222, %broadcast_in_dim3A_224, %select_n3A_201 : vector<1024x1024xi1>, vector<1024x1024xf32>
    %reduce_max3A_226 = arith.constant dense<0xFF800000> : vector<1024xf32>
    %reduce_max3A_227 = vector.multi_reduction <maximumf>, %select_n3A_225, %reduce_max3A_226 [1] : vector<1024x1024xf32> to vector<1024xf32>
    %broadcast_in_dim3A_228 = vector.shape_cast %reduce_max3A_227 : vector<1024xf32> to vector<1024x1xf32>
    %eq3A_229 = vector.broadcast %broadcast_in_dim3A_228 : vector<1024x1xf32> to vector<1024x1024xf32>
    %eq3A_230 = arith.cmpf oeq, %select_n3A_225, %eq3A_229 : vector<1024x1024xf32>
    %jit3A_231 = arith.constant 1024 : i32
    %broadcast_in_dim3A_232 = vector.broadcast %jit3A_231 : i32 to vector<1024x1024xi32>
    %select_n3A_233 = arith.select %eq3A_230, %iota3A, %broadcast_in_dim3A_232 : vector<1024x1024xi1>, vector<1024x1024xi32>
    %reduce_min3A_234 = arith.constant dense<2147483647> : vector<1024xi32>
    %reduce_min3A_235 = vector.multi_reduction <minsi>, %select_n3A_233, %reduce_min3A_234 [1] : vector<1024x1024xi32> to vector<1024xi32>
    %add3A_236 = vector.broadcast %mul3A_16 : i32 to vector<1024xi32>
    %add3A_237 = arith.addi %reduce_min3A_235, %add3A_236 : vector<1024xi32>
    %swap3A_238 = arith.constant 0 : index
    %swap3A_239 = arith.constant 9 : index
    %swap3A_240 = arith.constant 0 : index
    %swap3A_241 = vector.load %arg2[%swap3A_238, %swap3A_239, %swap3A_240] : memref<1x20x1024xi32, #tpu.memory_space<vmem>>, vector<1x1x1024xi32>
    %swap3A_242 = vector.shape_cast %swap3A_241 : vector<1x1x1024xi32> to vector<1024xi32>
    %swap3A_243 = vector.shape_cast %add3A_237 : vector<1024xi32> to vector<1x1x1024xi32>
    tpu.vector_store %arg2[%swap3A_238, %swap3A_239, %swap3A_240], %swap3A_243 {strides = array<i32>} : memref<1x20x1024xi32, #tpu.memory_space<vmem>>, vector<1x1x1024xi32>,
    %broadcast_in_dim3A_244 = vector.shape_cast %reduce_min3A_235 : vector<1024xi32> to vector<1024x1xi32>
    %eq3A_245 = vector.broadcast %broadcast_in_dim3A_244 : vector<1024x1xi32> to vector<1024x1024xi32>
    %eq3A_246 = arith.cmpi eq, %iota3A, %eq3A_245 : vector<1024x1024xi32>
    %jit3A_247 = arith.constant 0xFF800000 : f32
    %broadcast_in_dim3A_248 = vector.broadcast %jit3A_247 : f32 to vector<1024x1024xf32>
    %select_n3A_249 = arith.select %eq3A_246, %broadcast_in_dim3A_248, %select_n3A_225 : vector<1024x1024xi1>, vector<1024x1024xf32>
    %reduce_max3A_250 = arith.constant dense<0xFF800000> : vector<1024xf32>
    %reduce_max3A_251 = vector.multi_reduction <maximumf>, %select_n3A_249, %reduce_max3A_250 [1] : vector<1024x1024xf32> to vector<1024xf32>
    %broadcast_in_dim3A_252 = vector.shape_cast %reduce_max3A_251 : vector<1024xf32> to vector<1024x1xf32>
    %eq3A_253 = vector.broadcast %broadcast_in_dim3A_252 : vector<1024x1xf32> to vector<1024x1024xf32>
    %eq3A_254 = arith.cmpf oeq, %select_n3A_249, %eq3A_253 : vector<1024x1024xf32>
    %jit3A_255 = arith.constant 1024 : i32
    %broadcast_in_dim3A_256 = vector.broadcast %jit3A_255 : i32 to vector<1024x1024xi32>
    %select_n3A_257 = arith.select %eq3A_254, %iota3A, %broadcast_in_dim3A_256 : vector<1024x1024xi1>, vector<1024x1024xi32>
    %reduce_min3A_258 = arith.constant dense<2147483647> : vector<1024xi32>
    %reduce_min3A_259 = vector.multi_reduction <minsi>, %select_n3A_257, %reduce_min3A_258 [1] : vector<1024x1024xi32> to vector<1024xi32>
    %add3A_260 = vector.broadcast %mul3A_16 : i32 to vector<1024xi32>
    %add3A_261 = arith.addi %reduce_min3A_259, %add3A_260 : vector<1024xi32>
    %swap3A_262 = arith.constant 0 : index
    %swap3A_263 = arith.constant 10 : index
    %swap3A_264 = arith.constant 0 : index
    %swap3A_265 = vector.load %arg2[%swap3A_262, %swap3A_263, %swap3A_264] : memref<1x20x1024xi32, #tpu.memory_space<vmem>>, vector<1x1x1024xi32>
    %swap3A_266 = vector.shape_cast %swap3A_265 : vector<1x1x1024xi32> to vector<1024xi32>
    %swap3A_267 = vector.shape_cast %add3A_261 : vector<1024xi32> to vector<1x1x1024xi32>
    tpu.vector_store %arg2[%swap3A_262, %swap3A_263, %swap3A_264], %swap3A_267 {strides = array<i32>} : memref<1x20x1024xi32, #tpu.memory_space<vmem>>, vector<1x1x1024xi32>,
    %broadcast_in_dim3A_268 = vector.shape_cast %reduce_min3A_259 : vector<1024xi32> to vector<1024x1xi32>
    %eq3A_269 = vector.broadcast %broadcast_in_dim3A_268 : vector<1024x1xi32> to vector<1024x1024xi32>
    %eq3A_270 = arith.cmpi eq, %iota3A, %eq3A_269 : vector<1024x1024xi32>
    %jit3A_271 = arith.constant 0xFF800000 : f32
    %broadcast_in_dim3A_272 = vector.broadcast %jit3A_271 : f32 to vector<1024x1024xf32>
    %select_n3A_273 = arith.select %eq3A_270, %broadcast_in_dim3A_272, %select_n3A_249 : vector<1024x1024xi1>, vector<1024x1024xf32>
    %reduce_max3A_274 = arith.constant dense<0xFF800000> : vector<1024xf32>
    %reduce_max3A_275 = vector.multi_reduction <maximumf>, %select_n3A_273, %reduce_max3A_274 [1] : vector<1024x1024xf32> to vector<1024xf32>
    %broadcast_in_dim3A_276 = vector.shape_cast %reduce_max3A_275 : vector<1024xf32> to vector<1024x1xf32>
    %eq3A_277 = vector.broadcast %broadcast_in_dim3A_276 : vector<1024x1xf32> to vector<1024x1024xf32>
    %eq3A_278 = arith.cmpf oeq, %select_n3A_273, %eq3A_277 : vector<1024x1024xf32>
    %jit3A_279 = arith.constant 1024 : i32
    %broadcast_in_dim3A_280 = vector.broadcast %jit3A_279 : i32 to vector<1024x1024xi32>
    %select_n3A_281 = arith.select %eq3A_278, %iota3A, %broadcast_in_dim3A_280 : vector<1024x1024xi1>, vector<1024x1024xi32>
    %reduce_min3A_282 = arith.constant dense<2147483647> : vector<1024xi32>
    %reduce_min3A_283 = vector.multi_reduction <minsi>, %select_n3A_281, %reduce_min3A_282 [1] : vector<1024x1024xi32> to vector<1024xi32>
    %add3A_284 = vector.broadcast %mul3A_16 : i32 to vector<1024xi32>
    %add3A_285 = arith.addi %reduce_min3A_283, %add3A_284 : vector<1024xi32>
    %swap3A_286 = arith.constant 0 : index
    %swap3A_287 = arith.constant 11 : index
    %swap3A_288 = arith.constant 0 : index
    %swap3A_289 = vector.load %arg2[%swap3A_286, %swap3A_287, %swap3A_288] : memref<1x20x1024xi32, #tpu.memory_space<vmem>>, vector<1x1x1024xi32>
    %swap3A_290 = vector.shape_cast %swap3A_289 : vector<1x1x1024xi32> to vector<1024xi32>
    %swap3A_291 = vector.shape_cast %add3A_285 : vector<1024xi32> to vector<1x1x1024xi32>
    tpu.vector_store %arg2[%swap3A_286, %swap3A_287, %swap3A_288], %swap3A_291 {strides = array<i32>} : memref<1x20x1024xi32, #tpu.memory_space<vmem>>, vector<1x1x1024xi32>,
    %broadcast_in_dim3A_292 = vector.shape_cast %reduce_min3A_283 : vector<1024xi32> to vector<1024x1xi32>
    %eq3A_293 = vector.broadcast %broadcast_in_dim3A_292 : vector<1024x1xi32> to vector<1024x1024xi32>
    %eq3A_294 = arith.cmpi eq, %iota3A, %eq3A_293 : vector<1024x1024xi32>
    %jit3A_295 = arith.constant 0xFF800000 : f32
    %broadcast_in_dim3A_296 = vector.broadcast %jit3A_295 : f32 to vector<1024x1024xf32>
    %select_n3A_297 = arith.select %eq3A_294, %broadcast_in_dim3A_296, %select_n3A_273 : vector<1024x1024xi1>, vector<1024x1024xf32>
    %reduce_max3A_298 = arith.constant dense<0xFF800000> : vector<1024xf32>
    %reduce_max3A_299 = vector.multi_reduction <maximumf>, %select_n3A_297, %reduce_max3A_298 [1] : vector<1024x1024xf32> to vector<1024xf32>
    %broadcast_in_dim3A_300 = vector.shape_cast %reduce_max3A_299 : vector<1024xf32> to vector<1024x1xf32>
    %eq3A_301 = vector.broadcast %broadcast_in_dim3A_300 : vector<1024x1xf32> to vector<1024x1024xf32>
    %eq3A_302 = arith.cmpf oeq, %select_n3A_297, %eq3A_301 : vector<1024x1024xf32>
    %jit3A_303 = arith.constant 1024 : i32
    %broadcast_in_dim3A_304 = vector.broadcast %jit3A_303 : i32 to vector<1024x1024xi32>
    %select_n3A_305 = arith.select %eq3A_302, %iota3A, %broadcast_in_dim3A_304 : vector<1024x1024xi1>, vector<1024x1024xi32>
    %reduce_min3A_306 = arith.constant dense<2147483647> : vector<1024xi32>
    %reduce_min3A_307 = vector.multi_reduction <minsi>, %select_n3A_305, %reduce_min3A_306 [1] : vector<1024x1024xi32> to vector<1024xi32>
    %add3A_308 = vector.broadcast %mul3A_16 : i32 to vector<1024xi32>
    %add3A_309 = arith.addi %reduce_min3A_307, %add3A_308 : vector<1024xi32>
    %swap3A_310 = arith.constant 0 : index
    %swap3A_311 = arith.constant 12 : index
    %swap3A_312 = arith.constant 0 : index
    %swap3A_313 = vector.load %arg2[%swap3A_310, %swap3A_311, %swap3A_312] : memref<1x20x1024xi32, #tpu.memory_space<vmem>>, vector<1x1x1024xi32>
    %swap3A_314 = vector.shape_cast %swap3A_313 : vector<1x1x1024xi32> to vector<1024xi32>
    %swap3A_315 = vector.shape_cast %add3A_309 : vector<1024xi32> to vector<1x1x1024xi32>
    tpu.vector_store %arg2[%swap3A_310, %swap3A_311, %swap3A_312], %swap3A_315 {strides = array<i32>} : memref<1x20x1024xi32, #tpu.memory_space<vmem>>, vector<1x1x1024xi32>,
    %broadcast_in_dim3A_316 = vector.shape_cast %reduce_min3A_307 : vector<1024xi32> to vector<1024x1xi32>
    %eq3A_317 = vector.broadcast %broadcast_in_dim3A_316 : vector<1024x1xi32> to vector<1024x1024xi32>
    %eq3A_318 = arith.cmpi eq, %iota3A, %eq3A_317 : vector<1024x1024xi32>
    %jit3A_319 = arith.constant 0xFF800000 : f32
    %broadcast_in_dim3A_320 = vector.broadcast %jit3A_319 : f32 to vector<1024x1024xf32>
    %select_n3A_321 = arith.select %eq3A_318, %broadcast_in_dim3A_320, %select_n3A_297 : vector<1024x1024xi1>, vector<1024x1024xf32>
    %reduce_max3A_322 = arith.constant dense<0xFF800000> : vector<1024xf32>
    %reduce_max3A_323 = vector.multi_reduction <maximumf>, %select_n3A_321, %reduce_max3A_322 [1] : vector<1024x1024xf32> to vector<1024xf32>
    %broadcast_in_dim3A_324 = vector.shape_cast %reduce_max3A_323 : vector<1024xf32> to vector<1024x1xf32>
    %eq3A_325 = vector.broadcast %broadcast_in_dim3A_324 : vector<1024x1xf32> to vector<1024x1024xf32>
    %eq3A_326 = arith.cmpf oeq, %select_n3A_321, %eq3A_325 : vector<1024x1024xf32>
    %jit3A_327 = arith.constant 1024 : i32
    %broadcast_in_dim3A_328 = vector.broadcast %jit3A_327 : i32 to vector<1024x1024xi32>
    %select_n3A_329 = arith.select %eq3A_326, %iota3A, %broadcast_in_dim3A_328 : vector<1024x1024xi1>, vector<1024x1024xi32>
    %reduce_min3A_330 = arith.constant dense<2147483647> : vector<1024xi32>
    %reduce_min3A_331 = vector.multi_reduction <minsi>, %select_n3A_329, %reduce_min3A_330 [1] : vector<1024x1024xi32> to vector<1024xi32>
    %add3A_332 = vector.broadcast %mul3A_16 : i32 to vector<1024xi32>
    %add3A_333 = arith.addi %reduce_min3A_331, %add3A_332 : vector<1024xi32>
    %swap3A_334 = arith.constant 0 : index
    %swap3A_335 = arith.constant 13 : index
    %swap3A_336 = arith.constant 0 : index
    %swap3A_337 = vector.load %arg2[%swap3A_334, %swap3A_335, %swap3A_336] : memref<1x20x1024xi32, #tpu.memory_space<vmem>>, vector<1x1x1024xi32>
    %swap3A_338 = vector.shape_cast %swap3A_337 : vector<1x1x1024xi32> to vector<1024xi32>
    %swap3A_339 = vector.shape_cast %add3A_333 : vector<1024xi32> to vector<1x1x1024xi32>
    tpu.vector_store %arg2[%swap3A_334, %swap3A_335, %swap3A_336], %swap3A_339 {strides = array<i32>} : memref<1x20x1024xi32, #tpu.memory_space<vmem>>, vector<1x1x1024xi32>,
    %broadcast_in_dim3A_340 = vector.shape_cast %reduce_min3A_331 : vector<1024xi32> to vector<1024x1xi32>
    %eq3A_341 = vector.broadcast %broadcast_in_dim3A_340 : vector<1024x1xi32> to vector<1024x1024xi32>
    %eq3A_342 = arith.cmpi eq, %iota3A, %eq3A_341 : vector<1024x1024xi32>
    %jit3A_343 = arith.constant 0xFF800000 : f32
    %broadcast_in_dim3A_344 = vector.broadcast %jit3A_343 : f32 to vector<1024x1024xf32>
    %select_n3A_345 = arith.select %eq3A_342, %broadcast_in_dim3A_344, %select_n3A_321 : vector<1024x1024xi1>, vector<1024x1024xf32>
    %reduce_max3A_346 = arith.constant dense<0xFF800000> : vector<1024xf32>
    %reduce_max3A_347 = vector.multi_reduction <maximumf>, %select_n3A_345, %reduce_max3A_346 [1] : vector<1024x1024xf32> to vector<1024xf32>
    %broadcast_in_dim3A_348 = vector.shape_cast %reduce_max3A_347 : vector<1024xf32> to vector<1024x1xf32>
    %eq3A_349 = vector.broadcast %broadcast_in_dim3A_348 : vector<1024x1xf32> to vector<1024x1024xf32>
    %eq3A_350 = arith.cmpf oeq, %select_n3A_345, %eq3A_349 : vector<1024x1024xf32>
    %jit3A_351 = arith.constant 1024 : i32
    %broadcast_in_dim3A_352 = vector.broadcast %jit3A_351 : i32 to vector<1024x1024xi32>
    %select_n3A_353 = arith.select %eq3A_350, %iota3A, %broadcast_in_dim3A_352 : vector<1024x1024xi1>, vector<1024x1024xi32>
    %reduce_min3A_354 = arith.constant dense<2147483647> : vector<1024xi32>
    %reduce_min3A_355 = vector.multi_reduction <minsi>, %select_n3A_353, %reduce_min3A_354 [1] : vector<1024x1024xi32> to vector<1024xi32>
    %add3A_356 = vector.broadcast %mul3A_16 : i32 to vector<1024xi32>
    %add3A_357 = arith.addi %reduce_min3A_355, %add3A_356 : vector<1024xi32>
    %swap3A_358 = arith.constant 0 : index
    %swap3A_359 = arith.constant 14 : index
    %swap3A_360 = arith.constant 0 : index
    %swap3A_361 = vector.load %arg2[%swap3A_358, %swap3A_359, %swap3A_360] : memref<1x20x1024xi32, #tpu.memory_space<vmem>>, vector<1x1x1024xi32>
    %swap3A_362 = vector.shape_cast %swap3A_361 : vector<1x1x1024xi32> to vector<1024xi32>
    %swap3A_363 = vector.shape_cast %add3A_357 : vector<1024xi32> to vector<1x1x1024xi32>
    tpu.vector_store %arg2[%swap3A_358, %swap3A_359, %swap3A_360], %swap3A_363 {strides = array<i32>} : memref<1x20x1024xi32, #tpu.memory_space<vmem>>, vector<1x1x1024xi32>,
    %broadcast_in_dim3A_364 = vector.shape_cast %reduce_min3A_355 : vector<1024xi32> to vector<1024x1xi32>
    %eq3A_365 = vector.broadcast %broadcast_in_dim3A_364 : vector<1024x1xi32> to vector<1024x1024xi32>
    %eq3A_366 = arith.cmpi eq, %iota3A, %eq3A_365 : vector<1024x1024xi32>
    %jit3A_367 = arith.constant 0xFF800000 : f32
    %broadcast_in_dim3A_368 = vector.broadcast %jit3A_367 : f32 to vector<1024x1024xf32>
    %select_n3A_369 = arith.select %eq3A_366, %broadcast_in_dim3A_368, %select_n3A_345 : vector<1024x1024xi1>, vector<1024x1024xf32>
    %reduce_max3A_370 = arith.constant dense<0xFF800000> : vector<1024xf32>
    %reduce_max3A_371 = vector.multi_reduction <maximumf>, %select_n3A_369, %reduce_max3A_370 [1] : vector<1024x1024xf32> to vector<1024xf32>
    %broadcast_in_dim3A_372 = vector.shape_cast %reduce_max3A_371 : vector<1024xf32> to vector<1024x1xf32>
    %eq3A_373 = vector.broadcast %broadcast_in_dim3A_372 : vector<1024x1xf32> to vector<1024x1024xf32>
    %eq3A_374 = arith.cmpf oeq, %select_n3A_369, %eq3A_373 : vector<1024x1024xf32>
    %jit3A_375 = arith.constant 1024 : i32
    %broadcast_in_dim3A_376 = vector.broadcast %jit3A_375 : i32 to vector<1024x1024xi32>
    %select_n3A_377 = arith.select %eq3A_374, %iota3A, %broadcast_in_dim3A_376 : vector<1024x1024xi1>, vector<1024x1024xi32>
    %reduce_min3A_378 = arith.constant dense<2147483647> : vector<1024xi32>
    %reduce_min3A_379 = vector.multi_reduction <minsi>, %select_n3A_377, %reduce_min3A_378 [1] : vector<1024x1024xi32> to vector<1024xi32>
    %add3A_380 = vector.broadcast %mul3A_16 : i32 to vector<1024xi32>
    %add3A_381 = arith.addi %reduce_min3A_379, %add3A_380 : vector<1024xi32>
    %swap3A_382 = arith.constant 0 : index
    %swap3A_383 = arith.constant 15 : index
    %swap3A_384 = arith.constant 0 : index
    %swap3A_385 = vector.load %arg2[%swap3A_382, %swap3A_383, %swap3A_384] : memref<1x20x1024xi32, #tpu.memory_space<vmem>>, vector<1x1x1024xi32>
    %swap3A_386 = vector.shape_cast %swap3A_385 : vector<1x1x1024xi32> to vector<1024xi32>
    %swap3A_387 = vector.shape_cast %add3A_381 : vector<1024xi32> to vector<1x1x1024xi32>
    tpu.vector_store %arg2[%swap3A_382, %swap3A_383, %swap3A_384], %swap3A_387 {strides = array<i32>} : memref<1x20x1024xi32, #tpu.memory_space<vmem>>, vector<1x1x1024xi32>,
    %broadcast_in_dim3A_388 = vector.shape_cast %reduce_min3A_379 : vector<1024xi32> to vector<1024x1xi32>
    %eq3A_389 = vector.broadcast %broadcast_in_dim3A_388 : vector<1024x1xi32> to vector<1024x1024xi32>
    %eq3A_390 = arith.cmpi eq, %iota3A, %eq3A_389 : vector<1024x1024xi32>
    %jit3A_391 = arith.constant 0xFF800000 : f32
    %broadcast_in_dim3A_392 = vector.broadcast %jit3A_391 : f32 to vector<1024x1024xf32>
    %select_n3A_393 = arith.select %eq3A_390, %broadcast_in_dim3A_392, %select_n3A_369 : vector<1024x1024xi1>, vector<1024x1024xf32>
    %reduce_max3A_394 = arith.constant dense<0xFF800000> : vector<1024xf32>
    %reduce_max3A_395 = vector.multi_reduction <maximumf>, %select_n3A_393, %reduce_max3A_394 [1] : vector<1024x1024xf32> to vector<1024xf32>
    %broadcast_in_dim3A_396 = vector.shape_cast %reduce_max3A_395 : vector<1024xf32> to vector<1024x1xf32>
    %eq3A_397 = vector.broadcast %broadcast_in_dim3A_396 : vector<1024x1xf32> to vector<1024x1024xf32>
    %eq3A_398 = arith.cmpf oeq, %select_n3A_393, %eq3A_397 : vector<1024x1024xf32>
    %jit3A_399 = arith.constant 1024 : i32
    %broadcast_in_dim3A_400 = vector.broadcast %jit3A_399 : i32 to vector<1024x1024xi32>
    %select_n3A_401 = arith.select %eq3A_398, %iota3A, %broadcast_in_dim3A_400 : vector<1024x1024xi1>, vector<1024x1024xi32>
    %reduce_min3A_402 = arith.constant dense<2147483647> : vector<1024xi32>
    %reduce_min3A_403 = vector.multi_reduction <minsi>, %select_n3A_401, %reduce_min3A_402 [1] : vector<1024x1024xi32> to vector<1024xi32>
    %add3A_404 = vector.broadcast %mul3A_16 : i32 to vector<1024xi32>
    %add3A_405 = arith.addi %reduce_min3A_403, %add3A_404 : vector<1024xi32>
    %swap3A_406 = arith.constant 0 : index
    %swap3A_407 = arith.constant 16 : index
    %swap3A_408 = arith.constant 0 : index
    %swap3A_409 = vector.load %arg2[%swap3A_406, %swap3A_407, %swap3A_408] : memref<1x20x1024xi32, #tpu.memory_space<vmem>>, vector<1x1x1024xi32>
    %swap3A_410 = vector.shape_cast %swap3A_409 : vector<1x1x1024xi32> to vector<1024xi32>
    %swap3A_411 = vector.shape_cast %add3A_405 : vector<1024xi32> to vector<1x1x1024xi32>
    tpu.vector_store %arg2[%swap3A_406, %swap3A_407, %swap3A_408], %swap3A_411 {strides = array<i32>} : memref<1x20x1024xi32, #tpu.memory_space<vmem>>, vector<1x1x1024xi32>,
    %broadcast_in_dim3A_412 = vector.shape_cast %reduce_min3A_403 : vector<1024xi32> to vector<1024x1xi32>
    %eq3A_413 = vector.broadcast %broadcast_in_dim3A_412 : vector<1024x1xi32> to vector<1024x1024xi32>
    %eq3A_414 = arith.cmpi eq, %iota3A, %eq3A_413 : vector<1024x1024xi32>
    %jit3A_415 = arith.constant 0xFF800000 : f32
    %broadcast_in_dim3A_416 = vector.broadcast %jit3A_415 : f32 to vector<1024x1024xf32>
    %select_n3A_417 = arith.select %eq3A_414, %broadcast_in_dim3A_416, %select_n3A_393 : vector<1024x1024xi1>, vector<1024x1024xf32>
    %reduce_max3A_418 = arith.constant dense<0xFF800000> : vector<1024xf32>
    %reduce_max3A_419 = vector.multi_reduction <maximumf>, %select_n3A_417, %reduce_max3A_418 [1] : vector<1024x1024xf32> to vector<1024xf32>
    %broadcast_in_dim3A_420 = vector.shape_cast %reduce_max3A_419 : vector<1024xf32> to vector<1024x1xf32>
    %eq3A_421 = vector.broadcast %broadcast_in_dim3A_420 : vector<1024x1xf32> to vector<1024x1024xf32>
    %eq3A_422 = arith.cmpf oeq, %select_n3A_417, %eq3A_421 : vector<1024x1024xf32>
    %jit3A_423 = arith.constant 1024 : i32
    %broadcast_in_dim3A_424 = vector.broadcast %jit3A_423 : i32 to vector<1024x1024xi32>
    %select_n3A_425 = arith.select %eq3A_422, %iota3A, %broadcast_in_dim3A_424 : vector<1024x1024xi1>, vector<1024x1024xi32>
    %reduce_min3A_426 = arith.constant dense<2147483647> : vector<1024xi32>
    %reduce_min3A_427 = vector.multi_reduction <minsi>, %select_n3A_425, %reduce_min3A_426 [1] : vector<1024x1024xi32> to vector<1024xi32>
    %add3A_428 = vector.broadcast %mul3A_16 : i32 to vector<1024xi32>
    %add3A_429 = arith.addi %reduce_min3A_427, %add3A_428 : vector<1024xi32>
    %swap3A_430 = arith.constant 0 : index
    %swap3A_431 = arith.constant 17 : index
    %swap3A_432 = arith.constant 0 : index
    %swap3A_433 = vector.load %arg2[%swap3A_430, %swap3A_431, %swap3A_432] : memref<1x20x1024xi32, #tpu.memory_space<vmem>>, vector<1x1x1024xi32>
    %swap3A_434 = vector.shape_cast %swap3A_433 : vector<1x1x1024xi32> to vector<1024xi32>
    %swap3A_435 = vector.shape_cast %add3A_429 : vector<1024xi32> to vector<1x1x1024xi32>
    tpu.vector_store %arg2[%swap3A_430, %swap3A_431, %swap3A_432], %swap3A_435 {strides = array<i32>} : memref<1x20x1024xi32, #tpu.memory_space<vmem>>, vector<1x1x1024xi32>,
    %broadcast_in_dim3A_436 = vector.shape_cast %reduce_min3A_427 : vector<1024xi32> to vector<1024x1xi32>
    %eq3A_437 = vector.broadcast %broadcast_in_dim3A_436 : vector<1024x1xi32> to vector<1024x1024xi32>
    %eq3A_438 = arith.cmpi eq, %iota3A, %eq3A_437 : vector<1024x1024xi32>
    %jit3A_439 = arith.constant 0xFF800000 : f32
    %broadcast_in_dim3A_440 = vector.broadcast %jit3A_439 : f32 to vector<1024x1024xf32>
    %select_n3A_441 = arith.select %eq3A_438, %broadcast_in_dim3A_440, %select_n3A_417 : vector<1024x1024xi1>, vector<1024x1024xf32>
    %reduce_max3A_442 = arith.constant dense<0xFF800000> : vector<1024xf32>
    %reduce_max3A_443 = vector.multi_reduction <maximumf>, %select_n3A_441, %reduce_max3A_442 [1] : vector<1024x1024xf32> to vector<1024xf32>
    %broadcast_in_dim3A_444 = vector.shape_cast %reduce_max3A_443 : vector<1024xf32> to vector<1024x1xf32>
    %eq3A_445 = vector.broadcast %broadcast_in_dim3A_444 : vector<1024x1xf32> to vector<1024x1024xf32>
    %eq3A_446 = arith.cmpf oeq, %select_n3A_441, %eq3A_445 : vector<1024x1024xf32>
    %jit3A_447 = arith.constant 1024 : i32
    %broadcast_in_dim3A_448 = vector.broadcast %jit3A_447 : i32 to vector<1024x1024xi32>
    %select_n3A_449 = arith.select %eq3A_446, %iota3A, %broadcast_in_dim3A_448 : vector<1024x1024xi1>, vector<1024x1024xi32>
    %reduce_min3A_450 = arith.constant dense<2147483647> : vector<1024xi32>
    %reduce_min3A_451 = vector.multi_reduction <minsi>, %select_n3A_449, %reduce_min3A_450 [1] : vector<1024x1024xi32> to vector<1024xi32>
    %add3A_452 = vector.broadcast %mul3A_16 : i32 to vector<1024xi32>
    %add3A_453 = arith.addi %reduce_min3A_451, %add3A_452 : vector<1024xi32>
    %swap3A_454 = arith.constant 0 : index
    %swap3A_455 = arith.constant 18 : index
    %swap3A_456 = arith.constant 0 : index
    %swap3A_457 = vector.load %arg2[%swap3A_454, %swap3A_455, %swap3A_456] : memref<1x20x1024xi32, #tpu.memory_space<vmem>>, vector<1x1x1024xi32>
    %swap3A_458 = vector.shape_cast %swap3A_457 : vector<1x1x1024xi32> to vector<1024xi32>
    %swap3A_459 = vector.shape_cast %add3A_453 : vector<1024xi32> to vector<1x1x1024xi32>
    tpu.vector_store %arg2[%swap3A_454, %swap3A_455, %swap3A_456], %swap3A_459 {strides = array<i32>} : memref<1x20x1024xi32, #tpu.memory_space<vmem>>, vector<1x1x1024xi32>,
    %broadcast_in_dim3A_460 = vector.shape_cast %reduce_min3A_451 : vector<1024xi32> to vector<1024x1xi32>
    %eq3A_461 = vector.broadcast %broadcast_in_dim3A_460 : vector<1024x1xi32> to vector<1024x1024xi32>
    %eq3A_462 = arith.cmpi eq, %iota3A, %eq3A_461 : vector<1024x1024xi32>
    %jit3A_463 = arith.constant 0xFF800000 : f32
    %broadcast_in_dim3A_464 = vector.broadcast %jit3A_463 : f32 to vector<1024x1024xf32>
    %select_n3A_465 = arith.select %eq3A_462, %broadcast_in_dim3A_464, %select_n3A_441 : vector<1024x1024xi1>, vector<1024x1024xf32>
    %reduce_max3A_466 = arith.constant dense<0xFF800000> : vector<1024xf32>
    %reduce_max3A_467 = vector.multi_reduction <maximumf>, %select_n3A_465, %reduce_max3A_466 [1] : vector<1024x1024xf32> to vector<1024xf32>
    %broadcast_in_dim3A_468 = vector.shape_cast %reduce_max3A_467 : vector<1024xf32> to vector<1024x1xf32>
    %eq3A_469 = vector.broadcast %broadcast_in_dim3A_468 : vector<1024x1xf32> to vector<1024x1024xf32>
    %eq3A_470 = arith.cmpf oeq, %select_n3A_465, %eq3A_469 : vector<1024x1024xf32>
    %jit3A_471 = arith.constant 1024 : i32
    %broadcast_in_dim3A_472 = vector.broadcast %jit3A_471 : i32 to vector<1024x1024xi32>
    %select_n3A_473 = arith.select %eq3A_470, %iota3A, %broadcast_in_dim3A_472 : vector<1024x1024xi1>, vector<1024x1024xi32>
    %reduce_min3A_474 = arith.constant dense<2147483647> : vector<1024xi32>
    %reduce_min3A_475 = vector.multi_reduction <minsi>, %select_n3A_473, %reduce_min3A_474 [1] : vector<1024x1024xi32> to vector<1024xi32>
    %add3A_476 = vector.broadcast %mul3A_16 : i32 to vector<1024xi32>
    %add3A_477 = arith.addi %reduce_min3A_475, %add3A_476 : vector<1024xi32>
    %swap3A_478 = arith.constant 0 : index
    %swap3A_479 = arith.constant 19 : index
    %swap3A_480 = arith.constant 0 : index
    %swap3A_481 = vector.load %arg2[%swap3A_478, %swap3A_479, %swap3A_480] : memref<1x20x1024xi32, #tpu.memory_space<vmem>>, vector<1x1x1024xi32>
    %swap3A_482 = vector.shape_cast %swap3A_481 : vector<1x1x1024xi32> to vector<1024xi32>
    %swap3A_483 = vector.shape_cast %add3A_477 : vector<1024xi32> to vector<1x1x1024xi32>
    tpu.vector_store %arg2[%swap3A_478, %swap3A_479, %swap3A_480], %swap3A_483 {strides = array<i32>} : memref<1x20x1024xi32, #tpu.memory_space<vmem>>, vector<1x1x1024xi32>,
    return
  }
  func.func @transform_0(%arg0: i32) -> (i32, i32, i32) {
    %c0_i32 = arith.constant 0 : i32
    %c0_i32_0 = arith.constant 0 : i32
    %c0_i32_1 = arith.constant 0 : i32
    return %arg0, %c0_i32, %c0_i32_0 : i32, i32, i32
  }
  func.func @transform_1(%arg0: i32) -> (i32, i32, i32) {
    %c0_i32 = arith.constant 0 : i32
    %c0_i32_0 = arith.constant 0 : i32
    %c0_i32_1 = arith.constant 0 : i32
    return %arg0, %c0_i32, %c0_i32_0 : i32, i32, i32
  }
}

module attributes {stable_mosaic.version = 14 : i64} {
  func.func @_conv_max_body(%arg0: i32, %arg1: i32, %arg2: i32, %arg3: memref<1x1x512x128xf32, #tpu.memory_space<vmem>>, %arg4: memref<1x512x64xf32, #tpu.memory_space<vmem>>, %arg5: memref<128x64xf32, #tpu.memory_space<vmem>>, %arg6: memref<1x64xf32, #tpu.memory_space<vmem>>, %arg7: memref<1x512x64xf32, #tpu.memory_space<vmem>>) attributes {dimension_semantics = [#tpu.dimension_semantics<arbitrary>, #tpu.dimension_semantics<arbitrary>, #tpu.dimension_semantics<arbitrary>], iteration_bounds = array<i64: 8, 2, 20>, scalar_prefetch = 0 : i64, scratch_operands = 0 : i64, tpu.core_type = #tpu.core_type<tc>, window_params = [{transform_indices = @transform_0, window_bounds = array<i64: 1, 1, 512, 128>}, {transform_indices = @transform_1, window_bounds = array<i64: 1, 512, 64>}, {pipeline_mode = #tpu.pipeline_mode<synchronous>, transform_indices = @transform_2, window_bounds = array<i64: 128, 64>}, {pipeline_mode = #tpu.pipeline_mode<synchronous>, transform_indices = @transform_3, window_bounds = array<i64: 1, 64>}, {transform_indices = @transform_4, window_bounds = array<i64: 1, 512, 64>}]} {
    %get3A = arith.constant 0 : index
    %get3A_0 = arith.constant 0 : index
    %get3A_1 = arith.constant 0 : index
    %get3A_2 = vector.load %arg4[%get3A, %get3A_0, %get3A_1] : memref<1x512x64xf32, #tpu.memory_space<vmem>>, vector<1x512x64xf32>
    %get3A_3 = vector.shape_cast %get3A_2 : vector<1x512x64xf32> to vector<512x64xf32>
    %get3A_4 = arith.constant 0 : index
    %get3A_5 = arith.constant 0 : index
    %get3A_6 = arith.constant 0 : index
    %get3A_7 = arith.constant 0 : index
    %get3A_8 = vector.load %arg3[%get3A_4, %get3A_5, %get3A_6, %get3A_7] : memref<1x1x512x128xf32, #tpu.memory_space<vmem>>, vector<1x1x512x128xf32>
    %get3A_9 = vector.shape_cast %get3A_8 : vector<1x1x512x128xf32> to vector<512x128xf32>
    %slice3A = vector.extract_strided_slice %get3A_9 {offsets = [0, 0], sizes = [512, 64], strides = [1, 1]} : vector<512x128xf32> to vector<512x64xf32>
    %sub3A = arith.subf %slice3A, %get3A_3 : vector<512x64xf32>
    %concatenate3A = tpu.concatenate %sub3A, %get3A_3 in 1 : vector<512x64xf32>, vector<512x64xf32> -> vector<512x128xf32>
    %get3A_10 = arith.constant 0 : index
    %get3A_11 = arith.constant 0 : index
    %get3A_12 = vector.load %arg5[%get3A_10, %get3A_11] : memref<128x64xf32, #tpu.memory_space<vmem>>, vector<128x64xf32>
    %dot_general3A = arith.constant dense<0.000000e+00> : vector<512x64xf32>
    %dot_general3A_13 = tpu.matmul %concatenate3A, %get3A_12, %dot_general3A {dimension_numbers = #tpu.dot_dimension_numbers<[1], [0], [0], [1], [0, 0, 1, 1], [], []>, transpose_lhs_hint = false} : vector<512x128xf32>, vector<128x64xf32>, vector<512x64xf32> -> vector<512x64xf32>
    %get3A_14 = arith.constant 0 : index
    %get3A_15 = arith.constant 0 : index
    %get3A_16 = vector.load %arg6[%get3A_14, %get3A_15] : memref<1x64xf32, #tpu.memory_space<vmem>>, vector<1x64xf32>
    %mul3A = vector.broadcast %get3A_16 : vector<1x64xf32> to vector<512x64xf32>
    %mul3A_17 = arith.mulf %dot_general3A_13, %mul3A : vector<512x64xf32>
    %eq3A = arith.constant 0 : i32
    %eq3A_18 = arith.cmpi eq, %arg2, %eq3A : i32
    %convert_element_type3A = arith.extui %eq3A_18 : i1 to i32
    %cond3A = arith.constant 0 : i32
    %cond3A_19 = arith.cmpi ne, %convert_element_type3A, %cond3A : i32
    scf.if %cond3A_19 {
      %swap3A = arith.constant 0 : index
      %swap3A_24 = arith.constant 0 : index
      %swap3A_25 = arith.constant 0 : index
      %swap3A_26 = vector.load %arg7[%swap3A, %swap3A_24, %swap3A_25] : memref<1x512x64xf32, #tpu.memory_space<vmem>>, vector<1x512x64xf32>
      %swap3A_27 = vector.shape_cast %swap3A_26 : vector<1x512x64xf32> to vector<512x64xf32>
      %swap3A_28 = vector.shape_cast %mul3A_17 : vector<512x64xf32> to vector<1x512x64xf32>
      tpu.vector_store %arg7[%swap3A, %swap3A_24, %swap3A_25], %swap3A_28 {strides = array<i32>} : memref<1x512x64xf32, #tpu.memory_space<vmem>>, vector<1x512x64xf32>,
    } else {
    }
    %gt3A = arith.constant 0 : i32
    %gt3A_20 = arith.cmpi sgt, %arg2, %gt3A : i32
    %convert_element_type3A_21 = arith.extui %gt3A_20 : i1 to i32
    %cond3A_22 = arith.constant 0 : i32
    %cond3A_23 = arith.cmpi ne, %convert_element_type3A_21, %cond3A_22 : i32
    scf.if %cond3A_23 {
      %get3A_24 = arith.constant 0 : index
      %get3A_25 = arith.constant 0 : index
      %get3A_26 = arith.constant 0 : index
      %get3A_27 = vector.load %arg7[%get3A_24, %get3A_25, %get3A_26] : memref<1x512x64xf32, #tpu.memory_space<vmem>>, vector<1x512x64xf32>
      %get3A_28 = vector.shape_cast %get3A_27 : vector<1x512x64xf32> to vector<512x64xf32>
      %max3A = arith.maximumf %get3A_28, %mul3A_17 : vector<512x64xf32>
      %swap3A = arith.constant 0 : index
      %swap3A_29 = arith.constant 0 : index
      %swap3A_30 = arith.constant 0 : index
      %swap3A_31 = vector.load %arg7[%swap3A, %swap3A_29, %swap3A_30] : memref<1x512x64xf32, #tpu.memory_space<vmem>>, vector<1x512x64xf32>
      %swap3A_32 = vector.shape_cast %swap3A_31 : vector<1x512x64xf32> to vector<512x64xf32>
      %swap3A_33 = vector.shape_cast %max3A : vector<512x64xf32> to vector<1x512x64xf32>
      tpu.vector_store %arg7[%swap3A, %swap3A_29, %swap3A_30], %swap3A_33 {strides = array<i32>} : memref<1x512x64xf32, #tpu.memory_space<vmem>>, vector<1x512x64xf32>,
    } else {
    }
    return
  }
  func.func @transform_0(%arg0: i32, %arg1: i32, %arg2: i32) -> (i32, i32, i32, i32) {
    %c0_i32 = arith.constant 0 : i32
    %c0_i32_0 = arith.constant 0 : i32
    return %arg2, %arg0, %arg1, %c0_i32 : i32, i32, i32, i32
  }
  func.func @transform_1(%arg0: i32, %arg1: i32, %arg2: i32) -> (i32, i32, i32) {
    %c0_i32 = arith.constant 0 : i32
    %c0_i32_0 = arith.constant 0 : i32
    return %arg0, %arg1, %c0_i32 : i32, i32, i32
  }
  func.func @transform_2(%arg0: i32, %arg1: i32, %arg2: i32) -> (i32, i32) {
    %c0_i32 = arith.constant 0 : i32
    %c0_i32_0 = arith.constant 0 : i32
    %c0_i32_1 = arith.constant 0 : i32
    return %c0_i32, %c0_i32_0 : i32, i32
  }
  func.func @transform_3(%arg0: i32, %arg1: i32, %arg2: i32) -> (i32, i32) {
    %c0_i32 = arith.constant 0 : i32
    %c0_i32_0 = arith.constant 0 : i32
    %c0_i32_1 = arith.constant 0 : i32
    return %c0_i32, %c0_i32_0 : i32, i32
  }
  func.func @transform_4(%arg0: i32, %arg1: i32, %arg2: i32) -> (i32, i32, i32) {
    %c0_i32 = arith.constant 0 : i32
    %c0_i32_0 = arith.constant 0 : i32
    return %arg0, %arg1, %c0_i32 : i32, i32, i32
  }
}

module attributes {stable_mosaic.version = 14 : i64} {
  func.func @_conv_max_body(%arg0: i32, %arg1: i32, %arg2: i32, %arg3: memref<1x1x512x128xf32, #tpu.memory_space<vmem>>, %arg4: memref<1x512x64xf32, #tpu.memory_space<vmem>>, %arg5: memref<128x128xf32, #tpu.memory_space<vmem>>, %arg6: memref<1x128xf32, #tpu.memory_space<vmem>>, %arg7: memref<1x512x128xf32, #tpu.memory_space<vmem>>) attributes {dimension_semantics = [#tpu.dimension_semantics<arbitrary>, #tpu.dimension_semantics<arbitrary>, #tpu.dimension_semantics<arbitrary>], iteration_bounds = array<i64: 8, 2, 20>, scalar_prefetch = 0 : i64, scratch_operands = 0 : i64, tpu.core_type = #tpu.core_type<tc>, window_params = [{transform_indices = @transform_0, window_bounds = array<i64: 1, 1, 512, 128>}, {transform_indices = @transform_1, window_bounds = array<i64: 1, 512, 64>}, {pipeline_mode = #tpu.pipeline_mode<synchronous>, transform_indices = @transform_2, window_bounds = array<i64: 128, 128>}, {pipeline_mode = #tpu.pipeline_mode<synchronous>, transform_indices = @transform_3, window_bounds = array<i64: 1, 128>}, {transform_indices = @transform_4, window_bounds = array<i64: 1, 512, 128>}]} {
    %get3A = arith.constant 0 : index
    %get3A_0 = arith.constant 0 : index
    %get3A_1 = arith.constant 0 : index
    %get3A_2 = vector.load %arg4[%get3A, %get3A_0, %get3A_1] : memref<1x512x64xf32, #tpu.memory_space<vmem>>, vector<1x512x64xf32>
    %get3A_3 = vector.shape_cast %get3A_2 : vector<1x512x64xf32> to vector<512x64xf32>
    %get3A_4 = arith.constant 0 : index
    %get3A_5 = arith.constant 0 : index
    %get3A_6 = arith.constant 0 : index
    %get3A_7 = arith.constant 0 : index
    %get3A_8 = vector.load %arg3[%get3A_4, %get3A_5, %get3A_6, %get3A_7] : memref<1x1x512x128xf32, #tpu.memory_space<vmem>>, vector<1x1x512x128xf32>
    %get3A_9 = vector.shape_cast %get3A_8 : vector<1x1x512x128xf32> to vector<512x128xf32>
    %slice3A = vector.extract_strided_slice %get3A_9 {offsets = [0, 0], sizes = [512, 64], strides = [1, 1]} : vector<512x128xf32> to vector<512x64xf32>
    %sub3A = arith.subf %slice3A, %get3A_3 : vector<512x64xf32>
    %concatenate3A = tpu.concatenate %sub3A, %get3A_3 in 1 : vector<512x64xf32>, vector<512x64xf32> -> vector<512x128xf32>
    %get3A_10 = arith.constant 0 : index
    %get3A_11 = arith.constant 0 : index
    %get3A_12 = vector.load %arg5[%get3A_10, %get3A_11] : memref<128x128xf32, #tpu.memory_space<vmem>>, vector<128x128xf32>
    %dot_general3A = arith.constant dense<0.000000e+00> : vector<512x128xf32>
    %dot_general3A_13 = tpu.matmul %concatenate3A, %get3A_12, %dot_general3A {dimension_numbers = #tpu.dot_dimension_numbers<[1], [0], [0], [1], [0, 0, 1, 1], [], []>, transpose_lhs_hint = false} : vector<512x128xf32>, vector<128x128xf32>, vector<512x128xf32> -> vector<512x128xf32>
    %get3A_14 = arith.constant 0 : index
    %get3A_15 = arith.constant 0 : index
    %get3A_16 = vector.load %arg6[%get3A_14, %get3A_15] : memref<1x128xf32, #tpu.memory_space<vmem>>, vector<1x128xf32>
    %mul3A = vector.broadcast %get3A_16 : vector<1x128xf32> to vector<512x128xf32>
    %mul3A_17 = arith.mulf %dot_general3A_13, %mul3A : vector<512x128xf32>
    %eq3A = arith.constant 0 : i32
    %eq3A_18 = arith.cmpi eq, %arg2, %eq3A : i32
    %convert_element_type3A = arith.extui %eq3A_18 : i1 to i32
    %cond3A = arith.constant 0 : i32
    %cond3A_19 = arith.cmpi ne, %convert_element_type3A, %cond3A : i32
    scf.if %cond3A_19 {
      %swap3A = arith.constant 0 : index
      %swap3A_24 = arith.constant 0 : index
      %swap3A_25 = arith.constant 0 : index
      %swap3A_26 = vector.load %arg7[%swap3A, %swap3A_24, %swap3A_25] : memref<1x512x128xf32, #tpu.memory_space<vmem>>, vector<1x512x128xf32>
      %swap3A_27 = vector.shape_cast %swap3A_26 : vector<1x512x128xf32> to vector<512x128xf32>
      %swap3A_28 = vector.shape_cast %mul3A_17 : vector<512x128xf32> to vector<1x512x128xf32>
      tpu.vector_store %arg7[%swap3A, %swap3A_24, %swap3A_25], %swap3A_28 {strides = array<i32>} : memref<1x512x128xf32, #tpu.memory_space<vmem>>, vector<1x512x128xf32>,
    } else {
    }
    %gt3A = arith.constant 0 : i32
    %gt3A_20 = arith.cmpi sgt, %arg2, %gt3A : i32
    %convert_element_type3A_21 = arith.extui %gt3A_20 : i1 to i32
    %cond3A_22 = arith.constant 0 : i32
    %cond3A_23 = arith.cmpi ne, %convert_element_type3A_21, %cond3A_22 : i32
    scf.if %cond3A_23 {
      %get3A_24 = arith.constant 0 : index
      %get3A_25 = arith.constant 0 : index
      %get3A_26 = arith.constant 0 : index
      %get3A_27 = vector.load %arg7[%get3A_24, %get3A_25, %get3A_26] : memref<1x512x128xf32, #tpu.memory_space<vmem>>, vector<1x512x128xf32>
      %get3A_28 = vector.shape_cast %get3A_27 : vector<1x512x128xf32> to vector<512x128xf32>
      %max3A = arith.maximumf %get3A_28, %mul3A_17 : vector<512x128xf32>
      %swap3A = arith.constant 0 : index
      %swap3A_29 = arith.constant 0 : index
      %swap3A_30 = arith.constant 0 : index
      %swap3A_31 = vector.load %arg7[%swap3A, %swap3A_29, %swap3A_30] : memref<1x512x128xf32, #tpu.memory_space<vmem>>, vector<1x512x128xf32>
      %swap3A_32 = vector.shape_cast %swap3A_31 : vector<1x512x128xf32> to vector<512x128xf32>
      %swap3A_33 = vector.shape_cast %max3A : vector<512x128xf32> to vector<1x512x128xf32>
      tpu.vector_store %arg7[%swap3A, %swap3A_29, %swap3A_30], %swap3A_33 {strides = array<i32>} : memref<1x512x128xf32, #tpu.memory_space<vmem>>, vector<1x512x128xf32>,
    } else {
    }
    return
  }
  func.func @transform_0(%arg0: i32, %arg1: i32, %arg2: i32) -> (i32, i32, i32, i32) {
    %c0_i32 = arith.constant 0 : i32
    %c0_i32_0 = arith.constant 0 : i32
    return %arg2, %arg0, %arg1, %c0_i32 : i32, i32, i32, i32
  }
  func.func @transform_1(%arg0: i32, %arg1: i32, %arg2: i32) -> (i32, i32, i32) {
    %c0_i32 = arith.constant 0 : i32
    %c0_i32_0 = arith.constant 0 : i32
    return %arg0, %arg1, %c0_i32 : i32, i32, i32
  }
  func.func @transform_2(%arg0: i32, %arg1: i32, %arg2: i32) -> (i32, i32) {
    %c0_i32 = arith.constant 0 : i32
    %c0_i32_0 = arith.constant 0 : i32
    %c0_i32_1 = arith.constant 0 : i32
    return %c0_i32, %c0_i32_0 : i32, i32
  }
  func.func @transform_3(%arg0: i32, %arg1: i32, %arg2: i32) -> (i32, i32) {
    %c0_i32 = arith.constant 0 : i32
    %c0_i32_0 = arith.constant 0 : i32
    %c0_i32_1 = arith.constant 0 : i32
    return %c0_i32, %c0_i32_0 : i32, i32
  }
  func.func @transform_4(%arg0: i32, %arg1: i32, %arg2: i32) -> (i32, i32, i32) {
    %c0_i32 = arith.constant 0 : i32
    %c0_i32_0 = arith.constant 0 : i32
    return %arg0, %arg1, %c0_i32 : i32, i32, i32
  }
}

module attributes {stable_mosaic.version = 14 : i64} {
  func.func @_transpose_body(%arg0: i32, %arg1: memref<1x1024x128xf32, #tpu.memory_space<vmem>>, %arg2: memref<1x128x1024xf32, #tpu.memory_space<vmem>>) attributes {dimension_semantics = [#tpu.dimension_semantics<arbitrary>], iteration_bounds = array<i64: 8>, scalar_prefetch = 0 : i64, scratch_operands = 0 : i64, tpu.core_type = #tpu.core_type<tc>, window_params = [{transform_indices = @transform_0, window_bounds = array<i64: 1, 1024, 128>}, {transform_indices = @transform_1, window_bounds = array<i64: 1, 128, 1024>}]} {
    %get3A = arith.constant 0 : index
    %get3A_0 = arith.constant 0 : index
    %get3A_1 = arith.constant 0 : index
    %get3A_2 = vector.load %arg1[%get3A, %get3A_0, %get3A_1] : memref<1x1024x128xf32, #tpu.memory_space<vmem>>, vector<1x1024x128xf32>
    %get3A_3 = vector.shape_cast %get3A_2 : vector<1x1024x128xf32> to vector<1024x128xf32>
    %transpose3A = tpu.transpose %get3A_3, [1, 0] : vector<1024x128xf32> -> vector<128x1024xf32>
    %swap3A = arith.constant 0 : index
    %swap3A_4 = arith.constant 0 : index
    %swap3A_5 = arith.constant 0 : index
    %swap3A_6 = vector.load %arg2[%swap3A, %swap3A_4, %swap3A_5] : memref<1x128x1024xf32, #tpu.memory_space<vmem>>, vector<1x128x1024xf32>
    %swap3A_7 = vector.shape_cast %swap3A_6 : vector<1x128x1024xf32> to vector<128x1024xf32>
    %swap3A_8 = vector.shape_cast %transpose3A : vector<128x1024xf32> to vector<1x128x1024xf32>
    tpu.vector_store %arg2[%swap3A, %swap3A_4, %swap3A_5], %swap3A_8 {strides = array<i32>} : memref<1x128x1024xf32, #tpu.memory_space<vmem>>, vector<1x128x1024xf32>,
    return
  }
  func.func @transform_0(%arg0: i32) -> (i32, i32, i32) {
    %c0_i32 = arith.constant 0 : i32
    %c0_i32_0 = arith.constant 0 : i32
    %c0_i32_1 = arith.constant 0 : i32
    return %arg0, %c0_i32, %c0_i32_0 : i32, i32, i32
  }
  func.func @transform_1(%arg0: i32) -> (i32, i32, i32) {
    %c0_i32 = arith.constant 0 : i32
    %c0_i32_0 = arith.constant 0 : i32
    %c0_i32_1 = arith.constant 0 : i32
    return %arg0, %c0_i32, %c0_i32_0 : i32, i32, i32
  }
}

module attributes {stable_mosaic.version = 14 : i64} {
  func.func @_knn_tc_body(%arg0: i32, %arg1: memref<1x1024x128xf32, #tpu.memory_space<vmem>>, %arg2: memref<1x20x1024xi32, #tpu.memory_space<vmem>>) attributes {dimension_semantics = [#tpu.dimension_semantics<arbitrary>], iteration_bounds = array<i64: 8>, scalar_prefetch = 0 : i64, scratch_operands = 0 : i64, tpu.core_type = #tpu.core_type<tc>, window_params = [{transform_indices = @transform_0, window_bounds = array<i64: 1, 1024, 128>}, {transform_indices = @transform_1, window_bounds = array<i64: 1, 20, 1024>}]} {
    %get3A = arith.constant 0 : index
    %get3A_0 = arith.constant 0 : index
    %get3A_1 = arith.constant 0 : index
    %get3A_2 = vector.load %arg1[%get3A, %get3A_0, %get3A_1] : memref<1x1024x128xf32, #tpu.memory_space<vmem>>, vector<1x1024x128xf32>
    %get3A_3 = vector.shape_cast %get3A_2 : vector<1x1024x128xf32> to vector<1024x128xf32>
    %dot_general3A = arith.constant dense<0.000000e+00> : vector<1024x1024xf32>
    %dot_general3A_4 = tpu.matmul %get3A_3, %get3A_3, %dot_general3A {dimension_numbers = #tpu.dot_dimension_numbers<[1], [1], [0], [0], [0, 0, 1, 0], [], []>, transpose_lhs_hint = false} : vector<1024x128xf32>, vector<1024x128xf32>, vector<1024x1024xf32> -> vector<1024x1024xf32>
    %mul3A = arith.constant -2.000000e+00 : f32
    %mul3A_5 = vector.broadcast %mul3A : f32 to vector<1024x1024xf32>
    %mul3A_6 = arith.mulf %mul3A_5, %dot_general3A_4 : vector<1024x1024xf32>
    %mul3A_7 = arith.mulf %get3A_3, %get3A_3 : vector<1024x128xf32>
    %reduce_sum3A = arith.constant dense<0.000000e+00> : vector<1024xf32>
    %reduce_sum3A_8 = vector.multi_reduction <add>, %mul3A_7, %reduce_sum3A [1] : vector<1024x128xf32> to vector<1024xf32>
    %broadcast_in_dim3A = vector.shape_cast %reduce_sum3A_8 : vector<1024xf32> to vector<1024x1xf32>
    %neg3A = arith.constant 0.000000e+00 : f32
    %neg3A_9 = vector.broadcast %neg3A : f32 to vector<1024x1xf32>
    %neg3A_10 = arith.subf %neg3A_9, %broadcast_in_dim3A : vector<1024x1xf32>
    %sub3A = vector.broadcast %neg3A_10 : vector<1024x1xf32> to vector<1024x1024xf32>
    %sub3A_11 = arith.subf %sub3A, %mul3A_6 : vector<1024x1024xf32>
    %broadcast_in_dim3A_12 = vector.shape_cast %reduce_sum3A_8 : vector<1024xf32> to vector<1x1024xf32>
    %sub3A_13 = vector.broadcast %broadcast_in_dim3A_12 : vector<1x1024xf32> to vector<1024x1024xf32>
    %sub3A_14 = arith.subf %sub3A_11, %sub3A_13 : vector<1024x1024xf32>
    %iota3A = tpu.iota {dimensions = array<i32: 1>} : vector<1024x1024xi32>
    %mul3A_15 = arith.constant 1024 : i32
    %mul3A_16 = arith.muli %arg0, %mul3A_15 : i32
    %reduce_max3A = arith.constant dense<0xFF800000> : vector<1024xf32>
    %reduce_max3A_17 = vector.multi_reduction <maximumf>, %sub3A_14, %reduce_max3A [1] : vector<1024x1024xf32> to vector<1024xf32>
    %broadcast_in_dim3A_18 = vector.shape_cast %reduce_max3A_17 : vector<1024xf32> to vector<1024x1xf32>
    %eq3A = vector.broadcast %broadcast_in_dim3A_18 : vector<1024x1xf32> to vector<1024x1024xf32>
    %eq3A_19 = arith.cmpf oeq, %sub3A_14, %eq3A : vector<1024x1024xf32>
    %jit3A = arith.constant 1024 : i32
    %broadcast_in_dim3A_20 = vector.broadcast %jit3A : i32 to vector<1024x1024xi32>
    %select_n3A = arith.select %eq3A_19, %iota3A, %broadcast_in_dim3A_20 : vector<1024x1024xi1>, vector<1024x1024xi32>
    %reduce_min3A = arith.constant dense<2147483647> : vector<1024xi32>
    %reduce_min3A_21 = vector.multi_reduction <minsi>, %select_n3A, %reduce_min3A [1] : vector<1024x1024xi32> to vector<1024xi32>
    %add3A = vector.broadcast %mul3A_16 : i32 to vector<1024xi32>
    %add3A_22 = arith.addi %reduce_min3A_21, %add3A : vector<1024xi32>
    %swap3A = arith.constant 0 : index
    %swap3A_23 = arith.constant 0 : index
    %swap3A_24 = arith.constant 0 : index
    %swap3A_25 = vector.load %arg2[%swap3A, %swap3A_23, %swap3A_24] : memref<1x20x1024xi32, #tpu.memory_space<vmem>>, vector<1x1x1024xi32>
    %swap3A_26 = vector.shape_cast %swap3A_25 : vector<1x1x1024xi32> to vector<1024xi32>
    %swap3A_27 = vector.shape_cast %add3A_22 : vector<1024xi32> to vector<1x1x1024xi32>
    tpu.vector_store %arg2[%swap3A, %swap3A_23, %swap3A_24], %swap3A_27 {strides = array<i32>} : memref<1x20x1024xi32, #tpu.memory_space<vmem>>, vector<1x1x1024xi32>,
    %broadcast_in_dim3A_28 = vector.shape_cast %reduce_min3A_21 : vector<1024xi32> to vector<1024x1xi32>
    %eq3A_29 = vector.broadcast %broadcast_in_dim3A_28 : vector<1024x1xi32> to vector<1024x1024xi32>
    %eq3A_30 = arith.cmpi eq, %iota3A, %eq3A_29 : vector<1024x1024xi32>
    %jit3A_31 = arith.constant 0xFF800000 : f32
    %broadcast_in_dim3A_32 = vector.broadcast %jit3A_31 : f32 to vector<1024x1024xf32>
    %select_n3A_33 = arith.select %eq3A_30, %broadcast_in_dim3A_32, %sub3A_14 : vector<1024x1024xi1>, vector<1024x1024xf32>
    %reduce_max3A_34 = arith.constant dense<0xFF800000> : vector<1024xf32>
    %reduce_max3A_35 = vector.multi_reduction <maximumf>, %select_n3A_33, %reduce_max3A_34 [1] : vector<1024x1024xf32> to vector<1024xf32>
    %broadcast_in_dim3A_36 = vector.shape_cast %reduce_max3A_35 : vector<1024xf32> to vector<1024x1xf32>
    %eq3A_37 = vector.broadcast %broadcast_in_dim3A_36 : vector<1024x1xf32> to vector<1024x1024xf32>
    %eq3A_38 = arith.cmpf oeq, %select_n3A_33, %eq3A_37 : vector<1024x1024xf32>
    %jit3A_39 = arith.constant 1024 : i32
    %broadcast_in_dim3A_40 = vector.broadcast %jit3A_39 : i32 to vector<1024x1024xi32>
    %select_n3A_41 = arith.select %eq3A_38, %iota3A, %broadcast_in_dim3A_40 : vector<1024x1024xi1>, vector<1024x1024xi32>
    %reduce_min3A_42 = arith.constant dense<2147483647> : vector<1024xi32>
    %reduce_min3A_43 = vector.multi_reduction <minsi>, %select_n3A_41, %reduce_min3A_42 [1] : vector<1024x1024xi32> to vector<1024xi32>
    %add3A_44 = vector.broadcast %mul3A_16 : i32 to vector<1024xi32>
    %add3A_45 = arith.addi %reduce_min3A_43, %add3A_44 : vector<1024xi32>
    %swap3A_46 = arith.constant 0 : index
    %swap3A_47 = arith.constant 1 : index
    %swap3A_48 = arith.constant 0 : index
    %swap3A_49 = vector.load %arg2[%swap3A_46, %swap3A_47, %swap3A_48] : memref<1x20x1024xi32, #tpu.memory_space<vmem>>, vector<1x1x1024xi32>
    %swap3A_50 = vector.shape_cast %swap3A_49 : vector<1x1x1024xi32> to vector<1024xi32>
    %swap3A_51 = vector.shape_cast %add3A_45 : vector<1024xi32> to vector<1x1x1024xi32>
    tpu.vector_store %arg2[%swap3A_46, %swap3A_47, %swap3A_48], %swap3A_51 {strides = array<i32>} : memref<1x20x1024xi32, #tpu.memory_space<vmem>>, vector<1x1x1024xi32>,
    %broadcast_in_dim3A_52 = vector.shape_cast %reduce_min3A_43 : vector<1024xi32> to vector<1024x1xi32>
    %eq3A_53 = vector.broadcast %broadcast_in_dim3A_52 : vector<1024x1xi32> to vector<1024x1024xi32>
    %eq3A_54 = arith.cmpi eq, %iota3A, %eq3A_53 : vector<1024x1024xi32>
    %jit3A_55 = arith.constant 0xFF800000 : f32
    %broadcast_in_dim3A_56 = vector.broadcast %jit3A_55 : f32 to vector<1024x1024xf32>
    %select_n3A_57 = arith.select %eq3A_54, %broadcast_in_dim3A_56, %select_n3A_33 : vector<1024x1024xi1>, vector<1024x1024xf32>
    %reduce_max3A_58 = arith.constant dense<0xFF800000> : vector<1024xf32>
    %reduce_max3A_59 = vector.multi_reduction <maximumf>, %select_n3A_57, %reduce_max3A_58 [1] : vector<1024x1024xf32> to vector<1024xf32>
    %broadcast_in_dim3A_60 = vector.shape_cast %reduce_max3A_59 : vector<1024xf32> to vector<1024x1xf32>
    %eq3A_61 = vector.broadcast %broadcast_in_dim3A_60 : vector<1024x1xf32> to vector<1024x1024xf32>
    %eq3A_62 = arith.cmpf oeq, %select_n3A_57, %eq3A_61 : vector<1024x1024xf32>
    %jit3A_63 = arith.constant 1024 : i32
    %broadcast_in_dim3A_64 = vector.broadcast %jit3A_63 : i32 to vector<1024x1024xi32>
    %select_n3A_65 = arith.select %eq3A_62, %iota3A, %broadcast_in_dim3A_64 : vector<1024x1024xi1>, vector<1024x1024xi32>
    %reduce_min3A_66 = arith.constant dense<2147483647> : vector<1024xi32>
    %reduce_min3A_67 = vector.multi_reduction <minsi>, %select_n3A_65, %reduce_min3A_66 [1] : vector<1024x1024xi32> to vector<1024xi32>
    %add3A_68 = vector.broadcast %mul3A_16 : i32 to vector<1024xi32>
    %add3A_69 = arith.addi %reduce_min3A_67, %add3A_68 : vector<1024xi32>
    %swap3A_70 = arith.constant 0 : index
    %swap3A_71 = arith.constant 2 : index
    %swap3A_72 = arith.constant 0 : index
    %swap3A_73 = vector.load %arg2[%swap3A_70, %swap3A_71, %swap3A_72] : memref<1x20x1024xi32, #tpu.memory_space<vmem>>, vector<1x1x1024xi32>
    %swap3A_74 = vector.shape_cast %swap3A_73 : vector<1x1x1024xi32> to vector<1024xi32>
    %swap3A_75 = vector.shape_cast %add3A_69 : vector<1024xi32> to vector<1x1x1024xi32>
    tpu.vector_store %arg2[%swap3A_70, %swap3A_71, %swap3A_72], %swap3A_75 {strides = array<i32>} : memref<1x20x1024xi32, #tpu.memory_space<vmem>>, vector<1x1x1024xi32>,
    %broadcast_in_dim3A_76 = vector.shape_cast %reduce_min3A_67 : vector<1024xi32> to vector<1024x1xi32>
    %eq3A_77 = vector.broadcast %broadcast_in_dim3A_76 : vector<1024x1xi32> to vector<1024x1024xi32>
    %eq3A_78 = arith.cmpi eq, %iota3A, %eq3A_77 : vector<1024x1024xi32>
    %jit3A_79 = arith.constant 0xFF800000 : f32
    %broadcast_in_dim3A_80 = vector.broadcast %jit3A_79 : f32 to vector<1024x1024xf32>
    %select_n3A_81 = arith.select %eq3A_78, %broadcast_in_dim3A_80, %select_n3A_57 : vector<1024x1024xi1>, vector<1024x1024xf32>
    %reduce_max3A_82 = arith.constant dense<0xFF800000> : vector<1024xf32>
    %reduce_max3A_83 = vector.multi_reduction <maximumf>, %select_n3A_81, %reduce_max3A_82 [1] : vector<1024x1024xf32> to vector<1024xf32>
    %broadcast_in_dim3A_84 = vector.shape_cast %reduce_max3A_83 : vector<1024xf32> to vector<1024x1xf32>
    %eq3A_85 = vector.broadcast %broadcast_in_dim3A_84 : vector<1024x1xf32> to vector<1024x1024xf32>
    %eq3A_86 = arith.cmpf oeq, %select_n3A_81, %eq3A_85 : vector<1024x1024xf32>
    %jit3A_87 = arith.constant 1024 : i32
    %broadcast_in_dim3A_88 = vector.broadcast %jit3A_87 : i32 to vector<1024x1024xi32>
    %select_n3A_89 = arith.select %eq3A_86, %iota3A, %broadcast_in_dim3A_88 : vector<1024x1024xi1>, vector<1024x1024xi32>
    %reduce_min3A_90 = arith.constant dense<2147483647> : vector<1024xi32>
    %reduce_min3A_91 = vector.multi_reduction <minsi>, %select_n3A_89, %reduce_min3A_90 [1] : vector<1024x1024xi32> to vector<1024xi32>
    %add3A_92 = vector.broadcast %mul3A_16 : i32 to vector<1024xi32>
    %add3A_93 = arith.addi %reduce_min3A_91, %add3A_92 : vector<1024xi32>
    %swap3A_94 = arith.constant 0 : index
    %swap3A_95 = arith.constant 3 : index
    %swap3A_96 = arith.constant 0 : index
    %swap3A_97 = vector.load %arg2[%swap3A_94, %swap3A_95, %swap3A_96] : memref<1x20x1024xi32, #tpu.memory_space<vmem>>, vector<1x1x1024xi32>
    %swap3A_98 = vector.shape_cast %swap3A_97 : vector<1x1x1024xi32> to vector<1024xi32>
    %swap3A_99 = vector.shape_cast %add3A_93 : vector<1024xi32> to vector<1x1x1024xi32>
    tpu.vector_store %arg2[%swap3A_94, %swap3A_95, %swap3A_96], %swap3A_99 {strides = array<i32>} : memref<1x20x1024xi32, #tpu.memory_space<vmem>>, vector<1x1x1024xi32>,
    %broadcast_in_dim3A_100 = vector.shape_cast %reduce_min3A_91 : vector<1024xi32> to vector<1024x1xi32>
    %eq3A_101 = vector.broadcast %broadcast_in_dim3A_100 : vector<1024x1xi32> to vector<1024x1024xi32>
    %eq3A_102 = arith.cmpi eq, %iota3A, %eq3A_101 : vector<1024x1024xi32>
    %jit3A_103 = arith.constant 0xFF800000 : f32
    %broadcast_in_dim3A_104 = vector.broadcast %jit3A_103 : f32 to vector<1024x1024xf32>
    %select_n3A_105 = arith.select %eq3A_102, %broadcast_in_dim3A_104, %select_n3A_81 : vector<1024x1024xi1>, vector<1024x1024xf32>
    %reduce_max3A_106 = arith.constant dense<0xFF800000> : vector<1024xf32>
    %reduce_max3A_107 = vector.multi_reduction <maximumf>, %select_n3A_105, %reduce_max3A_106 [1] : vector<1024x1024xf32> to vector<1024xf32>
    %broadcast_in_dim3A_108 = vector.shape_cast %reduce_max3A_107 : vector<1024xf32> to vector<1024x1xf32>
    %eq3A_109 = vector.broadcast %broadcast_in_dim3A_108 : vector<1024x1xf32> to vector<1024x1024xf32>
    %eq3A_110 = arith.cmpf oeq, %select_n3A_105, %eq3A_109 : vector<1024x1024xf32>
    %jit3A_111 = arith.constant 1024 : i32
    %broadcast_in_dim3A_112 = vector.broadcast %jit3A_111 : i32 to vector<1024x1024xi32>
    %select_n3A_113 = arith.select %eq3A_110, %iota3A, %broadcast_in_dim3A_112 : vector<1024x1024xi1>, vector<1024x1024xi32>
    %reduce_min3A_114 = arith.constant dense<2147483647> : vector<1024xi32>
    %reduce_min3A_115 = vector.multi_reduction <minsi>, %select_n3A_113, %reduce_min3A_114 [1] : vector<1024x1024xi32> to vector<1024xi32>
    %add3A_116 = vector.broadcast %mul3A_16 : i32 to vector<1024xi32>
    %add3A_117 = arith.addi %reduce_min3A_115, %add3A_116 : vector<1024xi32>
    %swap3A_118 = arith.constant 0 : index
    %swap3A_119 = arith.constant 4 : index
    %swap3A_120 = arith.constant 0 : index
    %swap3A_121 = vector.load %arg2[%swap3A_118, %swap3A_119, %swap3A_120] : memref<1x20x1024xi32, #tpu.memory_space<vmem>>, vector<1x1x1024xi32>
    %swap3A_122 = vector.shape_cast %swap3A_121 : vector<1x1x1024xi32> to vector<1024xi32>
    %swap3A_123 = vector.shape_cast %add3A_117 : vector<1024xi32> to vector<1x1x1024xi32>
    tpu.vector_store %arg2[%swap3A_118, %swap3A_119, %swap3A_120], %swap3A_123 {strides = array<i32>} : memref<1x20x1024xi32, #tpu.memory_space<vmem>>, vector<1x1x1024xi32>,
    %broadcast_in_dim3A_124 = vector.shape_cast %reduce_min3A_115 : vector<1024xi32> to vector<1024x1xi32>
    %eq3A_125 = vector.broadcast %broadcast_in_dim3A_124 : vector<1024x1xi32> to vector<1024x1024xi32>
    %eq3A_126 = arith.cmpi eq, %iota3A, %eq3A_125 : vector<1024x1024xi32>
    %jit3A_127 = arith.constant 0xFF800000 : f32
    %broadcast_in_dim3A_128 = vector.broadcast %jit3A_127 : f32 to vector<1024x1024xf32>
    %select_n3A_129 = arith.select %eq3A_126, %broadcast_in_dim3A_128, %select_n3A_105 : vector<1024x1024xi1>, vector<1024x1024xf32>
    %reduce_max3A_130 = arith.constant dense<0xFF800000> : vector<1024xf32>
    %reduce_max3A_131 = vector.multi_reduction <maximumf>, %select_n3A_129, %reduce_max3A_130 [1] : vector<1024x1024xf32> to vector<1024xf32>
    %broadcast_in_dim3A_132 = vector.shape_cast %reduce_max3A_131 : vector<1024xf32> to vector<1024x1xf32>
    %eq3A_133 = vector.broadcast %broadcast_in_dim3A_132 : vector<1024x1xf32> to vector<1024x1024xf32>
    %eq3A_134 = arith.cmpf oeq, %select_n3A_129, %eq3A_133 : vector<1024x1024xf32>
    %jit3A_135 = arith.constant 1024 : i32
    %broadcast_in_dim3A_136 = vector.broadcast %jit3A_135 : i32 to vector<1024x1024xi32>
    %select_n3A_137 = arith.select %eq3A_134, %iota3A, %broadcast_in_dim3A_136 : vector<1024x1024xi1>, vector<1024x1024xi32>
    %reduce_min3A_138 = arith.constant dense<2147483647> : vector<1024xi32>
    %reduce_min3A_139 = vector.multi_reduction <minsi>, %select_n3A_137, %reduce_min3A_138 [1] : vector<1024x1024xi32> to vector<1024xi32>
    %add3A_140 = vector.broadcast %mul3A_16 : i32 to vector<1024xi32>
    %add3A_141 = arith.addi %reduce_min3A_139, %add3A_140 : vector<1024xi32>
    %swap3A_142 = arith.constant 0 : index
    %swap3A_143 = arith.constant 5 : index
    %swap3A_144 = arith.constant 0 : index
    %swap3A_145 = vector.load %arg2[%swap3A_142, %swap3A_143, %swap3A_144] : memref<1x20x1024xi32, #tpu.memory_space<vmem>>, vector<1x1x1024xi32>
    %swap3A_146 = vector.shape_cast %swap3A_145 : vector<1x1x1024xi32> to vector<1024xi32>
    %swap3A_147 = vector.shape_cast %add3A_141 : vector<1024xi32> to vector<1x1x1024xi32>
    tpu.vector_store %arg2[%swap3A_142, %swap3A_143, %swap3A_144], %swap3A_147 {strides = array<i32>} : memref<1x20x1024xi32, #tpu.memory_space<vmem>>, vector<1x1x1024xi32>,
    %broadcast_in_dim3A_148 = vector.shape_cast %reduce_min3A_139 : vector<1024xi32> to vector<1024x1xi32>
    %eq3A_149 = vector.broadcast %broadcast_in_dim3A_148 : vector<1024x1xi32> to vector<1024x1024xi32>
    %eq3A_150 = arith.cmpi eq, %iota3A, %eq3A_149 : vector<1024x1024xi32>
    %jit3A_151 = arith.constant 0xFF800000 : f32
    %broadcast_in_dim3A_152 = vector.broadcast %jit3A_151 : f32 to vector<1024x1024xf32>
    %select_n3A_153 = arith.select %eq3A_150, %broadcast_in_dim3A_152, %select_n3A_129 : vector<1024x1024xi1>, vector<1024x1024xf32>
    %reduce_max3A_154 = arith.constant dense<0xFF800000> : vector<1024xf32>
    %reduce_max3A_155 = vector.multi_reduction <maximumf>, %select_n3A_153, %reduce_max3A_154 [1] : vector<1024x1024xf32> to vector<1024xf32>
    %broadcast_in_dim3A_156 = vector.shape_cast %reduce_max3A_155 : vector<1024xf32> to vector<1024x1xf32>
    %eq3A_157 = vector.broadcast %broadcast_in_dim3A_156 : vector<1024x1xf32> to vector<1024x1024xf32>
    %eq3A_158 = arith.cmpf oeq, %select_n3A_153, %eq3A_157 : vector<1024x1024xf32>
    %jit3A_159 = arith.constant 1024 : i32
    %broadcast_in_dim3A_160 = vector.broadcast %jit3A_159 : i32 to vector<1024x1024xi32>
    %select_n3A_161 = arith.select %eq3A_158, %iota3A, %broadcast_in_dim3A_160 : vector<1024x1024xi1>, vector<1024x1024xi32>
    %reduce_min3A_162 = arith.constant dense<2147483647> : vector<1024xi32>
    %reduce_min3A_163 = vector.multi_reduction <minsi>, %select_n3A_161, %reduce_min3A_162 [1] : vector<1024x1024xi32> to vector<1024xi32>
    %add3A_164 = vector.broadcast %mul3A_16 : i32 to vector<1024xi32>
    %add3A_165 = arith.addi %reduce_min3A_163, %add3A_164 : vector<1024xi32>
    %swap3A_166 = arith.constant 0 : index
    %swap3A_167 = arith.constant 6 : index
    %swap3A_168 = arith.constant 0 : index
    %swap3A_169 = vector.load %arg2[%swap3A_166, %swap3A_167, %swap3A_168] : memref<1x20x1024xi32, #tpu.memory_space<vmem>>, vector<1x1x1024xi32>
    %swap3A_170 = vector.shape_cast %swap3A_169 : vector<1x1x1024xi32> to vector<1024xi32>
    %swap3A_171 = vector.shape_cast %add3A_165 : vector<1024xi32> to vector<1x1x1024xi32>
    tpu.vector_store %arg2[%swap3A_166, %swap3A_167, %swap3A_168], %swap3A_171 {strides = array<i32>} : memref<1x20x1024xi32, #tpu.memory_space<vmem>>, vector<1x1x1024xi32>,
    %broadcast_in_dim3A_172 = vector.shape_cast %reduce_min3A_163 : vector<1024xi32> to vector<1024x1xi32>
    %eq3A_173 = vector.broadcast %broadcast_in_dim3A_172 : vector<1024x1xi32> to vector<1024x1024xi32>
    %eq3A_174 = arith.cmpi eq, %iota3A, %eq3A_173 : vector<1024x1024xi32>
    %jit3A_175 = arith.constant 0xFF800000 : f32
    %broadcast_in_dim3A_176 = vector.broadcast %jit3A_175 : f32 to vector<1024x1024xf32>
    %select_n3A_177 = arith.select %eq3A_174, %broadcast_in_dim3A_176, %select_n3A_153 : vector<1024x1024xi1>, vector<1024x1024xf32>
    %reduce_max3A_178 = arith.constant dense<0xFF800000> : vector<1024xf32>
    %reduce_max3A_179 = vector.multi_reduction <maximumf>, %select_n3A_177, %reduce_max3A_178 [1] : vector<1024x1024xf32> to vector<1024xf32>
    %broadcast_in_dim3A_180 = vector.shape_cast %reduce_max3A_179 : vector<1024xf32> to vector<1024x1xf32>
    %eq3A_181 = vector.broadcast %broadcast_in_dim3A_180 : vector<1024x1xf32> to vector<1024x1024xf32>
    %eq3A_182 = arith.cmpf oeq, %select_n3A_177, %eq3A_181 : vector<1024x1024xf32>
    %jit3A_183 = arith.constant 1024 : i32
    %broadcast_in_dim3A_184 = vector.broadcast %jit3A_183 : i32 to vector<1024x1024xi32>
    %select_n3A_185 = arith.select %eq3A_182, %iota3A, %broadcast_in_dim3A_184 : vector<1024x1024xi1>, vector<1024x1024xi32>
    %reduce_min3A_186 = arith.constant dense<2147483647> : vector<1024xi32>
    %reduce_min3A_187 = vector.multi_reduction <minsi>, %select_n3A_185, %reduce_min3A_186 [1] : vector<1024x1024xi32> to vector<1024xi32>
    %add3A_188 = vector.broadcast %mul3A_16 : i32 to vector<1024xi32>
    %add3A_189 = arith.addi %reduce_min3A_187, %add3A_188 : vector<1024xi32>
    %swap3A_190 = arith.constant 0 : index
    %swap3A_191 = arith.constant 7 : index
    %swap3A_192 = arith.constant 0 : index
    %swap3A_193 = vector.load %arg2[%swap3A_190, %swap3A_191, %swap3A_192] : memref<1x20x1024xi32, #tpu.memory_space<vmem>>, vector<1x1x1024xi32>
    %swap3A_194 = vector.shape_cast %swap3A_193 : vector<1x1x1024xi32> to vector<1024xi32>
    %swap3A_195 = vector.shape_cast %add3A_189 : vector<1024xi32> to vector<1x1x1024xi32>
    tpu.vector_store %arg2[%swap3A_190, %swap3A_191, %swap3A_192], %swap3A_195 {strides = array<i32>} : memref<1x20x1024xi32, #tpu.memory_space<vmem>>, vector<1x1x1024xi32>,
    %broadcast_in_dim3A_196 = vector.shape_cast %reduce_min3A_187 : vector<1024xi32> to vector<1024x1xi32>
    %eq3A_197 = vector.broadcast %broadcast_in_dim3A_196 : vector<1024x1xi32> to vector<1024x1024xi32>
    %eq3A_198 = arith.cmpi eq, %iota3A, %eq3A_197 : vector<1024x1024xi32>
    %jit3A_199 = arith.constant 0xFF800000 : f32
    %broadcast_in_dim3A_200 = vector.broadcast %jit3A_199 : f32 to vector<1024x1024xf32>
    %select_n3A_201 = arith.select %eq3A_198, %broadcast_in_dim3A_200, %select_n3A_177 : vector<1024x1024xi1>, vector<1024x1024xf32>
    %reduce_max3A_202 = arith.constant dense<0xFF800000> : vector<1024xf32>
    %reduce_max3A_203 = vector.multi_reduction <maximumf>, %select_n3A_201, %reduce_max3A_202 [1] : vector<1024x1024xf32> to vector<1024xf32>
    %broadcast_in_dim3A_204 = vector.shape_cast %reduce_max3A_203 : vector<1024xf32> to vector<1024x1xf32>
    %eq3A_205 = vector.broadcast %broadcast_in_dim3A_204 : vector<1024x1xf32> to vector<1024x1024xf32>
    %eq3A_206 = arith.cmpf oeq, %select_n3A_201, %eq3A_205 : vector<1024x1024xf32>
    %jit3A_207 = arith.constant 1024 : i32
    %broadcast_in_dim3A_208 = vector.broadcast %jit3A_207 : i32 to vector<1024x1024xi32>
    %select_n3A_209 = arith.select %eq3A_206, %iota3A, %broadcast_in_dim3A_208 : vector<1024x1024xi1>, vector<1024x1024xi32>
    %reduce_min3A_210 = arith.constant dense<2147483647> : vector<1024xi32>
    %reduce_min3A_211 = vector.multi_reduction <minsi>, %select_n3A_209, %reduce_min3A_210 [1] : vector<1024x1024xi32> to vector<1024xi32>
    %add3A_212 = vector.broadcast %mul3A_16 : i32 to vector<1024xi32>
    %add3A_213 = arith.addi %reduce_min3A_211, %add3A_212 : vector<1024xi32>
    %swap3A_214 = arith.constant 0 : index
    %swap3A_215 = arith.constant 8 : index
    %swap3A_216 = arith.constant 0 : index
    %swap3A_217 = vector.load %arg2[%swap3A_214, %swap3A_215, %swap3A_216] : memref<1x20x1024xi32, #tpu.memory_space<vmem>>, vector<1x1x1024xi32>
    %swap3A_218 = vector.shape_cast %swap3A_217 : vector<1x1x1024xi32> to vector<1024xi32>
    %swap3A_219 = vector.shape_cast %add3A_213 : vector<1024xi32> to vector<1x1x1024xi32>
    tpu.vector_store %arg2[%swap3A_214, %swap3A_215, %swap3A_216], %swap3A_219 {strides = array<i32>} : memref<1x20x1024xi32, #tpu.memory_space<vmem>>, vector<1x1x1024xi32>,
    %broadcast_in_dim3A_220 = vector.shape_cast %reduce_min3A_211 : vector<1024xi32> to vector<1024x1xi32>
    %eq3A_221 = vector.broadcast %broadcast_in_dim3A_220 : vector<1024x1xi32> to vector<1024x1024xi32>
    %eq3A_222 = arith.cmpi eq, %iota3A, %eq3A_221 : vector<1024x1024xi32>
    %jit3A_223 = arith.constant 0xFF800000 : f32
    %broadcast_in_dim3A_224 = vector.broadcast %jit3A_223 : f32 to vector<1024x1024xf32>
    %select_n3A_225 = arith.select %eq3A_222, %broadcast_in_dim3A_224, %select_n3A_201 : vector<1024x1024xi1>, vector<1024x1024xf32>
    %reduce_max3A_226 = arith.constant dense<0xFF800000> : vector<1024xf32>
    %reduce_max3A_227 = vector.multi_reduction <maximumf>, %select_n3A_225, %reduce_max3A_226 [1] : vector<1024x1024xf32> to vector<1024xf32>
    %broadcast_in_dim3A_228 = vector.shape_cast %reduce_max3A_227 : vector<1024xf32> to vector<1024x1xf32>
    %eq3A_229 = vector.broadcast %broadcast_in_dim3A_228 : vector<1024x1xf32> to vector<1024x1024xf32>
    %eq3A_230 = arith.cmpf oeq, %select_n3A_225, %eq3A_229 : vector<1024x1024xf32>
    %jit3A_231 = arith.constant 1024 : i32
    %broadcast_in_dim3A_232 = vector.broadcast %jit3A_231 : i32 to vector<1024x1024xi32>
    %select_n3A_233 = arith.select %eq3A_230, %iota3A, %broadcast_in_dim3A_232 : vector<1024x1024xi1>, vector<1024x1024xi32>
    %reduce_min3A_234 = arith.constant dense<2147483647> : vector<1024xi32>
    %reduce_min3A_235 = vector.multi_reduction <minsi>, %select_n3A_233, %reduce_min3A_234 [1] : vector<1024x1024xi32> to vector<1024xi32>
    %add3A_236 = vector.broadcast %mul3A_16 : i32 to vector<1024xi32>
    %add3A_237 = arith.addi %reduce_min3A_235, %add3A_236 : vector<1024xi32>
    %swap3A_238 = arith.constant 0 : index
    %swap3A_239 = arith.constant 9 : index
    %swap3A_240 = arith.constant 0 : index
    %swap3A_241 = vector.load %arg2[%swap3A_238, %swap3A_239, %swap3A_240] : memref<1x20x1024xi32, #tpu.memory_space<vmem>>, vector<1x1x1024xi32>
    %swap3A_242 = vector.shape_cast %swap3A_241 : vector<1x1x1024xi32> to vector<1024xi32>
    %swap3A_243 = vector.shape_cast %add3A_237 : vector<1024xi32> to vector<1x1x1024xi32>
    tpu.vector_store %arg2[%swap3A_238, %swap3A_239, %swap3A_240], %swap3A_243 {strides = array<i32>} : memref<1x20x1024xi32, #tpu.memory_space<vmem>>, vector<1x1x1024xi32>,
    %broadcast_in_dim3A_244 = vector.shape_cast %reduce_min3A_235 : vector<1024xi32> to vector<1024x1xi32>
    %eq3A_245 = vector.broadcast %broadcast_in_dim3A_244 : vector<1024x1xi32> to vector<1024x1024xi32>
    %eq3A_246 = arith.cmpi eq, %iota3A, %eq3A_245 : vector<1024x1024xi32>
    %jit3A_247 = arith.constant 0xFF800000 : f32
    %broadcast_in_dim3A_248 = vector.broadcast %jit3A_247 : f32 to vector<1024x1024xf32>
    %select_n3A_249 = arith.select %eq3A_246, %broadcast_in_dim3A_248, %select_n3A_225 : vector<1024x1024xi1>, vector<1024x1024xf32>
    %reduce_max3A_250 = arith.constant dense<0xFF800000> : vector<1024xf32>
    %reduce_max3A_251 = vector.multi_reduction <maximumf>, %select_n3A_249, %reduce_max3A_250 [1] : vector<1024x1024xf32> to vector<1024xf32>
    %broadcast_in_dim3A_252 = vector.shape_cast %reduce_max3A_251 : vector<1024xf32> to vector<1024x1xf32>
    %eq3A_253 = vector.broadcast %broadcast_in_dim3A_252 : vector<1024x1xf32> to vector<1024x1024xf32>
    %eq3A_254 = arith.cmpf oeq, %select_n3A_249, %eq3A_253 : vector<1024x1024xf32>
    %jit3A_255 = arith.constant 1024 : i32
    %broadcast_in_dim3A_256 = vector.broadcast %jit3A_255 : i32 to vector<1024x1024xi32>
    %select_n3A_257 = arith.select %eq3A_254, %iota3A, %broadcast_in_dim3A_256 : vector<1024x1024xi1>, vector<1024x1024xi32>
    %reduce_min3A_258 = arith.constant dense<2147483647> : vector<1024xi32>
    %reduce_min3A_259 = vector.multi_reduction <minsi>, %select_n3A_257, %reduce_min3A_258 [1] : vector<1024x1024xi32> to vector<1024xi32>
    %add3A_260 = vector.broadcast %mul3A_16 : i32 to vector<1024xi32>
    %add3A_261 = arith.addi %reduce_min3A_259, %add3A_260 : vector<1024xi32>
    %swap3A_262 = arith.constant 0 : index
    %swap3A_263 = arith.constant 10 : index
    %swap3A_264 = arith.constant 0 : index
    %swap3A_265 = vector.load %arg2[%swap3A_262, %swap3A_263, %swap3A_264] : memref<1x20x1024xi32, #tpu.memory_space<vmem>>, vector<1x1x1024xi32>
    %swap3A_266 = vector.shape_cast %swap3A_265 : vector<1x1x1024xi32> to vector<1024xi32>
    %swap3A_267 = vector.shape_cast %add3A_261 : vector<1024xi32> to vector<1x1x1024xi32>
    tpu.vector_store %arg2[%swap3A_262, %swap3A_263, %swap3A_264], %swap3A_267 {strides = array<i32>} : memref<1x20x1024xi32, #tpu.memory_space<vmem>>, vector<1x1x1024xi32>,
    %broadcast_in_dim3A_268 = vector.shape_cast %reduce_min3A_259 : vector<1024xi32> to vector<1024x1xi32>
    %eq3A_269 = vector.broadcast %broadcast_in_dim3A_268 : vector<1024x1xi32> to vector<1024x1024xi32>
    %eq3A_270 = arith.cmpi eq, %iota3A, %eq3A_269 : vector<1024x1024xi32>
    %jit3A_271 = arith.constant 0xFF800000 : f32
    %broadcast_in_dim3A_272 = vector.broadcast %jit3A_271 : f32 to vector<1024x1024xf32>
    %select_n3A_273 = arith.select %eq3A_270, %broadcast_in_dim3A_272, %select_n3A_249 : vector<1024x1024xi1>, vector<1024x1024xf32>
    %reduce_max3A_274 = arith.constant dense<0xFF800000> : vector<1024xf32>
    %reduce_max3A_275 = vector.multi_reduction <maximumf>, %select_n3A_273, %reduce_max3A_274 [1] : vector<1024x1024xf32> to vector<1024xf32>
    %broadcast_in_dim3A_276 = vector.shape_cast %reduce_max3A_275 : vector<1024xf32> to vector<1024x1xf32>
    %eq3A_277 = vector.broadcast %broadcast_in_dim3A_276 : vector<1024x1xf32> to vector<1024x1024xf32>
    %eq3A_278 = arith.cmpf oeq, %select_n3A_273, %eq3A_277 : vector<1024x1024xf32>
    %jit3A_279 = arith.constant 1024 : i32
    %broadcast_in_dim3A_280 = vector.broadcast %jit3A_279 : i32 to vector<1024x1024xi32>
    %select_n3A_281 = arith.select %eq3A_278, %iota3A, %broadcast_in_dim3A_280 : vector<1024x1024xi1>, vector<1024x1024xi32>
    %reduce_min3A_282 = arith.constant dense<2147483647> : vector<1024xi32>
    %reduce_min3A_283 = vector.multi_reduction <minsi>, %select_n3A_281, %reduce_min3A_282 [1] : vector<1024x1024xi32> to vector<1024xi32>
    %add3A_284 = vector.broadcast %mul3A_16 : i32 to vector<1024xi32>
    %add3A_285 = arith.addi %reduce_min3A_283, %add3A_284 : vector<1024xi32>
    %swap3A_286 = arith.constant 0 : index
    %swap3A_287 = arith.constant 11 : index
    %swap3A_288 = arith.constant 0 : index
    %swap3A_289 = vector.load %arg2[%swap3A_286, %swap3A_287, %swap3A_288] : memref<1x20x1024xi32, #tpu.memory_space<vmem>>, vector<1x1x1024xi32>
    %swap3A_290 = vector.shape_cast %swap3A_289 : vector<1x1x1024xi32> to vector<1024xi32>
    %swap3A_291 = vector.shape_cast %add3A_285 : vector<1024xi32> to vector<1x1x1024xi32>
    tpu.vector_store %arg2[%swap3A_286, %swap3A_287, %swap3A_288], %swap3A_291 {strides = array<i32>} : memref<1x20x1024xi32, #tpu.memory_space<vmem>>, vector<1x1x1024xi32>,
    %broadcast_in_dim3A_292 = vector.shape_cast %reduce_min3A_283 : vector<1024xi32> to vector<1024x1xi32>
    %eq3A_293 = vector.broadcast %broadcast_in_dim3A_292 : vector<1024x1xi32> to vector<1024x1024xi32>
    %eq3A_294 = arith.cmpi eq, %iota3A, %eq3A_293 : vector<1024x1024xi32>
    %jit3A_295 = arith.constant 0xFF800000 : f32
    %broadcast_in_dim3A_296 = vector.broadcast %jit3A_295 : f32 to vector<1024x1024xf32>
    %select_n3A_297 = arith.select %eq3A_294, %broadcast_in_dim3A_296, %select_n3A_273 : vector<1024x1024xi1>, vector<1024x1024xf32>
    %reduce_max3A_298 = arith.constant dense<0xFF800000> : vector<1024xf32>
    %reduce_max3A_299 = vector.multi_reduction <maximumf>, %select_n3A_297, %reduce_max3A_298 [1] : vector<1024x1024xf32> to vector<1024xf32>
    %broadcast_in_dim3A_300 = vector.shape_cast %reduce_max3A_299 : vector<1024xf32> to vector<1024x1xf32>
    %eq3A_301 = vector.broadcast %broadcast_in_dim3A_300 : vector<1024x1xf32> to vector<1024x1024xf32>
    %eq3A_302 = arith.cmpf oeq, %select_n3A_297, %eq3A_301 : vector<1024x1024xf32>
    %jit3A_303 = arith.constant 1024 : i32
    %broadcast_in_dim3A_304 = vector.broadcast %jit3A_303 : i32 to vector<1024x1024xi32>
    %select_n3A_305 = arith.select %eq3A_302, %iota3A, %broadcast_in_dim3A_304 : vector<1024x1024xi1>, vector<1024x1024xi32>
    %reduce_min3A_306 = arith.constant dense<2147483647> : vector<1024xi32>
    %reduce_min3A_307 = vector.multi_reduction <minsi>, %select_n3A_305, %reduce_min3A_306 [1] : vector<1024x1024xi32> to vector<1024xi32>
    %add3A_308 = vector.broadcast %mul3A_16 : i32 to vector<1024xi32>
    %add3A_309 = arith.addi %reduce_min3A_307, %add3A_308 : vector<1024xi32>
    %swap3A_310 = arith.constant 0 : index
    %swap3A_311 = arith.constant 12 : index
    %swap3A_312 = arith.constant 0 : index
    %swap3A_313 = vector.load %arg2[%swap3A_310, %swap3A_311, %swap3A_312] : memref<1x20x1024xi32, #tpu.memory_space<vmem>>, vector<1x1x1024xi32>
    %swap3A_314 = vector.shape_cast %swap3A_313 : vector<1x1x1024xi32> to vector<1024xi32>
    %swap3A_315 = vector.shape_cast %add3A_309 : vector<1024xi32> to vector<1x1x1024xi32>
    tpu.vector_store %arg2[%swap3A_310, %swap3A_311, %swap3A_312], %swap3A_315 {strides = array<i32>} : memref<1x20x1024xi32, #tpu.memory_space<vmem>>, vector<1x1x1024xi32>,
    %broadcast_in_dim3A_316 = vector.shape_cast %reduce_min3A_307 : vector<1024xi32> to vector<1024x1xi32>
    %eq3A_317 = vector.broadcast %broadcast_in_dim3A_316 : vector<1024x1xi32> to vector<1024x1024xi32>
    %eq3A_318 = arith.cmpi eq, %iota3A, %eq3A_317 : vector<1024x1024xi32>
    %jit3A_319 = arith.constant 0xFF800000 : f32
    %broadcast_in_dim3A_320 = vector.broadcast %jit3A_319 : f32 to vector<1024x1024xf32>
    %select_n3A_321 = arith.select %eq3A_318, %broadcast_in_dim3A_320, %select_n3A_297 : vector<1024x1024xi1>, vector<1024x1024xf32>
    %reduce_max3A_322 = arith.constant dense<0xFF800000> : vector<1024xf32>
    %reduce_max3A_323 = vector.multi_reduction <maximumf>, %select_n3A_321, %reduce_max3A_322 [1] : vector<1024x1024xf32> to vector<1024xf32>
    %broadcast_in_dim3A_324 = vector.shape_cast %reduce_max3A_323 : vector<1024xf32> to vector<1024x1xf32>
    %eq3A_325 = vector.broadcast %broadcast_in_dim3A_324 : vector<1024x1xf32> to vector<1024x1024xf32>
    %eq3A_326 = arith.cmpf oeq, %select_n3A_321, %eq3A_325 : vector<1024x1024xf32>
    %jit3A_327 = arith.constant 1024 : i32
    %broadcast_in_dim3A_328 = vector.broadcast %jit3A_327 : i32 to vector<1024x1024xi32>
    %select_n3A_329 = arith.select %eq3A_326, %iota3A, %broadcast_in_dim3A_328 : vector<1024x1024xi1>, vector<1024x1024xi32>
    %reduce_min3A_330 = arith.constant dense<2147483647> : vector<1024xi32>
    %reduce_min3A_331 = vector.multi_reduction <minsi>, %select_n3A_329, %reduce_min3A_330 [1] : vector<1024x1024xi32> to vector<1024xi32>
    %add3A_332 = vector.broadcast %mul3A_16 : i32 to vector<1024xi32>
    %add3A_333 = arith.addi %reduce_min3A_331, %add3A_332 : vector<1024xi32>
    %swap3A_334 = arith.constant 0 : index
    %swap3A_335 = arith.constant 13 : index
    %swap3A_336 = arith.constant 0 : index
    %swap3A_337 = vector.load %arg2[%swap3A_334, %swap3A_335, %swap3A_336] : memref<1x20x1024xi32, #tpu.memory_space<vmem>>, vector<1x1x1024xi32>
    %swap3A_338 = vector.shape_cast %swap3A_337 : vector<1x1x1024xi32> to vector<1024xi32>
    %swap3A_339 = vector.shape_cast %add3A_333 : vector<1024xi32> to vector<1x1x1024xi32>
    tpu.vector_store %arg2[%swap3A_334, %swap3A_335, %swap3A_336], %swap3A_339 {strides = array<i32>} : memref<1x20x1024xi32, #tpu.memory_space<vmem>>, vector<1x1x1024xi32>,
    %broadcast_in_dim3A_340 = vector.shape_cast %reduce_min3A_331 : vector<1024xi32> to vector<1024x1xi32>
    %eq3A_341 = vector.broadcast %broadcast_in_dim3A_340 : vector<1024x1xi32> to vector<1024x1024xi32>
    %eq3A_342 = arith.cmpi eq, %iota3A, %eq3A_341 : vector<1024x1024xi32>
    %jit3A_343 = arith.constant 0xFF800000 : f32
    %broadcast_in_dim3A_344 = vector.broadcast %jit3A_343 : f32 to vector<1024x1024xf32>
    %select_n3A_345 = arith.select %eq3A_342, %broadcast_in_dim3A_344, %select_n3A_321 : vector<1024x1024xi1>, vector<1024x1024xf32>
    %reduce_max3A_346 = arith.constant dense<0xFF800000> : vector<1024xf32>
    %reduce_max3A_347 = vector.multi_reduction <maximumf>, %select_n3A_345, %reduce_max3A_346 [1] : vector<1024x1024xf32> to vector<1024xf32>
    %broadcast_in_dim3A_348 = vector.shape_cast %reduce_max3A_347 : vector<1024xf32> to vector<1024x1xf32>
    %eq3A_349 = vector.broadcast %broadcast_in_dim3A_348 : vector<1024x1xf32> to vector<1024x1024xf32>
    %eq3A_350 = arith.cmpf oeq, %select_n3A_345, %eq3A_349 : vector<1024x1024xf32>
    %jit3A_351 = arith.constant 1024 : i32
    %broadcast_in_dim3A_352 = vector.broadcast %jit3A_351 : i32 to vector<1024x1024xi32>
    %select_n3A_353 = arith.select %eq3A_350, %iota3A, %broadcast_in_dim3A_352 : vector<1024x1024xi1>, vector<1024x1024xi32>
    %reduce_min3A_354 = arith.constant dense<2147483647> : vector<1024xi32>
    %reduce_min3A_355 = vector.multi_reduction <minsi>, %select_n3A_353, %reduce_min3A_354 [1] : vector<1024x1024xi32> to vector<1024xi32>
    %add3A_356 = vector.broadcast %mul3A_16 : i32 to vector<1024xi32>
    %add3A_357 = arith.addi %reduce_min3A_355, %add3A_356 : vector<1024xi32>
    %swap3A_358 = arith.constant 0 : index
    %swap3A_359 = arith.constant 14 : index
    %swap3A_360 = arith.constant 0 : index
    %swap3A_361 = vector.load %arg2[%swap3A_358, %swap3A_359, %swap3A_360] : memref<1x20x1024xi32, #tpu.memory_space<vmem>>, vector<1x1x1024xi32>
    %swap3A_362 = vector.shape_cast %swap3A_361 : vector<1x1x1024xi32> to vector<1024xi32>
    %swap3A_363 = vector.shape_cast %add3A_357 : vector<1024xi32> to vector<1x1x1024xi32>
    tpu.vector_store %arg2[%swap3A_358, %swap3A_359, %swap3A_360], %swap3A_363 {strides = array<i32>} : memref<1x20x1024xi32, #tpu.memory_space<vmem>>, vector<1x1x1024xi32>,
    %broadcast_in_dim3A_364 = vector.shape_cast %reduce_min3A_355 : vector<1024xi32> to vector<1024x1xi32>
    %eq3A_365 = vector.broadcast %broadcast_in_dim3A_364 : vector<1024x1xi32> to vector<1024x1024xi32>
    %eq3A_366 = arith.cmpi eq, %iota3A, %eq3A_365 : vector<1024x1024xi32>
    %jit3A_367 = arith.constant 0xFF800000 : f32
    %broadcast_in_dim3A_368 = vector.broadcast %jit3A_367 : f32 to vector<1024x1024xf32>
    %select_n3A_369 = arith.select %eq3A_366, %broadcast_in_dim3A_368, %select_n3A_345 : vector<1024x1024xi1>, vector<1024x1024xf32>
    %reduce_max3A_370 = arith.constant dense<0xFF800000> : vector<1024xf32>
    %reduce_max3A_371 = vector.multi_reduction <maximumf>, %select_n3A_369, %reduce_max3A_370 [1] : vector<1024x1024xf32> to vector<1024xf32>
    %broadcast_in_dim3A_372 = vector.shape_cast %reduce_max3A_371 : vector<1024xf32> to vector<1024x1xf32>
    %eq3A_373 = vector.broadcast %broadcast_in_dim3A_372 : vector<1024x1xf32> to vector<1024x1024xf32>
    %eq3A_374 = arith.cmpf oeq, %select_n3A_369, %eq3A_373 : vector<1024x1024xf32>
    %jit3A_375 = arith.constant 1024 : i32
    %broadcast_in_dim3A_376 = vector.broadcast %jit3A_375 : i32 to vector<1024x1024xi32>
    %select_n3A_377 = arith.select %eq3A_374, %iota3A, %broadcast_in_dim3A_376 : vector<1024x1024xi1>, vector<1024x1024xi32>
    %reduce_min3A_378 = arith.constant dense<2147483647> : vector<1024xi32>
    %reduce_min3A_379 = vector.multi_reduction <minsi>, %select_n3A_377, %reduce_min3A_378 [1] : vector<1024x1024xi32> to vector<1024xi32>
    %add3A_380 = vector.broadcast %mul3A_16 : i32 to vector<1024xi32>
    %add3A_381 = arith.addi %reduce_min3A_379, %add3A_380 : vector<1024xi32>
    %swap3A_382 = arith.constant 0 : index
    %swap3A_383 = arith.constant 15 : index
    %swap3A_384 = arith.constant 0 : index
    %swap3A_385 = vector.load %arg2[%swap3A_382, %swap3A_383, %swap3A_384] : memref<1x20x1024xi32, #tpu.memory_space<vmem>>, vector<1x1x1024xi32>
    %swap3A_386 = vector.shape_cast %swap3A_385 : vector<1x1x1024xi32> to vector<1024xi32>
    %swap3A_387 = vector.shape_cast %add3A_381 : vector<1024xi32> to vector<1x1x1024xi32>
    tpu.vector_store %arg2[%swap3A_382, %swap3A_383, %swap3A_384], %swap3A_387 {strides = array<i32>} : memref<1x20x1024xi32, #tpu.memory_space<vmem>>, vector<1x1x1024xi32>,
    %broadcast_in_dim3A_388 = vector.shape_cast %reduce_min3A_379 : vector<1024xi32> to vector<1024x1xi32>
    %eq3A_389 = vector.broadcast %broadcast_in_dim3A_388 : vector<1024x1xi32> to vector<1024x1024xi32>
    %eq3A_390 = arith.cmpi eq, %iota3A, %eq3A_389 : vector<1024x1024xi32>
    %jit3A_391 = arith.constant 0xFF800000 : f32
    %broadcast_in_dim3A_392 = vector.broadcast %jit3A_391 : f32 to vector<1024x1024xf32>
    %select_n3A_393 = arith.select %eq3A_390, %broadcast_in_dim3A_392, %select_n3A_369 : vector<1024x1024xi1>, vector<1024x1024xf32>
    %reduce_max3A_394 = arith.constant dense<0xFF800000> : vector<1024xf32>
    %reduce_max3A_395 = vector.multi_reduction <maximumf>, %select_n3A_393, %reduce_max3A_394 [1] : vector<1024x1024xf32> to vector<1024xf32>
    %broadcast_in_dim3A_396 = vector.shape_cast %reduce_max3A_395 : vector<1024xf32> to vector<1024x1xf32>
    %eq3A_397 = vector.broadcast %broadcast_in_dim3A_396 : vector<1024x1xf32> to vector<1024x1024xf32>
    %eq3A_398 = arith.cmpf oeq, %select_n3A_393, %eq3A_397 : vector<1024x1024xf32>
    %jit3A_399 = arith.constant 1024 : i32
    %broadcast_in_dim3A_400 = vector.broadcast %jit3A_399 : i32 to vector<1024x1024xi32>
    %select_n3A_401 = arith.select %eq3A_398, %iota3A, %broadcast_in_dim3A_400 : vector<1024x1024xi1>, vector<1024x1024xi32>
    %reduce_min3A_402 = arith.constant dense<2147483647> : vector<1024xi32>
    %reduce_min3A_403 = vector.multi_reduction <minsi>, %select_n3A_401, %reduce_min3A_402 [1] : vector<1024x1024xi32> to vector<1024xi32>
    %add3A_404 = vector.broadcast %mul3A_16 : i32 to vector<1024xi32>
    %add3A_405 = arith.addi %reduce_min3A_403, %add3A_404 : vector<1024xi32>
    %swap3A_406 = arith.constant 0 : index
    %swap3A_407 = arith.constant 16 : index
    %swap3A_408 = arith.constant 0 : index
    %swap3A_409 = vector.load %arg2[%swap3A_406, %swap3A_407, %swap3A_408] : memref<1x20x1024xi32, #tpu.memory_space<vmem>>, vector<1x1x1024xi32>
    %swap3A_410 = vector.shape_cast %swap3A_409 : vector<1x1x1024xi32> to vector<1024xi32>
    %swap3A_411 = vector.shape_cast %add3A_405 : vector<1024xi32> to vector<1x1x1024xi32>
    tpu.vector_store %arg2[%swap3A_406, %swap3A_407, %swap3A_408], %swap3A_411 {strides = array<i32>} : memref<1x20x1024xi32, #tpu.memory_space<vmem>>, vector<1x1x1024xi32>,
    %broadcast_in_dim3A_412 = vector.shape_cast %reduce_min3A_403 : vector<1024xi32> to vector<1024x1xi32>
    %eq3A_413 = vector.broadcast %broadcast_in_dim3A_412 : vector<1024x1xi32> to vector<1024x1024xi32>
    %eq3A_414 = arith.cmpi eq, %iota3A, %eq3A_413 : vector<1024x1024xi32>
    %jit3A_415 = arith.constant 0xFF800000 : f32
    %broadcast_in_dim3A_416 = vector.broadcast %jit3A_415 : f32 to vector<1024x1024xf32>
    %select_n3A_417 = arith.select %eq3A_414, %broadcast_in_dim3A_416, %select_n3A_393 : vector<1024x1024xi1>, vector<1024x1024xf32>
    %reduce_max3A_418 = arith.constant dense<0xFF800000> : vector<1024xf32>
    %reduce_max3A_419 = vector.multi_reduction <maximumf>, %select_n3A_417, %reduce_max3A_418 [1] : vector<1024x1024xf32> to vector<1024xf32>
    %broadcast_in_dim3A_420 = vector.shape_cast %reduce_max3A_419 : vector<1024xf32> to vector<1024x1xf32>
    %eq3A_421 = vector.broadcast %broadcast_in_dim3A_420 : vector<1024x1xf32> to vector<1024x1024xf32>
    %eq3A_422 = arith.cmpf oeq, %select_n3A_417, %eq3A_421 : vector<1024x1024xf32>
    %jit3A_423 = arith.constant 1024 : i32
    %broadcast_in_dim3A_424 = vector.broadcast %jit3A_423 : i32 to vector<1024x1024xi32>
    %select_n3A_425 = arith.select %eq3A_422, %iota3A, %broadcast_in_dim3A_424 : vector<1024x1024xi1>, vector<1024x1024xi32>
    %reduce_min3A_426 = arith.constant dense<2147483647> : vector<1024xi32>
    %reduce_min3A_427 = vector.multi_reduction <minsi>, %select_n3A_425, %reduce_min3A_426 [1] : vector<1024x1024xi32> to vector<1024xi32>
    %add3A_428 = vector.broadcast %mul3A_16 : i32 to vector<1024xi32>
    %add3A_429 = arith.addi %reduce_min3A_427, %add3A_428 : vector<1024xi32>
    %swap3A_430 = arith.constant 0 : index
    %swap3A_431 = arith.constant 17 : index
    %swap3A_432 = arith.constant 0 : index
    %swap3A_433 = vector.load %arg2[%swap3A_430, %swap3A_431, %swap3A_432] : memref<1x20x1024xi32, #tpu.memory_space<vmem>>, vector<1x1x1024xi32>
    %swap3A_434 = vector.shape_cast %swap3A_433 : vector<1x1x1024xi32> to vector<1024xi32>
    %swap3A_435 = vector.shape_cast %add3A_429 : vector<1024xi32> to vector<1x1x1024xi32>
    tpu.vector_store %arg2[%swap3A_430, %swap3A_431, %swap3A_432], %swap3A_435 {strides = array<i32>} : memref<1x20x1024xi32, #tpu.memory_space<vmem>>, vector<1x1x1024xi32>,
    %broadcast_in_dim3A_436 = vector.shape_cast %reduce_min3A_427 : vector<1024xi32> to vector<1024x1xi32>
    %eq3A_437 = vector.broadcast %broadcast_in_dim3A_436 : vector<1024x1xi32> to vector<1024x1024xi32>
    %eq3A_438 = arith.cmpi eq, %iota3A, %eq3A_437 : vector<1024x1024xi32>
    %jit3A_439 = arith.constant 0xFF800000 : f32
    %broadcast_in_dim3A_440 = vector.broadcast %jit3A_439 : f32 to vector<1024x1024xf32>
    %select_n3A_441 = arith.select %eq3A_438, %broadcast_in_dim3A_440, %select_n3A_417 : vector<1024x1024xi1>, vector<1024x1024xf32>
    %reduce_max3A_442 = arith.constant dense<0xFF800000> : vector<1024xf32>
    %reduce_max3A_443 = vector.multi_reduction <maximumf>, %select_n3A_441, %reduce_max3A_442 [1] : vector<1024x1024xf32> to vector<1024xf32>
    %broadcast_in_dim3A_444 = vector.shape_cast %reduce_max3A_443 : vector<1024xf32> to vector<1024x1xf32>
    %eq3A_445 = vector.broadcast %broadcast_in_dim3A_444 : vector<1024x1xf32> to vector<1024x1024xf32>
    %eq3A_446 = arith.cmpf oeq, %select_n3A_441, %eq3A_445 : vector<1024x1024xf32>
    %jit3A_447 = arith.constant 1024 : i32
    %broadcast_in_dim3A_448 = vector.broadcast %jit3A_447 : i32 to vector<1024x1024xi32>
    %select_n3A_449 = arith.select %eq3A_446, %iota3A, %broadcast_in_dim3A_448 : vector<1024x1024xi1>, vector<1024x1024xi32>
    %reduce_min3A_450 = arith.constant dense<2147483647> : vector<1024xi32>
    %reduce_min3A_451 = vector.multi_reduction <minsi>, %select_n3A_449, %reduce_min3A_450 [1] : vector<1024x1024xi32> to vector<1024xi32>
    %add3A_452 = vector.broadcast %mul3A_16 : i32 to vector<1024xi32>
    %add3A_453 = arith.addi %reduce_min3A_451, %add3A_452 : vector<1024xi32>
    %swap3A_454 = arith.constant 0 : index
    %swap3A_455 = arith.constant 18 : index
    %swap3A_456 = arith.constant 0 : index
    %swap3A_457 = vector.load %arg2[%swap3A_454, %swap3A_455, %swap3A_456] : memref<1x20x1024xi32, #tpu.memory_space<vmem>>, vector<1x1x1024xi32>
    %swap3A_458 = vector.shape_cast %swap3A_457 : vector<1x1x1024xi32> to vector<1024xi32>
    %swap3A_459 = vector.shape_cast %add3A_453 : vector<1024xi32> to vector<1x1x1024xi32>
    tpu.vector_store %arg2[%swap3A_454, %swap3A_455, %swap3A_456], %swap3A_459 {strides = array<i32>} : memref<1x20x1024xi32, #tpu.memory_space<vmem>>, vector<1x1x1024xi32>,
    %broadcast_in_dim3A_460 = vector.shape_cast %reduce_min3A_451 : vector<1024xi32> to vector<1024x1xi32>
    %eq3A_461 = vector.broadcast %broadcast_in_dim3A_460 : vector<1024x1xi32> to vector<1024x1024xi32>
    %eq3A_462 = arith.cmpi eq, %iota3A, %eq3A_461 : vector<1024x1024xi32>
    %jit3A_463 = arith.constant 0xFF800000 : f32
    %broadcast_in_dim3A_464 = vector.broadcast %jit3A_463 : f32 to vector<1024x1024xf32>
    %select_n3A_465 = arith.select %eq3A_462, %broadcast_in_dim3A_464, %select_n3A_441 : vector<1024x1024xi1>, vector<1024x1024xf32>
    %reduce_max3A_466 = arith.constant dense<0xFF800000> : vector<1024xf32>
    %reduce_max3A_467 = vector.multi_reduction <maximumf>, %select_n3A_465, %reduce_max3A_466 [1] : vector<1024x1024xf32> to vector<1024xf32>
    %broadcast_in_dim3A_468 = vector.shape_cast %reduce_max3A_467 : vector<1024xf32> to vector<1024x1xf32>
    %eq3A_469 = vector.broadcast %broadcast_in_dim3A_468 : vector<1024x1xf32> to vector<1024x1024xf32>
    %eq3A_470 = arith.cmpf oeq, %select_n3A_465, %eq3A_469 : vector<1024x1024xf32>
    %jit3A_471 = arith.constant 1024 : i32
    %broadcast_in_dim3A_472 = vector.broadcast %jit3A_471 : i32 to vector<1024x1024xi32>
    %select_n3A_473 = arith.select %eq3A_470, %iota3A, %broadcast_in_dim3A_472 : vector<1024x1024xi1>, vector<1024x1024xi32>
    %reduce_min3A_474 = arith.constant dense<2147483647> : vector<1024xi32>
    %reduce_min3A_475 = vector.multi_reduction <minsi>, %select_n3A_473, %reduce_min3A_474 [1] : vector<1024x1024xi32> to vector<1024xi32>
    %add3A_476 = vector.broadcast %mul3A_16 : i32 to vector<1024xi32>
    %add3A_477 = arith.addi %reduce_min3A_475, %add3A_476 : vector<1024xi32>
    %swap3A_478 = arith.constant 0 : index
    %swap3A_479 = arith.constant 19 : index
    %swap3A_480 = arith.constant 0 : index
    %swap3A_481 = vector.load %arg2[%swap3A_478, %swap3A_479, %swap3A_480] : memref<1x20x1024xi32, #tpu.memory_space<vmem>>, vector<1x1x1024xi32>
    %swap3A_482 = vector.shape_cast %swap3A_481 : vector<1x1x1024xi32> to vector<1024xi32>
    %swap3A_483 = vector.shape_cast %add3A_477 : vector<1024xi32> to vector<1x1x1024xi32>
    tpu.vector_store %arg2[%swap3A_478, %swap3A_479, %swap3A_480], %swap3A_483 {strides = array<i32>} : memref<1x20x1024xi32, #tpu.memory_space<vmem>>, vector<1x1x1024xi32>,
    return
  }
  func.func @transform_0(%arg0: i32) -> (i32, i32, i32) {
    %c0_i32 = arith.constant 0 : i32
    %c0_i32_0 = arith.constant 0 : i32
    %c0_i32_1 = arith.constant 0 : i32
    return %arg0, %c0_i32, %c0_i32_0 : i32, i32, i32
  }
  func.func @transform_1(%arg0: i32) -> (i32, i32, i32) {
    %c0_i32 = arith.constant 0 : i32
    %c0_i32_0 = arith.constant 0 : i32
    %c0_i32_1 = arith.constant 0 : i32
    return %arg0, %c0_i32, %c0_i32_0 : i32, i32, i32
  }
}

module attributes {stable_mosaic.version = 14 : i64} {
  func.func @_conv_max_body(%arg0: i32, %arg1: i32, %arg2: i32, %arg3: memref<1x1x512x128xf32, #tpu.memory_space<vmem>>, %arg4: memref<1x512x128xf32, #tpu.memory_space<vmem>>, %arg5: memref<256x256xf32, #tpu.memory_space<vmem>>, %arg6: memref<1x256xf32, #tpu.memory_space<vmem>>, %arg7: memref<1x512x256xf32, #tpu.memory_space<vmem>>) attributes {dimension_semantics = [#tpu.dimension_semantics<arbitrary>, #tpu.dimension_semantics<arbitrary>, #tpu.dimension_semantics<arbitrary>], iteration_bounds = array<i64: 8, 2, 20>, scalar_prefetch = 0 : i64, scratch_operands = 0 : i64, tpu.core_type = #tpu.core_type<tc>, window_params = [{transform_indices = @transform_0, window_bounds = array<i64: 1, 1, 512, 128>}, {transform_indices = @transform_1, window_bounds = array<i64: 1, 512, 128>}, {pipeline_mode = #tpu.pipeline_mode<synchronous>, transform_indices = @transform_2, window_bounds = array<i64: 256, 256>}, {pipeline_mode = #tpu.pipeline_mode<synchronous>, transform_indices = @transform_3, window_bounds = array<i64: 1, 256>}, {transform_indices = @transform_4, window_bounds = array<i64: 1, 512, 256>}]} {
    %get3A = arith.constant 0 : index
    %get3A_0 = arith.constant 0 : index
    %get3A_1 = arith.constant 0 : index
    %get3A_2 = vector.load %arg4[%get3A, %get3A_0, %get3A_1] : memref<1x512x128xf32, #tpu.memory_space<vmem>>, vector<1x512x128xf32>
    %get3A_3 = vector.shape_cast %get3A_2 : vector<1x512x128xf32> to vector<512x128xf32>
    %get3A_4 = arith.constant 0 : index
    %get3A_5 = arith.constant 0 : index
    %get3A_6 = arith.constant 0 : index
    %get3A_7 = arith.constant 0 : index
    %get3A_8 = vector.load %arg3[%get3A_4, %get3A_5, %get3A_6, %get3A_7] : memref<1x1x512x128xf32, #tpu.memory_space<vmem>>, vector<1x1x512x128xf32>
    %get3A_9 = vector.shape_cast %get3A_8 : vector<1x1x512x128xf32> to vector<512x128xf32>
    %sub3A = arith.subf %get3A_9, %get3A_3 : vector<512x128xf32>
    %concatenate3A = tpu.concatenate %sub3A, %get3A_3 in 1 : vector<512x128xf32>, vector<512x128xf32> -> vector<512x256xf32>
    %get3A_10 = arith.constant 0 : index
    %get3A_11 = arith.constant 0 : index
    %get3A_12 = vector.load %arg5[%get3A_10, %get3A_11] : memref<256x256xf32, #tpu.memory_space<vmem>>, vector<256x256xf32>
    %dot_general3A = arith.constant dense<0.000000e+00> : vector<512x256xf32>
    %dot_general3A_13 = tpu.matmul %concatenate3A, %get3A_12, %dot_general3A {dimension_numbers = #tpu.dot_dimension_numbers<[1], [0], [0], [1], [0, 0, 1, 1], [], []>, transpose_lhs_hint = false} : vector<512x256xf32>, vector<256x256xf32>, vector<512x256xf32> -> vector<512x256xf32>
    %get3A_14 = arith.constant 0 : index
    %get3A_15 = arith.constant 0 : index
    %get3A_16 = vector.load %arg6[%get3A_14, %get3A_15] : memref<1x256xf32, #tpu.memory_space<vmem>>, vector<1x256xf32>
    %mul3A = vector.broadcast %get3A_16 : vector<1x256xf32> to vector<512x256xf32>
    %mul3A_17 = arith.mulf %dot_general3A_13, %mul3A : vector<512x256xf32>
    %eq3A = arith.constant 0 : i32
    %eq3A_18 = arith.cmpi eq, %arg2, %eq3A : i32
    %convert_element_type3A = arith.extui %eq3A_18 : i1 to i32
    %cond3A = arith.constant 0 : i32
    %cond3A_19 = arith.cmpi ne, %convert_element_type3A, %cond3A : i32
    scf.if %cond3A_19 {
      %swap3A = arith.constant 0 : index
      %swap3A_24 = arith.constant 0 : index
      %swap3A_25 = arith.constant 0 : index
      %swap3A_26 = vector.load %arg7[%swap3A, %swap3A_24, %swap3A_25] : memref<1x512x256xf32, #tpu.memory_space<vmem>>, vector<1x512x256xf32>
      %swap3A_27 = vector.shape_cast %swap3A_26 : vector<1x512x256xf32> to vector<512x256xf32>
      %swap3A_28 = vector.shape_cast %mul3A_17 : vector<512x256xf32> to vector<1x512x256xf32>
      tpu.vector_store %arg7[%swap3A, %swap3A_24, %swap3A_25], %swap3A_28 {strides = array<i32>} : memref<1x512x256xf32, #tpu.memory_space<vmem>>, vector<1x512x256xf32>,
    } else {
    }
    %gt3A = arith.constant 0 : i32
    %gt3A_20 = arith.cmpi sgt, %arg2, %gt3A : i32
    %convert_element_type3A_21 = arith.extui %gt3A_20 : i1 to i32
    %cond3A_22 = arith.constant 0 : i32
    %cond3A_23 = arith.cmpi ne, %convert_element_type3A_21, %cond3A_22 : i32
    scf.if %cond3A_23 {
      %get3A_24 = arith.constant 0 : index
      %get3A_25 = arith.constant 0 : index
      %get3A_26 = arith.constant 0 : index
      %get3A_27 = vector.load %arg7[%get3A_24, %get3A_25, %get3A_26] : memref<1x512x256xf32, #tpu.memory_space<vmem>>, vector<1x512x256xf32>
      %get3A_28 = vector.shape_cast %get3A_27 : vector<1x512x256xf32> to vector<512x256xf32>
      %max3A = arith.maximumf %get3A_28, %mul3A_17 : vector<512x256xf32>
      %swap3A = arith.constant 0 : index
      %swap3A_29 = arith.constant 0 : index
      %swap3A_30 = arith.constant 0 : index
      %swap3A_31 = vector.load %arg7[%swap3A, %swap3A_29, %swap3A_30] : memref<1x512x256xf32, #tpu.memory_space<vmem>>, vector<1x512x256xf32>
      %swap3A_32 = vector.shape_cast %swap3A_31 : vector<1x512x256xf32> to vector<512x256xf32>
      %swap3A_33 = vector.shape_cast %max3A : vector<512x256xf32> to vector<1x512x256xf32>
      tpu.vector_store %arg7[%swap3A, %swap3A_29, %swap3A_30], %swap3A_33 {strides = array<i32>} : memref<1x512x256xf32, #tpu.memory_space<vmem>>, vector<1x512x256xf32>,
    } else {
    }
    return
  }
  func.func @transform_0(%arg0: i32, %arg1: i32, %arg2: i32) -> (i32, i32, i32, i32) {
    %c0_i32 = arith.constant 0 : i32
    %c0_i32_0 = arith.constant 0 : i32
    return %arg2, %arg0, %arg1, %c0_i32 : i32, i32, i32, i32
  }
  func.func @transform_1(%arg0: i32, %arg1: i32, %arg2: i32) -> (i32, i32, i32) {
    %c0_i32 = arith.constant 0 : i32
    %c0_i32_0 = arith.constant 0 : i32
    return %arg0, %arg1, %c0_i32 : i32, i32, i32
  }
  func.func @transform_2(%arg0: i32, %arg1: i32, %arg2: i32) -> (i32, i32) {
    %c0_i32 = arith.constant 0 : i32
    %c0_i32_0 = arith.constant 0 : i32
    %c0_i32_1 = arith.constant 0 : i32
    return %c0_i32, %c0_i32_0 : i32, i32
  }
  func.func @transform_3(%arg0: i32, %arg1: i32, %arg2: i32) -> (i32, i32) {
    %c0_i32 = arith.constant 0 : i32
    %c0_i32_0 = arith.constant 0 : i32
    %c0_i32_1 = arith.constant 0 : i32
    return %c0_i32, %c0_i32_0 : i32, i32
  }
  func.func @transform_4(%arg0: i32, %arg1: i32, %arg2: i32) -> (i32, i32, i32) {
    %c0_i32 = arith.constant 0 : i32
    %c0_i32_0 = arith.constant 0 : i32
    return %arg0, %arg1, %c0_i32 : i32, i32, i32
  }
}

module attributes {stable_mosaic.version = 14 : i64} {
  func.func @_transpose_body(%arg0: i32, %arg1: memref<1x1024x256xf32, #tpu.memory_space<vmem>>, %arg2: memref<1x256x1024xf32, #tpu.memory_space<vmem>>) attributes {dimension_semantics = [#tpu.dimension_semantics<arbitrary>], iteration_bounds = array<i64: 8>, scalar_prefetch = 0 : i64, scratch_operands = 0 : i64, tpu.core_type = #tpu.core_type<tc>, window_params = [{transform_indices = @transform_0, window_bounds = array<i64: 1, 1024, 256>}, {transform_indices = @transform_1, window_bounds = array<i64: 1, 256, 1024>}]} {
    %get3A = arith.constant 0 : index
    %get3A_0 = arith.constant 0 : index
    %get3A_1 = arith.constant 0 : index
    %get3A_2 = vector.load %arg1[%get3A, %get3A_0, %get3A_1] : memref<1x1024x256xf32, #tpu.memory_space<vmem>>, vector<1x1024x256xf32>
    %get3A_3 = vector.shape_cast %get3A_2 : vector<1x1024x256xf32> to vector<1024x256xf32>
    %transpose3A = tpu.transpose %get3A_3, [1, 0] : vector<1024x256xf32> -> vector<256x1024xf32>
    %swap3A = arith.constant 0 : index
    %swap3A_4 = arith.constant 0 : index
    %swap3A_5 = arith.constant 0 : index
    %swap3A_6 = vector.load %arg2[%swap3A, %swap3A_4, %swap3A_5] : memref<1x256x1024xf32, #tpu.memory_space<vmem>>, vector<1x256x1024xf32>
    %swap3A_7 = vector.shape_cast %swap3A_6 : vector<1x256x1024xf32> to vector<256x1024xf32>
    %swap3A_8 = vector.shape_cast %transpose3A : vector<256x1024xf32> to vector<1x256x1024xf32>
    tpu.vector_store %arg2[%swap3A, %swap3A_4, %swap3A_5], %swap3A_8 {strides = array<i32>} : memref<1x256x1024xf32, #tpu.memory_space<vmem>>, vector<1x256x1024xf32>,
    return
  }
  func.func @transform_0(%arg0: i32) -> (i32, i32, i32) {
    %c0_i32 = arith.constant 0 : i32
    %c0_i32_0 = arith.constant 0 : i32
    %c0_i32_1 = arith.constant 0 : i32
    return %arg0, %c0_i32, %c0_i32_0 : i32, i32, i32
  }
  func.func @transform_1(%arg0: i32) -> (i32, i32, i32) {
    %c0_i32 = arith.constant 0 : i32
    %c0_i32_0 = arith.constant 0 : i32
    %c0_i32_1 = arith.constant 0 : i32
    return %arg0, %c0_i32, %c0_i32_0 : i32, i32, i32
  }
}

module attributes {stable_mosaic.version = 14 : i64} {
  func.func @_conv5_stats_body(%arg0: i32, %arg1: memref<1x1024x512xf32, #tpu.memory_space<vmem>>, %arg2: memref<512x1024xf32, #tpu.memory_space<vmem>>, %arg3: memref<1x1x1024xf32, #tpu.memory_space<vmem>>, %arg4: memref<1x1x1024xf32, #tpu.memory_space<vmem>>, %arg5: memref<1x1x1024xf32, #tpu.memory_space<vmem>>, %arg6: memref<1x1x1024xf32, #tpu.memory_space<vmem>>) attributes {dimension_semantics = [#tpu.dimension_semantics<arbitrary>], iteration_bounds = array<i64: 8>, scalar_prefetch = 0 : i64, scratch_operands = 0 : i64, tpu.core_type = #tpu.core_type<tc>, window_params = [{transform_indices = @transform_0, window_bounds = array<i64: 1, 1024, 512>}, {pipeline_mode = #tpu.pipeline_mode<synchronous>, transform_indices = @transform_1, window_bounds = array<i64: 512, 1024>}, {transform_indices = @transform_2, window_bounds = array<i64: 1, 1, 1024>}, {transform_indices = @transform_3, window_bounds = array<i64: 1, 1, 1024>}, {transform_indices = @transform_4, window_bounds = array<i64: 1, 1, 1024>}, {transform_indices = @transform_5, window_bounds = array<i64: 1, 1, 1024>}]} {
    %get3A = arith.constant 0 : index
    %get3A_0 = arith.constant 0 : index
    %get3A_1 = arith.constant 0 : index
    %get3A_2 = vector.load %arg1[%get3A, %get3A_0, %get3A_1] : memref<1x1024x512xf32, #tpu.memory_space<vmem>>, vector<1x1024x512xf32>
    %get3A_3 = vector.shape_cast %get3A_2 : vector<1x1024x512xf32> to vector<1024x512xf32>
    %get3A_4 = arith.constant 0 : index
    %get3A_5 = arith.constant 0 : index
    %get3A_6 = vector.load %arg2[%get3A_4, %get3A_5] : memref<512x1024xf32, #tpu.memory_space<vmem>>, vector<512x1024xf32>
    %dot_general3A = arith.constant dense<0.000000e+00> : vector<1024x1024xf32>
    %dot_general3A_7 = tpu.matmul %get3A_3, %get3A_6, %dot_general3A {dimension_numbers = #tpu.dot_dimension_numbers<[1], [0], [0], [1], [0, 0, 1, 1], [], []>, transpose_lhs_hint = false} : vector<1024x512xf32>, vector<512x1024xf32>, vector<1024x1024xf32> -> vector<1024x1024xf32>
    %reduce_sum3A = arith.constant dense<0.000000e+00> : vector<1024xf32>
    %reduce_sum3A_8 = vector.multi_reduction <add>, %dot_general3A_7, %reduce_sum3A [0] : vector<1024x1024xf32> to vector<1024xf32>
    %swap3A = arith.constant 0 : index
    %swap3A_9 = arith.constant 0 : index
    %swap3A_10 = arith.constant 0 : index
    %swap3A_11 = vector.load %arg3[%swap3A, %swap3A_9, %swap3A_10] : memref<1x1x1024xf32, #tpu.memory_space<vmem>>, vector<1x1x1024xf32>
    %swap3A_12 = vector.shape_cast %swap3A_11 : vector<1x1x1024xf32> to vector<1024xf32>
    %swap3A_13 = vector.shape_cast %reduce_sum3A_8 : vector<1024xf32> to vector<1x1x1024xf32>
    tpu.vector_store %arg3[%swap3A, %swap3A_9, %swap3A_10], %swap3A_13 {strides = array<i32>} : memref<1x1x1024xf32, #tpu.memory_space<vmem>>, vector<1x1x1024xf32>,
    %mul3A = arith.mulf %dot_general3A_7, %dot_general3A_7 : vector<1024x1024xf32>
    %reduce_sum3A_14 = arith.constant dense<0.000000e+00> : vector<1024xf32>
    %reduce_sum3A_15 = vector.multi_reduction <add>, %mul3A, %reduce_sum3A_14 [0] : vector<1024x1024xf32> to vector<1024xf32>
    %swap3A_16 = arith.constant 0 : index
    %swap3A_17 = arith.constant 0 : index
    %swap3A_18 = arith.constant 0 : index
    %swap3A_19 = vector.load %arg4[%swap3A_16, %swap3A_17, %swap3A_18] : memref<1x1x1024xf32, #tpu.memory_space<vmem>>, vector<1x1x1024xf32>
    %swap3A_20 = vector.shape_cast %swap3A_19 : vector<1x1x1024xf32> to vector<1024xf32>
    %swap3A_21 = vector.shape_cast %reduce_sum3A_15 : vector<1024xf32> to vector<1x1x1024xf32>
    tpu.vector_store %arg4[%swap3A_16, %swap3A_17, %swap3A_18], %swap3A_21 {strides = array<i32>} : memref<1x1x1024xf32, #tpu.memory_space<vmem>>, vector<1x1x1024xf32>,
    %reduce_max3A = arith.constant dense<0xFF800000> : vector<1024xf32>
    %reduce_max3A_22 = vector.multi_reduction <maximumf>, %dot_general3A_7, %reduce_max3A [0] : vector<1024x1024xf32> to vector<1024xf32>
    %swap3A_23 = arith.constant 0 : index
    %swap3A_24 = arith.constant 0 : index
    %swap3A_25 = arith.constant 0 : index
    %swap3A_26 = vector.load %arg5[%swap3A_23, %swap3A_24, %swap3A_25] : memref<1x1x1024xf32, #tpu.memory_space<vmem>>, vector<1x1x1024xf32>
    %swap3A_27 = vector.shape_cast %swap3A_26 : vector<1x1x1024xf32> to vector<1024xf32>
    %swap3A_28 = vector.shape_cast %reduce_max3A_22 : vector<1024xf32> to vector<1x1x1024xf32>
    tpu.vector_store %arg5[%swap3A_23, %swap3A_24, %swap3A_25], %swap3A_28 {strides = array<i32>} : memref<1x1x1024xf32, #tpu.memory_space<vmem>>, vector<1x1x1024xf32>,
    %reduce_min3A = arith.constant dense<0x7F800000> : vector<1024xf32>
    %reduce_min3A_29 = vector.multi_reduction <minimumf>, %dot_general3A_7, %reduce_min3A [0] : vector<1024x1024xf32> to vector<1024xf32>
    %swap3A_30 = arith.constant 0 : index
    %swap3A_31 = arith.constant 0 : index
    %swap3A_32 = arith.constant 0 : index
    %swap3A_33 = vector.load %arg6[%swap3A_30, %swap3A_31, %swap3A_32] : memref<1x1x1024xf32, #tpu.memory_space<vmem>>, vector<1x1x1024xf32>
    %swap3A_34 = vector.shape_cast %swap3A_33 : vector<1x1x1024xf32> to vector<1024xf32>
    %swap3A_35 = vector.shape_cast %reduce_min3A_29 : vector<1024xf32> to vector<1x1x1024xf32>
    tpu.vector_store %arg6[%swap3A_30, %swap3A_31, %swap3A_32], %swap3A_35 {strides = array<i32>} : memref<1x1x1024xf32, #tpu.memory_space<vmem>>, vector<1x1x1024xf32>,
    return
  }
  func.func @transform_0(%arg0: i32) -> (i32, i32, i32) {
    %c0_i32 = arith.constant 0 : i32
    %c0_i32_0 = arith.constant 0 : i32
    %c0_i32_1 = arith.constant 0 : i32
    return %arg0, %c0_i32, %c0_i32_0 : i32, i32, i32
  }
  func.func @transform_1(%arg0: i32) -> (i32, i32) {
    %c0_i32 = arith.constant 0 : i32
    %c0_i32_0 = arith.constant 0 : i32
    %c0_i32_1 = arith.constant 0 : i32
    return %c0_i32, %c0_i32_0 : i32, i32
  }
  func.func @transform_2(%arg0: i32) -> (i32, i32, i32) {
    %c0_i32 = arith.constant 0 : i32
    %c0_i32_0 = arith.constant 0 : i32
    %c0_i32_1 = arith.constant 0 : i32
    return %arg0, %c0_i32, %c0_i32_0 : i32, i32, i32
  }
  func.func @transform_3(%arg0: i32) -> (i32, i32, i32) {
    %c0_i32 = arith.constant 0 : i32
    %c0_i32_0 = arith.constant 0 : i32
    %c0_i32_1 = arith.constant 0 : i32
    return %arg0, %c0_i32, %c0_i32_0 : i32, i32, i32
  }
  func.func @transform_4(%arg0: i32) -> (i32, i32, i32) {
    %c0_i32 = arith.constant 0 : i32
    %c0_i32_0 = arith.constant 0 : i32
    %c0_i32_1 = arith.constant 0 : i32
    return %arg0, %c0_i32, %c0_i32_0 : i32, i32, i32
  }
  func.func @transform_5(%arg0: i32) -> (i32, i32, i32) {
    %c0_i32 = arith.constant 0 : i32
    %c0_i32_0 = arith.constant 0 : i32
    %c0_i32_1 = arith.constant 0 : i32
    return %arg0, %c0_i32, %c0_i32_0 : i32, i32, i32
  }
}

module attributes {stable_mosaic.version = 14 : i64} {
  func.func @_head_body(%arg0: memref<8x1024xf32, #tpu.memory_space<vmem>>, %arg1: memref<8x1024xf32, #tpu.memory_space<vmem>>, %arg2: memref<8x1024xf32, #tpu.memory_space<vmem>>, %arg3: memref<8x1024xf32, #tpu.memory_space<vmem>>, %arg4: memref<1x1024xf32, #tpu.memory_space<vmem>>, %arg5: memref<1x1024xf32, #tpu.memory_space<vmem>>, %arg6: memref<2048x512xf32, #tpu.memory_space<vmem>>, %arg7: memref<512x256xf32, #tpu.memory_space<vmem>>, %arg8: memref<256x40xf32, #tpu.memory_space<vmem>>, %arg9: memref<1x512xf32, #tpu.memory_space<vmem>>, %arg10: memref<1x512xf32, #tpu.memory_space<vmem>>, %arg11: memref<1x256xf32, #tpu.memory_space<vmem>>, %arg12: memref<1x256xf32, #tpu.memory_space<vmem>>, %arg13: memref<1x40xf32, #tpu.memory_space<vmem>>, %arg14: memref<1x40xf32, #tpu.memory_space<vmem>>, %arg15: memref<8x40xf32, #tpu.memory_space<vmem>>) attributes {dimension_semantics = [], scalar_prefetch = 0 : i64, scratch_operands = 0 : i64, tpu.core_type = #tpu.core_type<tc>} {
    %get3A = arith.constant 0 : index
    %get3A_0 = arith.constant 0 : index
    %get3A_1 = vector.load %arg0[%get3A, %get3A_0] : memref<8x1024xf32, #tpu.memory_space<vmem>>, vector<8x1024xf32>
    %get3A_2 = arith.constant 0 : index
    %get3A_3 = arith.constant 0 : index
    %get3A_4 = vector.load %arg1[%get3A_2, %get3A_3] : memref<8x1024xf32, #tpu.memory_space<vmem>>, vector<8x1024xf32>
    %reduce_sum3A = arith.constant dense<0.000000e+00> : vector<1024xf32>
    %reduce_sum3A_5 = vector.multi_reduction <add>, %get3A_1, %reduce_sum3A [0] : vector<8x1024xf32> to vector<1024xf32>
    %broadcast_in_dim3A = vector.shape_cast %reduce_sum3A_5 : vector<1024xf32> to vector<1x1024xf32>
    %div3A = arith.constant 8.192000e+03 : f32
    %div3A_6 = vector.broadcast %div3A : f32 to vector<1x1024xf32>
    %div3A_7 = arith.divf %broadcast_in_dim3A, %div3A_6 : vector<1x1024xf32>
    %reduce_sum3A_8 = arith.constant dense<0.000000e+00> : vector<1024xf32>
    %reduce_sum3A_9 = vector.multi_reduction <add>, %get3A_4, %reduce_sum3A_8 [0] : vector<8x1024xf32> to vector<1024xf32>
    %broadcast_in_dim3A_10 = vector.shape_cast %reduce_sum3A_9 : vector<1024xf32> to vector<1x1024xf32>
    %div3A_11 = arith.constant 8.192000e+03 : f32
    %div3A_12 = vector.broadcast %div3A_11 : f32 to vector<1x1024xf32>
    %div3A_13 = arith.divf %broadcast_in_dim3A_10, %div3A_12 : vector<1x1024xf32>
    %mul3A = arith.mulf %div3A_7, %div3A_7 : vector<1x1024xf32>
    %sub3A = arith.subf %div3A_13, %mul3A : vector<1x1024xf32>
    %get3A_14 = arith.constant 0 : index
    %get3A_15 = arith.constant 0 : index
    %get3A_16 = vector.load %arg4[%get3A_14, %get3A_15] : memref<1x1024xf32, #tpu.memory_space<vmem>>, vector<1x1024xf32>
    %add3A = arith.constant 9.99999974E-6 : f32
    %add3A_17 = vector.broadcast %add3A : f32 to vector<1x1024xf32>
    %add3A_18 = arith.addf %sub3A, %add3A_17 : vector<1x1024xf32>
    %rsqrt3A = math.rsqrt %add3A_18 : vector<1x1024xf32>
    %mul3A_19 = arith.mulf %get3A_16, %rsqrt3A : vector<1x1024xf32>
    %get3A_20 = arith.constant 0 : index
    %get3A_21 = arith.constant 0 : index
    %get3A_22 = vector.load %arg5[%get3A_20, %get3A_21] : memref<1x1024xf32, #tpu.memory_space<vmem>>, vector<1x1024xf32>
    %mul3A_23 = arith.mulf %mul3A_19, %div3A_7 : vector<1x1024xf32>
    %sub3A_24 = arith.subf %get3A_22, %mul3A_23 : vector<1x1024xf32>
    %ge3A = arith.constant 0.000000e+00 : f32
    %ge3A_25 = vector.broadcast %ge3A : f32 to vector<1x1024xf32>
    %ge3A_26 = arith.cmpf oge, %mul3A_19, %ge3A_25 : vector<1x1024xf32>
    %get3A_27 = arith.constant 0 : index
    %get3A_28 = arith.constant 0 : index
    %get3A_29 = vector.load %arg2[%get3A_27, %get3A_28] : memref<8x1024xf32, #tpu.memory_space<vmem>>, vector<8x1024xf32>
    %mul3A_30 = vector.broadcast %mul3A_19 : vector<1x1024xf32> to vector<8x1024xf32>
    %mul3A_31 = arith.mulf %mul3A_30, %get3A_29 : vector<8x1024xf32>
    %get3A_32 = arith.constant 0 : index
    %get3A_33 = arith.constant 0 : index
    %get3A_34 = vector.load %arg3[%get3A_32, %get3A_33] : memref<8x1024xf32, #tpu.memory_space<vmem>>, vector<8x1024xf32>
    %mul3A_35 = vector.broadcast %mul3A_19 : vector<1x1024xf32> to vector<8x1024xf32>
    %mul3A_36 = arith.mulf %mul3A_35, %get3A_34 : vector<8x1024xf32>
    %broadcast_in_dim3A_37 = vector.shape_cast %ge3A_26 : vector<1x1024xi1> to vector<1x1024xi1>
    %broadcast_in_dim3A_38 = vector.broadcast %broadcast_in_dim3A_37 : vector<1x1024xi1> to vector<8x1024xi1>
    %select_n3A = arith.select %broadcast_in_dim3A_38, %mul3A_31, %mul3A_36 : vector<8x1024xi1>, vector<8x1024xf32>
    %add3A_39 = vector.broadcast %sub3A_24 : vector<1x1024xf32> to vector<8x1024xf32>
    %add3A_40 = arith.addf %select_n3A, %add3A_39 : vector<8x1024xf32>
    %div3A_41 = arith.constant 1.024000e+03 : f32
    %div3A_42 = vector.broadcast %div3A_41 : f32 to vector<8x1024xf32>
    %div3A_43 = arith.divf %get3A_1, %div3A_42 : vector<8x1024xf32>
    %mul3A_44 = vector.broadcast %mul3A_19 : vector<1x1024xf32> to vector<8x1024xf32>
    %mul3A_45 = arith.mulf %mul3A_44, %div3A_43 : vector<8x1024xf32>
    %add3A_46 = vector.broadcast %sub3A_24 : vector<1x1024xf32> to vector<8x1024xf32>
    %add3A_47 = arith.addf %mul3A_45, %add3A_46 : vector<8x1024xf32>
    %concatenate3A = tpu.concatenate %add3A_40, %add3A_47 in 1 : vector<8x1024xf32>, vector<8x1024xf32> -> vector<8x2048xf32>
    %get3A_48 = arith.constant 0 : index
    %get3A_49 = arith.constant 0 : index
    %get3A_50 = vector.load %arg6[%get3A_48, %get3A_49] : memref<2048x512xf32, #tpu.memory_space<vmem>>, vector<2048x512xf32>
    %dot_general3A = arith.constant dense<0.000000e+00> : vector<8x512xf32>
    %dot_general3A_51 = tpu.matmul %concatenate3A, %get3A_50, %dot_general3A {dimension_numbers = #tpu.dot_dimension_numbers<[1], [0], [0], [1], [0, 0, 1, 1], [], []>, transpose_lhs_hint = false} : vector<8x2048xf32>, vector<2048x512xf32>, vector<8x512xf32> -> vector<8x512xf32>
    %reduce_sum3A_52 = arith.constant dense<0.000000e+00> : vector<512xf32>
    %reduce_sum3A_53 = vector.multi_reduction <add>, %dot_general3A_51, %reduce_sum3A_52 [0] : vector<8x512xf32> to vector<512xf32>
    %broadcast_in_dim3A_54 = vector.shape_cast %reduce_sum3A_53 : vector<512xf32> to vector<1x512xf32>
    %div3A_55 = arith.constant 8.000000e+00 : f32
    %div3A_56 = vector.broadcast %div3A_55 : f32 to vector<1x512xf32>
    %div3A_57 = arith.divf %broadcast_in_dim3A_54, %div3A_56 : vector<1x512xf32>
    %sub3A_58 = vector.broadcast %div3A_57 : vector<1x512xf32> to vector<8x512xf32>
    %sub3A_59 = arith.subf %dot_general3A_51, %sub3A_58 : vector<8x512xf32>
    %integer_pow3A = arith.mulf %sub3A_59, %sub3A_59 : vector<8x512xf32>
    %reduce_sum3A_60 = arith.constant dense<0.000000e+00> : vector<512xf32>
    %reduce_sum3A_61 = vector.multi_reduction <add>, %integer_pow3A, %reduce_sum3A_60 [0] : vector<8x512xf32> to vector<512xf32>
    %broadcast_in_dim3A_62 = vector.shape_cast %reduce_sum3A_61 : vector<512xf32> to vector<1x512xf32>
    %div3A_63 = arith.constant 8.000000e+00 : f32
    %div3A_64 = vector.broadcast %div3A_63 : f32 to vector<1x512xf32>
    %div3A_65 = arith.divf %broadcast_in_dim3A_62, %div3A_64 : vector<1x512xf32>
    %get3A_66 = arith.constant 0 : index
    %get3A_67 = arith.constant 0 : index
    %get3A_68 = vector.load %arg9[%get3A_66, %get3A_67] : memref<1x512xf32, #tpu.memory_space<vmem>>, vector<1x512xf32>
    %sub3A_69 = vector.broadcast %div3A_57 : vector<1x512xf32> to vector<8x512xf32>
    %sub3A_70 = arith.subf %dot_general3A_51, %sub3A_69 : vector<8x512xf32>
    %mul3A_71 = vector.broadcast %get3A_68 : vector<1x512xf32> to vector<8x512xf32>
    %mul3A_72 = arith.mulf %mul3A_71, %sub3A_70 : vector<8x512xf32>
    %add3A_73 = arith.constant 9.99999974E-6 : f32
    %add3A_74 = vector.broadcast %add3A_73 : f32 to vector<1x512xf32>
    %add3A_75 = arith.addf %div3A_65, %add3A_74 : vector<1x512xf32>
    %rsqrt3A_76 = math.rsqrt %add3A_75 : vector<1x512xf32>
    %mul3A_77 = vector.broadcast %rsqrt3A_76 : vector<1x512xf32> to vector<8x512xf32>
    %mul3A_78 = arith.mulf %mul3A_72, %mul3A_77 : vector<8x512xf32>
    %get3A_79 = arith.constant 0 : index
    %get3A_80 = arith.constant 0 : index
    %get3A_81 = vector.load %arg10[%get3A_79, %get3A_80] : memref<1x512xf32, #tpu.memory_space<vmem>>, vector<1x512xf32>
    %add3A_82 = vector.broadcast %get3A_81 : vector<1x512xf32> to vector<8x512xf32>
    %add3A_83 = arith.addf %mul3A_78, %add3A_82 : vector<8x512xf32>
    %get3A_84 = arith.constant 0 : index
    %get3A_85 = arith.constant 0 : index
    %get3A_86 = vector.load %arg7[%get3A_84, %get3A_85] : memref<512x256xf32, #tpu.memory_space<vmem>>, vector<512x256xf32>
    %dot_general3A_87 = arith.constant dense<0.000000e+00> : vector<8x256xf32>
    %dot_general3A_88 = tpu.matmul %add3A_83, %get3A_86, %dot_general3A_87 {dimension_numbers = #tpu.dot_dimension_numbers<[1], [0], [0], [1], [0, 0, 1, 1], [], []>, transpose_lhs_hint = false} : vector<8x512xf32>, vector<512x256xf32>, vector<8x256xf32> -> vector<8x256xf32>
    %reduce_sum3A_89 = arith.constant dense<0.000000e+00> : vector<256xf32>
    %reduce_sum3A_90 = vector.multi_reduction <add>, %dot_general3A_88, %reduce_sum3A_89 [0] : vector<8x256xf32> to vector<256xf32>
    %broadcast_in_dim3A_91 = vector.shape_cast %reduce_sum3A_90 : vector<256xf32> to vector<1x256xf32>
    %div3A_92 = arith.constant 8.000000e+00 : f32
    %div3A_93 = vector.broadcast %div3A_92 : f32 to vector<1x256xf32>
    %div3A_94 = arith.divf %broadcast_in_dim3A_91, %div3A_93 : vector<1x256xf32>
    %sub3A_95 = vector.broadcast %div3A_94 : vector<1x256xf32> to vector<8x256xf32>
    %sub3A_96 = arith.subf %dot_general3A_88, %sub3A_95 : vector<8x256xf32>
    %integer_pow3A_97 = arith.mulf %sub3A_96, %sub3A_96 : vector<8x256xf32>
    %reduce_sum3A_98 = arith.constant dense<0.000000e+00> : vector<256xf32>
    %reduce_sum3A_99 = vector.multi_reduction <add>, %integer_pow3A_97, %reduce_sum3A_98 [0] : vector<8x256xf32> to vector<256xf32>
    %broadcast_in_dim3A_100 = vector.shape_cast %reduce_sum3A_99 : vector<256xf32> to vector<1x256xf32>
    %div3A_101 = arith.constant 8.000000e+00 : f32
    %div3A_102 = vector.broadcast %div3A_101 : f32 to vector<1x256xf32>
    %div3A_103 = arith.divf %broadcast_in_dim3A_100, %div3A_102 : vector<1x256xf32>
    %get3A_104 = arith.constant 0 : index
    %get3A_105 = arith.constant 0 : index
    %get3A_106 = vector.load %arg11[%get3A_104, %get3A_105] : memref<1x256xf32, #tpu.memory_space<vmem>>, vector<1x256xf32>
    %sub3A_107 = vector.broadcast %div3A_94 : vector<1x256xf32> to vector<8x256xf32>
    %sub3A_108 = arith.subf %dot_general3A_88, %sub3A_107 : vector<8x256xf32>
    %mul3A_109 = vector.broadcast %get3A_106 : vector<1x256xf32> to vector<8x256xf32>
    %mul3A_110 = arith.mulf %mul3A_109, %sub3A_108 : vector<8x256xf32>
    %add3A_111 = arith.constant 9.99999974E-6 : f32
    %add3A_112 = vector.broadcast %add3A_111 : f32 to vector<1x256xf32>
    %add3A_113 = arith.addf %div3A_103, %add3A_112 : vector<1x256xf32>
    %rsqrt3A_114 = math.rsqrt %add3A_113 : vector<1x256xf32>
    %mul3A_115 = vector.broadcast %rsqrt3A_114 : vector<1x256xf32> to vector<8x256xf32>
    %mul3A_116 = arith.mulf %mul3A_110, %mul3A_115 : vector<8x256xf32>
    %get3A_117 = arith.constant 0 : index
    %get3A_118 = arith.constant 0 : index
    %get3A_119 = vector.load %arg12[%get3A_117, %get3A_118] : memref<1x256xf32, #tpu.memory_space<vmem>>, vector<1x256xf32>
    %add3A_120 = vector.broadcast %get3A_119 : vector<1x256xf32> to vector<8x256xf32>
    %add3A_121 = arith.addf %mul3A_116, %add3A_120 : vector<8x256xf32>
    %get3A_122 = arith.constant 0 : index
    %get3A_123 = arith.constant 0 : index
    %get3A_124 = vector.load %arg8[%get3A_122, %get3A_123] : memref<256x40xf32, #tpu.memory_space<vmem>>, vector<256x40xf32>
    %dot_general3A_125 = arith.constant dense<0.000000e+00> : vector<8x40xf32>
    %dot_general3A_126 = tpu.matmul %add3A_121, %get3A_124, %dot_general3A_125 {dimension_numbers = #tpu.dot_dimension_numbers<[1], [0], [0], [1], [0, 0, 1, 1], [], []>, transpose_lhs_hint = false} : vector<8x256xf32>, vector<256x40xf32>, vector<8x40xf32> -> vector<8x40xf32>
    %reduce_sum3A_127 = arith.constant dense<0.000000e+00> : vector<40xf32>
    %reduce_sum3A_128 = vector.multi_reduction <add>, %dot_general3A_126, %reduce_sum3A_127 [0] : vector<8x40xf32> to vector<40xf32>
    %broadcast_in_dim3A_129 = vector.shape_cast %reduce_sum3A_128 : vector<40xf32> to vector<1x40xf32>
    %div3A_130 = arith.constant 8.000000e+00 : f32
    %div3A_131 = vector.broadcast %div3A_130 : f32 to vector<1x40xf32>
    %div3A_132 = arith.divf %broadcast_in_dim3A_129, %div3A_131 : vector<1x40xf32>
    %sub3A_133 = vector.broadcast %div3A_132 : vector<1x40xf32> to vector<8x40xf32>
    %sub3A_134 = arith.subf %dot_general3A_126, %sub3A_133 : vector<8x40xf32>
    %integer_pow3A_135 = arith.mulf %sub3A_134, %sub3A_134 : vector<8x40xf32>
    %reduce_sum3A_136 = arith.constant dense<0.000000e+00> : vector<40xf32>
    %reduce_sum3A_137 = vector.multi_reduction <add>, %integer_pow3A_135, %reduce_sum3A_136 [0] : vector<8x40xf32> to vector<40xf32>
    %broadcast_in_dim3A_138 = vector.shape_cast %reduce_sum3A_137 : vector<40xf32> to vector<1x40xf32>
    %div3A_139 = arith.constant 8.000000e+00 : f32
    %div3A_140 = vector.broadcast %div3A_139 : f32 to vector<1x40xf32>
    %div3A_141 = arith.divf %broadcast_in_dim3A_138, %div3A_140 : vector<1x40xf32>
    %get3A_142 = arith.constant 0 : index
    %get3A_143 = arith.constant 0 : index
    %get3A_144 = vector.load %arg13[%get3A_142, %get3A_143] : memref<1x40xf32, #tpu.memory_space<vmem>>, vector<1x40xf32>
    %sub3A_145 = vector.broadcast %div3A_132 : vector<1x40xf32> to vector<8x40xf32>
    %sub3A_146 = arith.subf %dot_general3A_126, %sub3A_145 : vector<8x40xf32>
    %mul3A_147 = vector.broadcast %get3A_144 : vector<1x40xf32> to vector<8x40xf32>
    %mul3A_148 = arith.mulf %mul3A_147, %sub3A_146 : vector<8x40xf32>
    %add3A_149 = arith.constant 9.99999974E-6 : f32
    %add3A_150 = vector.broadcast %add3A_149 : f32 to vector<1x40xf32>
    %add3A_151 = arith.addf %div3A_141, %add3A_150 : vector<1x40xf32>
    %rsqrt3A_152 = math.rsqrt %add3A_151 : vector<1x40xf32>
    %mul3A_153 = vector.broadcast %rsqrt3A_152 : vector<1x40xf32> to vector<8x40xf32>
    %mul3A_154 = arith.mulf %mul3A_148, %mul3A_153 : vector<8x40xf32>
    %get3A_155 = arith.constant 0 : index
    %get3A_156 = arith.constant 0 : index
    %get3A_157 = vector.load %arg14[%get3A_155, %get3A_156] : memref<1x40xf32, #tpu.memory_space<vmem>>, vector<1x40xf32>
    %add3A_158 = vector.broadcast %get3A_157 : vector<1x40xf32> to vector<8x40xf32>
    %add3A_159 = arith.addf %mul3A_154, %add3A_158 : vector<8x40xf32>
    %swap3A = arith.constant 0 : index
    %swap3A_160 = arith.constant 0 : index
    %swap3A_161 = vector.load %arg15[%swap3A, %swap3A_160] : memref<8x40xf32, #tpu.memory_space<vmem>>, vector<8x40xf32>
    tpu.vector_store %arg15[%swap3A, %swap3A_160], %add3A_159 {strides = array<i32>} : memref<8x40xf32, #tpu.memory_space<vmem>>, vector<8x40xf32>,
    return
  }
}

</mosaic_0001>

<sc_bundles>
// kernel: kernel.20.cloned.1.call-start
scs
__scs_entry_jumppad:
0x0: {  	(pc) =	sbr.rel $0x88, $3  }
0x1: {  	(tag) =	ssettag $0x0;
	lr =	simm.s32 $0x1  }
0x2: {  	[smem:$0x3F83] =	sst lr;
	_ =	strace $0xD0000000  }
0x3: {  	_ = 	snop  }
0x4: {  	_ = 	snop  }
0x5: {  	_ = 	snop  }
0x6: {  	_ = 	snop  }
0x7: {  	_ = 	snop  }
__scs_overlays_trampoline_lowered:
0x8: {  	[smem:$0x3F92] =	sst s0  }
0x9: {  	[smem:$0x3F93] =	sst s1  }
0xa: {  	[smem:$0x3F94] =	sst s2  }
0xb: {  	[smem:$0x3F95] =	sst s3  }
0xc: {  	[smem:$0x3F96] =	sst s4  }
0xd: {  	[smem:$0x3F97] =	sst s5  }
0xe: {  	[smem:$0x3F98] =	sst s6  }
0xf: {  	[smem:$0x3F99] =	sst s7  }
0x10: {  	[smem:$0x3F9A] =	sst s8  }
0x11: {  	[smem:$0x3F9B] =	sst s9;
	s0 =	simm.s32 @!p0 $0x0  }
0x12: {  	s1 =	sld [smem:$0x3F81];
	s0 =	simm.s32 @p0 $0x1  }
0x13: {  	[smem:$0x3F9C] =	sst s0;
	s0 =	simm.s32 @!p1 $0x0  }
0x14: {  	s2 =	sld [smem:$0x3F80];
	s0 =	simm.s32 @p1 $0x1  }
0x15: {  	[smem:$0x3F9D] =	sst s0;
	s0 =	simm.s32 @!p2 $0x0  }
0x16: {  	s3 =	sld [smem:$0x3FDB];
	s0 =	simm.s32 @p2 $0x1  }
0x17: {  	s4 =	simm.s32 $0x1BF5;
	[smem:$0x3F9F] =	sst s0  }
0x18: {  	s0 =	sld [smem:$0x3F82];
	_ =	swait.ge [sflag:s4], $0x0  }
0x19: {  	s7 =	sld [smem:$0x3F83]  }
0x1a: {  	s8 =	sadd.s32 $0xFFFFE003, lr  }
0x1b: {  	s9 =	sadd.s32 $0xFFFFFEF7, lr;
	s5 =	simm.s32 $0xFFFFFFFF;
	p2 =	slt.u32 s8, $0xFFFFF086  }
0x1c: {  	p1 =	slt.u32 s9, $0xF7A;
	s5 =	simm.s32 @!p2 $0x0  }
0x1d: {  	s5 =	simm.s32 @p1 $0x1;
	p0 =	seq.s32 s7, s2  }
0x1e: {  	s7 =	smul.u32 @!p0 $0xF7A, s2;
	p2 =	seq.s32 @!p0 s5, $0x0  }
0x1f: {  	s9 =	smul.u32 $0xF7A, s1;
	s8 =	simm.s32 @!p0 $0x1BF5;
	p2 =	por !p2, p0  }
0x20: {  	[sflag:s8] =	ssyncset.s32 @!p0 $0xFFFFF086;
	s6 =	sadd.s32 @!p0 s3, s7;
	s7 =	simm.s32 @!p0 $0x108  }
0x21: {  	s3 =	sadd.s32 s3, s9;
	s6 =	sadd.s32 @!p0 $0x88, s6;
	s7 =	simm.s32 @p2 $0x1082  }
0x22: {  	[simem:s7], [sflag:s8] =	dma.local @!p0 [hbm:s6], $0xF7A  }
0x23: {  	s9 =	sor.u32 $0xD0000000, s2;
	s6 =	simm.s32 $0x108;
	_ =	swait.ge @!p0 [sflag:s8], $0x0  }
0x24: {  	s3 =	sadd.s32 $0x88, s3;
	s6 =	simm.s32 @!p1 $0x1082;
	[sflag:s4] =	ssyncset.s32 $0xFFFFF086  }
0x25: {  	[simem:s6], [sflag:s4] =	dma.local [hbm:s3], $0xF7A  }
0x26: {  	[smem:$0x3F83] =	sst s1;
	(tag) =	ssettag s2;
	_ =	strace s9  }
0x27: {  	s1 =	sld [smem:$0x3F93]  }
0x28: {  	s2 =	sld [smem:$0x3F94]  }
0x29: {  	s4 =	sld [smem:$0x3F96]  }
0x2a: {  	p0 =	seq.s32 s5, $0x0;
	s5 =	sld [smem:$0x3F97]  }
0x2b: {  	s6 =	sld [smem:$0x3F98]  }
0x2c: {  	s7 =	sld [smem:$0x3F99]  }
0x2d: {  	s3 =	simm.s32 $0x108;
	s8 =	sld [smem:$0x3F9A]  }
0x2e: {  	s3 =	simm.s32 @!p0 $0x1082;
	s9 =	sld [smem:$0x3F9B]  }
0x2f: {  	lr =	sadd.s32 s0, s3;
	s0 =	sld [smem:$0x3F92]  }
0x30: {  	s3 =	sld [smem:$0x3F95]  }
0x31: {  	[smem:$0x3F9E] =	sst s10  }
0x32: {  	s10 =	sld [smem:$0x3F9C];
	_ =	sdelay $0x3  }
0x33: {  	p0 =	seq.s32 s10, $0x1;
	s10 =	sld [smem:$0x3F9E];
	_ =	sdelay $0x3  }
0x34: {  	[smem:$0x3F9E] =	sst s10  }
0x35: {  	s10 =	sld [smem:$0x3F9D];
	_ =	sdelay $0x3  }
0x36: {  	p1 =	seq.s32 s10, $0x1;
	s10 =	sld [smem:$0x3F9E];
	_ =	sdelay $0x3  }
0x37: {  	[smem:$0x3F9E] =	sst s10  }
0x38: {  	s10 =	sld [smem:$0x3F9F]  }
0x39: {  	_ = 	snop;
	(pc) =	sbr.ind lr, $3  }
0x3a: {  	_ = 	snop  }
0x3b: {  	_ = 	snop  }
0x3c: {  	p2 =	seq.s32 s10, $0x1;
	s10 =	sld [smem:$0x3F9E]  }
0x3d: {  	_ =	shalt  }
0x3e: {  	_ =	shalt  }
0x3f: {  	_ =	shalt  }
0x40: {  	_ =	shalt  }
0x41: {  	_ =	shalt  }
0x42: {  	_ =	shalt  }
0x43: {  	_ =	shalt  }
0x44: {  	_ =	shalt  }
0x45: {  	_ =	shalt  }
0x46: {  	_ =	shalt  }
0x47: {  	_ =	shalt  }
0x48: {  	_ =	shalt  }
0x49: {  	_ =	shalt  }
0x4a: {  	_ =	shalt  }
0x4b: {  	_ =	shalt  }
0x4c: {  	_ =	shalt  }
0x4d: {  	_ =	shalt  }
0x4e: {  	_ =	shalt  }
0x4f: {  	_ =	shalt  }
0x50: {  	_ =	shalt  }
0x51: {  	_ =	shalt  }
0x52: {  	_ =	shalt  }
0x53: {  	_ =	shalt  }
0x54: {  	_ =	shalt  }
0x55: {  	_ =	shalt  }
0x56: {  	_ =	shalt  }
0x57: {  	_ =	shalt  }
0x58: {  	_ =	shalt  }
0x59: {  	_ =	shalt  }
0x5a: {  	_ =	shalt  }
0x5b: {  	_ =	shalt  }
0x5c: {  	_ =	shalt  }
0x5d: {  	_ =	shalt  }
0x5e: {  	_ =	shalt  }
0x5f: {  	_ =	shalt  }
0x60: {  	_ =	shalt  }
0x61: {  	_ =	shalt  }
0x62: {  	_ =	shalt  }
0x63: {  	_ =	shalt  }
0x64: {  	_ =	shalt  }
0x65: {  	_ =	shalt  }
0x66: {  	_ =	shalt  }
0x67: {  	_ =	shalt  }
0x68: {  	_ =	shalt  }
0x69: {  	_ =	shalt  }
0x6a: {  	_ =	shalt  }
0x6b: {  	_ =	shalt  }
0x6c: {  	_ =	shalt  }
0x6d: {  	_ =	shalt  }
0x6e: {  	_ =	shalt  }
0x6f: {  	_ =	shalt  }
0x70: {  	_ =	shalt  }
0x71: {  	_ =	shalt  }
0x72: {  	_ =	shalt  }
0x73: {  	_ =	shalt  }
0x74: {  	_ =	shalt  }
0x75: {  	_ =	shalt  }
0x76: {  	_ =	shalt  }
0x77: {  	_ =	shalt  }
0x78: {  	_ =	shalt  }
0x79: {  	_ =	shalt  }
0x7a: {  	_ =	shalt  }
0x7b: {  	_ =	shalt  }
0x7c: {  	_ =	shalt  }
0x7d: {  	_ =	shalt  }
0x7e: {  	_ =	shalt  }
0x7f: {  	_ =	shalt  }
0x80: {  	_ =	shalt  }
0x81: {  	_ =	shalt  }
0x82: {  	_ =	shalt  }
0x83: {  	_ =	shalt  }
0x84: {  	_ =	shalt  }
0x85: {  	_ =	shalt  }
0x86: {  	_ =	shalt  }
0x87: {  	_ =	shalt  }
.Lfunc_end0:
.L_simem_size_0:
called_computation_lowered:
.L_overlay_start_0:
0x88: {  	s2 =	sld [smem:$0x3FD9]  }
0x89: {  	s3 =	sld [smem:$0x3FFE];
	_ =	sdelay $0x1  }
0x8a: {  	s1 =	srdreg.scid  }
0x8b: {  	s0 =	sand.u32 $0x1, s1  }
0x8c: {  	s14 =	sshll.u32 s0, $0xA;
	s2 =	sadd.s32 s3, s2  }
0x8d: {  	s2 =	sadd.s32 s2, s14  }
0x8e: {  	[smem:$0x3FAA] =	sst s2  }
0x8f: {  	_ = 	snop  }
0x90: {  	s2 =	sld [smem:$0x3FD0];
	_ =	sdelay $0x2  }
0x91: {  	s15 =	simm.s32 $0xA;
	s4 =	simm.s32 $0x10  }
0x92: {  	[smem:s4], [sflag:s15] =	dma.local [hbm:s2], $0x1  }
0x93: {  	_ =	swait.eq [sflag:s15], $0x1  }
0x94: {  	[sflag:s15] =	ssyncset.done $0x0  }
0x95: {  	s16 =	sld [smem:$0x12];
	[sflag:s15] =	ssyncadd.s32 $0xFFFFFFFF  }
0x96: {  	s17 =	sld [smem:$0x17];
	(tm) =	ssettm $0x1  }
0x97: {  	s18 =	sld [smem:$0x3FFB];
	_ =	sdelay $0x3  }
0x98: {  	_ =	strace s18  }
0x99: {  	s4 =	sld [smem:$0x3FFC];
	_ =	sdelay $0x3  }
0x9a: {  	_ =	strace s4  }
0x9b: {  	s4 =	sld [smem:$0x3FFD];
	_ =	sdelay $0x3  }
0x9c: {  	_ =	strace s4  }
0x9d: {  	_ =	strace $0x8FFFFFFF  }
0x9e: {  	s19 =	sld [smem:$0x3FDB];
	_ =	sdelay $0x1  }
0x9f: {  	s5 =	simm.s32 $_scs_section_size  }
0xa0: {  	s6 =	simm.s32 $_size__tile_overlayer_lowered;
	s7 =	simm.s32 $_tile_overlayer_lowered  }
0xa1: {  	s22 =	simm.s32 $0x1BFF;
	s21 =	sshll.u32 s7, $0x1;
	s4 =	sadd.s32 s5, s19  }
0xa2: {  	s8 =	simm.s32 $0x0;
	s20 =	sshll.u32 s6, $0x1;
	s6 =	sadd.s32 s21, s4  }
0xa3: {  	[timem:s8], [sflag:s22] =	dma.local [hbm:s6], s20  }
0xa4: {  	_ =	swait.ge [sflag:s22], s20  }
0xa5: {  	s5 =	ssub.s32 $0x0, s20;
	[sflag:s22] =	ssyncset.done $0x0  }
0xa6: {  	[sflag:s22] =	ssyncadd.s32 s5;
	_ =	sdelay $0x1  }
0xa7: {  	s23 =	simm.s32 $0x1B8B  }
0xa8: {  	_ =	swait.ge [sflag:s23], $0x1  }
0xa9: {  	[sflag:s23] =	ssyncset.done $0x0  }
0xaa: {  	s25 =	simm.s32 $0x1B8E;
	s24 =	sld [smem:$0x3FFE];
	[sflag:s23] =	ssyncadd.s32 $0xFFFFFFFF  }
0xab: {  	s26 =	simm.s32 $execute0_lowered;
	[smem:$0x3FD2] =	sst s25  }
0xac: {  	s6 =	sshll.u32 s26, $0x1;
	_ =	strace $0x80000046;
	[dreg:$0x1] =	wrdreg $0xFFFFFFFF  }
0xad: {  	s28 =	simm.s32 $_size_execute0_lowered;
	s4 =	sadd.s32 s4, s6;
	[dreg:$0x0] =	wrdreg $0x0  }
0xae: {  	s6 =	sshll.u32 s28, $0x1;
	[dreg:$0x2] =	wrdreg s4  }
0xaf: {  	[dreg:$0x3] =	wrdreg s6  }
0xb0: {  	[dreg:$0x4] =	wrdreg $0xC0  }
0xb1: {  	_ =	task [dreg:s8], $0x5FFFF  }
0xb2: {  	[dreg:$0x1] =	wrdreg $0xFFFFFFFF  }
0xb3: {  	[dreg:$0x0] =	wrdreg $0x60  }
0xb4: {  	[dreg:$0x2] =	wrdreg s17  }
0xb5: {  	[dreg:$0x3] =	wrdreg s16  }
0xb6: {  	[dreg:$0x4] =	wrdreg s24  }
0xb7: {  	[dreg:$0x5] =	wrdreg $0x9  }
0xb8: {  	_ =	task.clear_ibuf [dreg:s8], $0x6FFFF;
	_ =	strace $0x90000046  }
0xb9: {  	s29 =	simm.s32 $0x9;
	_ =	strace $0x80000048  }
0xba: {  	_ =	swait.ge [sflag:s29], $0x1  }
0xbb: {  	[sflag:s29] =	ssyncadd.s32 $0xFFFFFFFF  }
0xbc: {  	_ =	strace $0x90000048  }
0xbd: {  	_ =	sfence  }
0xbe: {  	s30 =	sld [smem:$0x0];
	_ =	sdelay $0x2  }
0xbf: {  	s31 =	sshll.u32 s1, $0xD;
	s1 =	sshrl.u32 s1, $0x2  }
0xc0: {  	s3 =	sand.u32 $0x4000, s31;
	s1 =	sadd.s32 s1, s30  }
0xc1: {  	s0 =	sor.u32 s3, s0;
	s1 =	sshll.u32 s1, $0x11  }
0xc2: {  	s0 =	sor.u32 s1, s0  }
0xc3: {  	s0 =	sadd.s32 $0x8F2B, s0  }
0xc4: {  	[sflag:s0] =	ssyncadd.remote.s32 $0x1  }
0xc5: {  	_ =	sfence.sel $0xFFFF  }
0xc6: {  	[dreg:$0x0] =	wrdreg $0xFFFFFFFF;
	(pc) =	sbr.abs _section_cstart, $3  }
0xc7: {  	[dreg:$0x1] =	wrdreg $0xFFFFFFFF  }
0xc8: {  	_ =	task.clear_ibuf [dreg:s8], $0x2FFFF;
	_ =	strace $0x9FFFFFFF  }
0xc9: {  	(tm) =	ssettm $0x7FFFFFFF  }
tec
execute0_lowered:
.L_overlay_start_1:
0x0: {  	(tag) =	ssettag $0x1  }
0x1: {  	s2 =	rddreg [dreg:$0x0]  }
0x2: {  	s4 =	rddreg [dreg:$0x1]  }
0x3: {  	s5 =	rddreg [dreg:$0x2]  }
0x4: {  	s1 =	stileid.u32;
	s3 =	srdreg.scid  }
0x5: {  	s0 =	rddreg [dreg:$0x3];
	s11 =	simm.s32 $0x0;
	s6 =	sand.u32 $0x1, s3  }
0x6: {  	s7 =	sshll.u32 s1, $0x1;
	s3 =	simm.s32 $0x0;
	s8 =	smul.u32 $0x28000, s1  }
0x7: {  	s7 =	sor.u32 s6, s7;
	s9 =	ssub.s32 $0x2, s6;
	s6 =	smul.u32 $0x14000, s6  }
0x8: {  	[smem:$0x7FF] =	sst s3;
	s7 =	smul.u32 $0x1400, s7;
	s10 =	sshrl.u32 s9, $0x1  }
0x9: {  	_ =	strace $0x80000047;
	s8 =	sadd.s32 s8, s5;
	s31 =	ssub.s32 s9, s10  }
0xa: {  	s6 =	sadd.s32 s6, s8;
	s8 =	simm.s32 $0x140;
	s9 =	simm.s32 $0x1400  }
0xb: {  	s10 =	simm.s32 $0x1;
	s7 =	sshrl.u32 s7, $0x3;
	s5 =	smax.u32 s31, $0x1  }
0xc: {  	s6 =	sadd.s32 $0x26000, s6;
	s4 =	sadd.s32 s4, s7;
	s7 =	simm.s32 $0x2  }
.LBB2_1:
0xd: {  	[tilespmem:s3], [sflag:$0x2] =	stream.linear.gather [hbm4b:s4+s3], $0x1400, $0x38;
	[tilespmem:$0xB400] =	vst v63  }
0xe: {  	_ =	swait.ge [sflag:s7], $0x1400  }
0xf: {  	[sflag:s7] =	ssyncset.done $0x0  }
0x10: {  	s12 =	simm.s32 $0x0;
	[sflag:s7] =	ssyncadd.s32 $0xFFFFEC00  }
0x11: {  	[tilespmem:s9], [sflag:$0x1] =	stream.indirect.gather [hbm4b:s2+s8], $0x80, s12, s8, $0xb8;
	[tilespmem:$0xB400] =	vst v63  }
0x12: {  	_ =	swait.ge [sflag:s10], $0xA000  }
0x13: {  	[sflag:s10] =	ssyncset.done $0x0  }
0x14: {  	[sflag:s10] =	ssyncadd.s32 $0xFFFF6000  }
0x15: {  	[hbm4b:s6+s3] =	stream.linear.scatter [tilespmem:s9], [sflag:$0x2], $0xA000, $0x38;
	[tilespmem:$0xB400] =	vst v63  }
0x16: {  	s13 =	simm.s32 $0x500;
	_ =	swait.ge [sflag:s7], $0xA000  }
0x17: {  	s14 =	simm.s32 $0xA00;
	s12 =	sadd.s32 $0x1400, s6;
	[sflag:s7] =	ssyncset.done $0x0  }
.LBB2_2:
0x18: {  	s15 =	sshra.s32 s13, $0x2  }
0x19: {  	[sflag:s7] =	ssyncadd.s32 $0xFFFF6000;
	s13 =	smov.u32 s14;
	s16 =	sadd.s32 $0x500, s14  }
0x1a: {  	[tilespmem:s9], [sflag:$0x1] =	stream.indirect.gather [hbm4b:s2+s8], $0x80, s15, s8, $0xb8;
	[tilespmem:$0xB400] =	vst v63  }
0x1b: {  	p0 =	sne.s32 s14, $0x4B00;
	_ =	swait.ge [sflag:s10], $0xA000  }
.Ltmp0:
0x1c: {  	[sflag:s10] =	ssyncset.done $0x0;
	(pc) =	sbr.rel @p0 .LBB2_2-.Ltmp0, $4  }
0x1d: {  	[sflag:s10] =	ssyncadd.s32 $0xFFFF6000  }
0x1e: {  	[hbm4b:s12+s3] =	stream.linear.scatter [tilespmem:s9], [sflag:$0x2], $0xA000, $0x38;
	[tilespmem:$0xB400] =	vst v63  }
0x1f: {  	_ =	swait.ge [sflag:s7], $0xA000  }
0x20: {  	s14 =	smov.u32 s16;
	s12 =	sadd.s32 $0x1400, s12;
	[sflag:s7] =	ssyncset.done $0x0  }
0x21: {  	s13 =	sshra.s32 s13, $0x2;
	[sflag:s7] =	ssyncadd.s32 $0xFFFF6000  }
0x22: {  	[tilespmem:s9], [sflag:$0x1] =	stream.indirect.gather [hbm4b:s2+s8], $0x80, s13, s8, $0xb8;
	[tilespmem:$0xB400] =	vst v63  }
0x23: {  	s11 =	sadd.s32 $0x1, s11;
	_ =	swait.ge [sflag:s10], $0xA000  }
0x24: {  	p0 =	sne.s32 s11, s5;
	[sflag:s10] =	ssyncset.done $0x0  }
.Ltmp1:
0x25: {  	[sflag:s10] =	ssyncadd.s32 $0xFFFF6000;
	(pc) =	sbr.rel @p0 .LBB2_1-.Ltmp1, $4  }
0x26: {  	[hbm4b:s12+s3] =	stream.linear.scatter [tilespmem:s9], [sflag:$0x2], $0xA000, $0x38;
	[tilespmem:$0xB400] =	vst v63  }
0x27: {  	_ =	swait.ge [sflag:s7], $0xA000  }
0x28: {  	[sflag:s7] =	ssyncset.done $0x0  }
0x29: {  	[sflag:s7] =	ssyncadd.s32 $0xFFFF6000  }
0x2a: {  	_ =	sfence.sel $0x180000  }
0x2b: {  	[bflag:$0x0] =	sbarrier.arrive $0xFFFF  }
0x2c: {  	p0 =	sne.s32 s1, $0x0;
	_ =	strace $0x90000047  }
0x2d: {  	s0 =	sadd.s32 @!p0 $0x100000, s0;
	[bflag:$0x2] =	sbarrier.arrive $0xFFFF  }
0x2e: {  	[sflag:s0] =	ssyncadd.tile.s32 @!p0 $0x1;
	_ =	shalt  }
.Lfunc_end2:
_tile_overlayer_lowered:
.L_overlay_start_2:
0x2f: {  	(tag) =	ssettag $0x2  }
0x30: {  	s0 =	rddreg [dreg:$0x0];
	s2 =	stileid.u32  }
0x31: {  	s1 =	rddreg [dreg:$0x1];
	p0 =	sne.s32 s2, $0x0  }
0x32: {  	s3 =	rddreg [dreg:$0x2];
	[bflag:$0x3] =	sbarrier.arrive $0xFFFF;
	s2 =	simm.s32 @!p0 $0x1C02  }
0x33: {  	[timem:s3], [sflag:s2] =	dma.local @!p0 [hbm:s0], s1  }
0x34: {  	s0 =	simm.s32 @!p0 $0x2  }
0x35: {  	_ =	swait.ge @!p0 [sflag:s0], s1  }
0x36: {  	s1 =	ssub.s32 @!p0 $0x0, s1;
	[sflag:s0] =	ssyncset.done @!p0 $0x0  }
0x37: {  	[sflag:s0] =	ssyncadd.s32 @!p0 s1  }
0x38: {  	[bflag:$0x3] =	sbarrier.arrive $0xFFFF  }
0x39: {  	_ =	shalt  }

// kernel: kernel.23.cloned.1.call-start
scs
__scs_entry_jumppad:
0x0: {  	(pc) =	sbr.rel $0x88, $3  }
0x1: {  	(tag) =	ssettag $0x0;
	lr =	simm.s32 $0x1  }
0x2: {  	[smem:$0x3F83] =	sst lr;
	_ =	strace $0xD0000000  }
0x3: {  	_ = 	snop  }
0x4: {  	_ = 	snop  }
0x5: {  	_ = 	snop  }
0x6: {  	_ = 	snop  }
0x7: {  	_ = 	snop  }
__scs_overlays_trampoline_lowered:
0x8: {  	[smem:$0x3F92] =	sst s0  }
0x9: {  	[smem:$0x3F93] =	sst s1  }
0xa: {  	[smem:$0x3F94] =	sst s2  }
0xb: {  	[smem:$0x3F95] =	sst s3  }
0xc: {  	[smem:$0x3F96] =	sst s4  }
0xd: {  	[smem:$0x3F97] =	sst s5  }
0xe: {  	[smem:$0x3F98] =	sst s6  }
0xf: {  	[smem:$0x3F99] =	sst s7  }
0x10: {  	[smem:$0x3F9A] =	sst s8  }
0x11: {  	[smem:$0x3F9B] =	sst s9;
	s0 =	simm.s32 @!p0 $0x0  }
0x12: {  	s1 =	sld [smem:$0x3F81];
	s0 =	simm.s32 @p0 $0x1  }
0x13: {  	[smem:$0x3F9C] =	sst s0;
	s0 =	simm.s32 @!p1 $0x0  }
0x14: {  	s2 =	sld [smem:$0x3F80];
	s0 =	simm.s32 @p1 $0x1  }
0x15: {  	[smem:$0x3F9D] =	sst s0;
	s0 =	simm.s32 @!p2 $0x0  }
0x16: {  	s3 =	sld [smem:$0x3FDB];
	s0 =	simm.s32 @p2 $0x1  }
0x17: {  	s4 =	simm.s32 $0x1BF5;
	[smem:$0x3F9F] =	sst s0  }
0x18: {  	s0 =	sld [smem:$0x3F82];
	_ =	swait.ge [sflag:s4], $0x0  }
0x19: {  	s7 =	sld [smem:$0x3F83]  }
0x1a: {  	s8 =	sadd.s32 $0xFFFFE003, lr  }
0x1b: {  	s9 =	sadd.s32 $0xFFFFFEF7, lr;
	s5 =	simm.s32 $0xFFFFFFFF;
	p2 =	slt.u32 s8, $0xFFFFF086  }
0x1c: {  	p1 =	slt.u32 s9, $0xF7A;
	s5 =	simm.s32 @!p2 $0x0  }
0x1d: {  	s5 =	simm.s32 @p1 $0x1;
	p0 =	seq.s32 s7, s2  }
0x1e: {  	s7 =	smul.u32 @!p0 $0xF7A, s2;
	p2 =	seq.s32 @!p0 s5, $0x0  }
0x1f: {  	s9 =	smul.u32 $0xF7A, s1;
	s8 =	simm.s32 @!p0 $0x1BF5;
	p2 =	por !p2, p0  }
0x20: {  	[sflag:s8] =	ssyncset.s32 @!p0 $0xFFFFF086;
	s6 =	sadd.s32 @!p0 s3, s7;
	s7 =	simm.s32 @!p0 $0x108  }
0x21: {  	s3 =	sadd.s32 s3, s9;
	s6 =	sadd.s32 @!p0 $0x88, s6;
	s7 =	simm.s32 @p2 $0x1082  }
0x22: {  	[simem:s7], [sflag:s8] =	dma.local @!p0 [hbm:s6], $0xF7A  }
0x23: {  	s9 =	sor.u32 $0xD0000000, s2;
	s6 =	simm.s32 $0x108;
	_ =	swait.ge @!p0 [sflag:s8], $0x0  }
0x24: {  	s3 =	sadd.s32 $0x88, s3;
	s6 =	simm.s32 @!p1 $0x1082;
	[sflag:s4] =	ssyncset.s32 $0xFFFFF086  }
0x25: {  	[simem:s6], [sflag:s4] =	dma.local [hbm:s3], $0xF7A  }
0x26: {  	[smem:$0x3F83] =	sst s1;
	(tag) =	ssettag s2;
	_ =	strace s9  }
0x27: {  	s1 =	sld [smem:$0x3F93]  }
0x28: {  	s2 =	sld [smem:$0x3F94]  }
0x29: {  	s4 =	sld [smem:$0x3F96]  }
0x2a: {  	p0 =	seq.s32 s5, $0x0;
	s5 =	sld [smem:$0x3F97]  }
0x2b: {  	s6 =	sld [smem:$0x3F98]  }
0x2c: {  	s7 =	sld [smem:$0x3F99]  }
0x2d: {  	s3 =	simm.s32 $0x108;
	s8 =	sld [smem:$0x3F9A]  }
0x2e: {  	s3 =	simm.s32 @!p0 $0x1082;
	s9 =	sld [smem:$0x3F9B]  }
0x2f: {  	lr =	sadd.s32 s0, s3;
	s0 =	sld [smem:$0x3F92]  }
0x30: {  	s3 =	sld [smem:$0x3F95]  }
0x31: {  	[smem:$0x3F9E] =	sst s10  }
0x32: {  	s10 =	sld [smem:$0x3F9C];
	_ =	sdelay $0x3  }
0x33: {  	p0 =	seq.s32 s10, $0x1;
	s10 =	sld [smem:$0x3F9E];
	_ =	sdelay $0x3  }
0x34: {  	[smem:$0x3F9E] =	sst s10  }
0x35: {  	s10 =	sld [smem:$0x3F9D];
	_ =	sdelay $0x3  }
0x36: {  	p1 =	seq.s32 s10, $0x1;
	s10 =	sld [smem:$0x3F9E];
	_ =	sdelay $0x3  }
0x37: {  	[smem:$0x3F9E] =	sst s10  }
0x38: {  	s10 =	sld [smem:$0x3F9F]  }
0x39: {  	_ = 	snop;
	(pc) =	sbr.ind lr, $3  }
0x3a: {  	_ = 	snop  }
0x3b: {  	_ = 	snop  }
0x3c: {  	p2 =	seq.s32 s10, $0x1;
	s10 =	sld [smem:$0x3F9E]  }
0x3d: {  	_ =	shalt  }
0x3e: {  	_ =	shalt  }
0x3f: {  	_ =	shalt  }
0x40: {  	_ =	shalt  }
0x41: {  	_ =	shalt  }
0x42: {  	_ =	shalt  }
0x43: {  	_ =	shalt  }
0x44: {  	_ =	shalt  }
0x45: {  	_ =	shalt  }
0x46: {  	_ =	shalt  }
0x47: {  	_ =	shalt  }
0x48: {  	_ =	shalt  }
0x49: {  	_ =	shalt  }
0x4a: {  	_ =	shalt  }
0x4b: {  	_ =	shalt  }
0x4c: {  	_ =	shalt  }
0x4d: {  	_ =	shalt  }
0x4e: {  	_ =	shalt  }
0x4f: {  	_ =	shalt  }
0x50: {  	_ =	shalt  }
0x51: {  	_ =	shalt  }
0x52: {  	_ =	shalt  }
0x53: {  	_ =	shalt  }
0x54: {  	_ =	shalt  }
0x55: {  	_ =	shalt  }
0x56: {  	_ =	shalt  }
0x57: {  	_ =	shalt  }
0x58: {  	_ =	shalt  }
0x59: {  	_ =	shalt  }
0x5a: {  	_ =	shalt  }
0x5b: {  	_ =	shalt  }
0x5c: {  	_ =	shalt  }
0x5d: {  	_ =	shalt  }
0x5e: {  	_ =	shalt  }
0x5f: {  	_ =	shalt  }
0x60: {  	_ =	shalt  }
0x61: {  	_ =	shalt  }
0x62: {  	_ =	shalt  }
0x63: {  	_ =	shalt  }
0x64: {  	_ =	shalt  }
0x65: {  	_ =	shalt  }
0x66: {  	_ =	shalt  }
0x67: {  	_ =	shalt  }
0x68: {  	_ =	shalt  }
0x69: {  	_ =	shalt  }
0x6a: {  	_ =	shalt  }
0x6b: {  	_ =	shalt  }
0x6c: {  	_ =	shalt  }
0x6d: {  	_ =	shalt  }
0x6e: {  	_ =	shalt  }
0x6f: {  	_ =	shalt  }
0x70: {  	_ =	shalt  }
0x71: {  	_ =	shalt  }
0x72: {  	_ =	shalt  }
0x73: {  	_ =	shalt  }
0x74: {  	_ =	shalt  }
0x75: {  	_ =	shalt  }
0x76: {  	_ =	shalt  }
0x77: {  	_ =	shalt  }
0x78: {  	_ =	shalt  }
0x79: {  	_ =	shalt  }
0x7a: {  	_ =	shalt  }
0x7b: {  	_ =	shalt  }
0x7c: {  	_ =	shalt  }
0x7d: {  	_ =	shalt  }
0x7e: {  	_ =	shalt  }
0x7f: {  	_ =	shalt  }
0x80: {  	_ =	shalt  }
0x81: {  	_ =	shalt  }
0x82: {  	_ =	shalt  }
0x83: {  	_ =	shalt  }
0x84: {  	_ =	shalt  }
0x85: {  	_ =	shalt  }
0x86: {  	_ =	shalt  }
0x87: {  	_ =	shalt  }
.Lfunc_end0:
.L_simem_size_0:
called_computation.1_lowered:
.L_overlay_start_0:
0x88: {  	s2 =	sld [smem:$0x3FD9]  }
0x89: {  	s3 =	sld [smem:$0x3FFE];
	_ =	sdelay $0x1  }
0x8a: {  	s1 =	srdreg.scid  }
0x8b: {  	s0 =	sand.u32 $0x1, s1  }
0x8c: {  	s14 =	sshll.u32 s0, $0xA;
	s2 =	sadd.s32 s3, s2  }
0x8d: {  	s2 =	sadd.s32 s2, s14  }
0x8e: {  	[smem:$0x3FAA] =	sst s2  }
0x8f: {  	_ = 	snop  }
0x90: {  	s2 =	sld [smem:$0x3FD0];
	_ =	sdelay $0x2  }
0x91: {  	s15 =	simm.s32 $0xA;
	s4 =	simm.s32 $0x10  }
0x92: {  	[smem:s4], [sflag:s15] =	dma.local [hbm:s2], $0x1  }
0x93: {  	_ =	swait.eq [sflag:s15], $0x1  }
0x94: {  	[sflag:s15] =	ssyncset.done $0x0  }
0x95: {  	s16 =	sld [smem:$0x16];
	[sflag:s15] =	ssyncadd.s32 $0xFFFFFFFF  }
0x96: {  	s17 =	sld [smem:$0x17];
	(tm) =	ssettm $0x1  }
0x97: {  	s18 =	sld [smem:$0x3FFB];
	_ =	sdelay $0x3  }
0x98: {  	_ =	strace s18  }
0x99: {  	s4 =	sld [smem:$0x3FFC];
	_ =	sdelay $0x3  }
0x9a: {  	_ =	strace s4  }
0x9b: {  	s4 =	sld [smem:$0x3FFD];
	_ =	sdelay $0x3  }
0x9c: {  	_ =	strace s4  }
0x9d: {  	_ =	strace $0x8FFFFFFF  }
0x9e: {  	s19 =	sld [smem:$0x3FDB];
	_ =	sdelay $0x1  }
0x9f: {  	s5 =	simm.s32 $_scs_section_size  }
0xa0: {  	s6 =	simm.s32 $_size__tile_overlayer_lowered;
	s7 =	simm.s32 $_tile_overlayer_lowered  }
0xa1: {  	s22 =	simm.s32 $0x1BFF;
	s21 =	sshll.u32 s7, $0x1;
	s4 =	sadd.s32 s5, s19  }
0xa2: {  	s8 =	simm.s32 $0x0;
	s20 =	sshll.u32 s6, $0x1;
	s6 =	sadd.s32 s21, s4  }
0xa3: {  	[timem:s8], [sflag:s22] =	dma.local [hbm:s6], s20  }
0xa4: {  	_ =	swait.ge [sflag:s22], s20  }
0xa5: {  	s5 =	ssub.s32 $0x0, s20;
	[sflag:s22] =	ssyncset.done $0x0  }
0xa6: {  	[sflag:s22] =	ssyncadd.s32 s5;
	_ =	sdelay $0x1  }
0xa7: {  	s23 =	simm.s32 $0x1B8B  }
0xa8: {  	_ =	swait.ge [sflag:s23], $0x1  }
0xa9: {  	[sflag:s23] =	ssyncset.done $0x0  }
0xaa: {  	s25 =	simm.s32 $0x1B8E;
	s24 =	sld [smem:$0x3FFE];
	[sflag:s23] =	ssyncadd.s32 $0xFFFFFFFF  }
0xab: {  	s26 =	simm.s32 $execute0_lowered;
	[smem:$0x3FD2] =	sst s25  }
0xac: {  	s6 =	sshll.u32 s26, $0x1;
	_ =	strace $0x80000049;
	[dreg:$0x1] =	wrdreg $0xFFFFFFFF  }
0xad: {  	s28 =	simm.s32 $_size_execute0_lowered;
	s4 =	sadd.s32 s4, s6;
	[dreg:$0x0] =	wrdreg $0x0  }
0xae: {  	s6 =	sshll.u32 s28, $0x1;
	[dreg:$0x2] =	wrdreg s4  }
0xaf: {  	[dreg:$0x3] =	wrdreg s6  }
0xb0: {  	[dreg:$0x4] =	wrdreg $0xC0  }
0xb1: {  	_ =	task [dreg:s8], $0x5FFFF  }
0xb2: {  	[dreg:$0x1] =	wrdreg $0xFFFFFFFF  }
0xb3: {  	[dreg:$0x0] =	wrdreg $0x60  }
0xb4: {  	[dreg:$0x2] =	wrdreg s17  }
0xb5: {  	[dreg:$0x3] =	wrdreg s16  }
0xb6: {  	[dreg:$0x4] =	wrdreg s24  }
0xb7: {  	[dreg:$0x5] =	wrdreg $0x9  }
0xb8: {  	_ =	task.clear_ibuf [dreg:s8], $0x6FFFF;
	_ =	strace $0x90000049  }
0xb9: {  	s29 =	simm.s32 $0x9;
	_ =	strace $0x8000004B  }
0xba: {  	_ =	swait.ge [sflag:s29], $0x1  }
0xbb: {  	[sflag:s29] =	ssyncadd.s32 $0xFFFFFFFF  }
0xbc: {  	_ =	strace $0x9000004B  }
0xbd: {  	_ =	sfence  }
0xbe: {  	s30 =	sld [smem:$0x0];
	_ =	sdelay $0x2  }
0xbf: {  	s31 =	sshll.u32 s1, $0xD;
	s1 =	sshrl.u32 s1, $0x2  }
0xc0: {  	s3 =	sand.u32 $0x4000, s31;
	s1 =	sadd.s32 s1, s30  }
0xc1: {  	s0 =	sor.u32 s3, s0;
	s1 =	sshll.u32 s1, $0x11  }
0xc2: {  	s0 =	sor.u32 s1, s0  }
0xc3: {  	s0 =	sadd.s32 $0x8F2B, s0  }
0xc4: {  	[sflag:s0] =	ssyncadd.remote.s32 $0x1  }
0xc5: {  	_ =	sfence.sel $0xFFFF  }
0xc6: {  	[dreg:$0x0] =	wrdreg $0xFFFFFFFF;
	(pc) =	sbr.abs _section_cstart, $3  }
0xc7: {  	[dreg:$0x1] =	wrdreg $0xFFFFFFFF  }
0xc8: {  	_ =	task.clear_ibuf [dreg:s8], $0x2FFFF;
	_ =	strace $0x9FFFFFFF  }
0xc9: {  	(tm) =	ssettm $0x7FFFFFFF  }
tec
execute0_lowered:
.L_overlay_start_1:
0x0: {  	(tag) =	ssettag $0x1  }
0x1: {  	s2 =	rddreg [dreg:$0x0]  }
0x2: {  	s4 =	rddreg [dreg:$0x1]  }
0x3: {  	s5 =	rddreg [dreg:$0x2]  }
0x4: {  	s1 =	stileid.u32;
	s3 =	srdreg.scid  }
0x5: {  	s0 =	rddreg [dreg:$0x3];
	s11 =	simm.s32 $0x0;
	s6 =	sand.u32 $0x1, s3  }
0x6: {  	s7 =	sshll.u32 s1, $0x1;
	s3 =	simm.s32 $0x0;
	s8 =	smul.u32 $0x28000, s1  }
0x7: {  	s7 =	sor.u32 s6, s7;
	s9 =	ssub.s32 $0x2, s6;
	s6 =	smul.u32 $0x14000, s6  }
0x8: {  	[smem:$0x7FF] =	sst s3;
	s7 =	smul.u32 $0x1400, s7;
	s10 =	sshrl.u32 s9, $0x1  }
0x9: {  	_ =	strace $0x8000004A;
	s8 =	sadd.s32 s8, s5;
	s31 =	ssub.s32 s9, s10  }
0xa: {  	s6 =	sadd.s32 s6, s8;
	s8 =	simm.s32 $0x140;
	s9 =	simm.s32 $0x1400  }
0xb: {  	s10 =	simm.s32 $0x1;
	s7 =	sshrl.u32 s7, $0x3;
	s5 =	smax.u32 s31, $0x1  }
0xc: {  	s6 =	sadd.s32 $0x66000, s6;
	s4 =	sadd.s32 s4, s7;
	s7 =	simm.s32 $0x2  }
.LBB2_1:
0xd: {  	[tilespmem:s3], [sflag:$0x2] =	stream.linear.gather [hbm4b:s4+s3], $0x1400, $0x38;
	[tilespmem:$0xB400] =	vst v63  }
0xe: {  	_ =	swait.ge [sflag:s7], $0x1400  }
0xf: {  	[sflag:s7] =	ssyncset.done $0x0  }
0x10: {  	s12 =	simm.s32 $0x0;
	[sflag:s7] =	ssyncadd.s32 $0xFFFFEC00  }
0x11: {  	[tilespmem:s9], [sflag:$0x1] =	stream.indirect.gather [hbm4b:s2+s8], $0x80, s12, s8, $0xb8;
	[tilespmem:$0xB400] =	vst v63  }
0x12: {  	_ =	swait.ge [sflag:s10], $0xA000  }
0x13: {  	[sflag:s10] =	ssyncset.done $0x0  }
0x14: {  	[sflag:s10] =	ssyncadd.s32 $0xFFFF6000  }
0x15: {  	[hbm4b:s6+s3] =	stream.linear.scatter [tilespmem:s9], [sflag:$0x2], $0xA000, $0x38;
	[tilespmem:$0xB400] =	vst v63  }
0x16: {  	s13 =	simm.s32 $0x500;
	_ =	swait.ge [sflag:s7], $0xA000  }
0x17: {  	s14 =	simm.s32 $0xA00;
	s12 =	sadd.s32 $0x1400, s6;
	[sflag:s7] =	ssyncset.done $0x0  }
.LBB2_2:
0x18: {  	s15 =	sshra.s32 s13, $0x2  }
0x19: {  	[sflag:s7] =	ssyncadd.s32 $0xFFFF6000;
	s13 =	smov.u32 s14;
	s16 =	sadd.s32 $0x500, s14  }
0x1a: {  	[tilespmem:s9], [sflag:$0x1] =	stream.indirect.gather [hbm4b:s2+s8], $0x80, s15, s8, $0xb8;
	[tilespmem:$0xB400] =	vst v63  }
0x1b: {  	p0 =	sne.s32 s14, $0x4B00;
	_ =	swait.ge [sflag:s10], $0xA000  }
.Ltmp0:
0x1c: {  	[sflag:s10] =	ssyncset.done $0x0;
	(pc) =	sbr.rel @p0 .LBB2_2-.Ltmp0, $4  }
0x1d: {  	[sflag:s10] =	ssyncadd.s32 $0xFFFF6000  }
0x1e: {  	[hbm4b:s12+s3] =	stream.linear.scatter [tilespmem:s9], [sflag:$0x2], $0xA000, $0x38;
	[tilespmem:$0xB400] =	vst v63  }
0x1f: {  	_ =	swait.ge [sflag:s7], $0xA000  }
0x20: {  	s14 =	smov.u32 s16;
	s12 =	sadd.s32 $0x1400, s12;
	[sflag:s7] =	ssyncset.done $0x0  }
0x21: {  	s13 =	sshra.s32 s13, $0x2;
	[sflag:s7] =	ssyncadd.s32 $0xFFFF6000  }
0x22: {  	[tilespmem:s9], [sflag:$0x1] =	stream.indirect.gather [hbm4b:s2+s8], $0x80, s13, s8, $0xb8;
	[tilespmem:$0xB400] =	vst v63  }
0x23: {  	s11 =	sadd.s32 $0x1, s11;
	_ =	swait.ge [sflag:s10], $0xA000  }
0x24: {  	p0 =	sne.s32 s11, s5;
	[sflag:s10] =	ssyncset.done $0x0  }
.Ltmp1:
0x25: {  	[sflag:s10] =	ssyncadd.s32 $0xFFFF6000;
	(pc) =	sbr.rel @p0 .LBB2_1-.Ltmp1, $4  }
0x26: {  	[hbm4b:s12+s3] =	stream.linear.scatter [tilespmem:s9], [sflag:$0x2], $0xA000, $0x38;
	[tilespmem:$0xB400] =	vst v63  }
0x27: {  	_ =	swait.ge [sflag:s7], $0xA000  }
0x28: {  	[sflag:s7] =	ssyncset.done $0x0  }
0x29: {  	[sflag:s7] =	ssyncadd.s32 $0xFFFF6000  }
0x2a: {  	_ =	sfence.sel $0x180000  }
0x2b: {  	[bflag:$0x0] =	sbarrier.arrive $0xFFFF  }
0x2c: {  	p0 =	sne.s32 s1, $0x0;
	_ =	strace $0x9000004A  }
0x2d: {  	s0 =	sadd.s32 @!p0 $0x100000, s0;
	[bflag:$0x2] =	sbarrier.arrive $0xFFFF  }
0x2e: {  	[sflag:s0] =	ssyncadd.tile.s32 @!p0 $0x1;
	_ =	shalt  }
.Lfunc_end2:
_tile_overlayer_lowered:
.L_overlay_start_2:
0x2f: {  	(tag) =	ssettag $0x2  }
0x30: {  	s0 =	rddreg [dreg:$0x0];
	s2 =	stileid.u32  }
0x31: {  	s1 =	rddreg [dreg:$0x1];
	p0 =	sne.s32 s2, $0x0  }
0x32: {  	s3 =	rddreg [dreg:$0x2];
	[bflag:$0x3] =	sbarrier.arrive $0xFFFF;
	s2 =	simm.s32 @!p0 $0x1C02  }
0x33: {  	[timem:s3], [sflag:s2] =	dma.local @!p0 [hbm:s0], s1  }
0x34: {  	s0 =	simm.s32 @!p0 $0x2  }
0x35: {  	_ =	swait.ge @!p0 [sflag:s0], s1  }
0x36: {  	s1 =	ssub.s32 @!p0 $0x0, s1;
	[sflag:s0] =	ssyncset.done @!p0 $0x0  }
0x37: {  	[sflag:s0] =	ssyncadd.s32 @!p0 s1  }
0x38: {  	[bflag:$0x3] =	sbarrier.arrive $0xFFFF  }
0x39: {  	_ =	shalt  }

// kernel: kernel.26.cloned.1.call-start
scs
__scs_entry_jumppad:
0x0: {  	(pc) =	sbr.rel $0x88, $3  }
0x1: {  	(tag) =	ssettag $0x0;
	lr =	simm.s32 $0x1  }
0x2: {  	[smem:$0x3F83] =	sst lr;
	_ =	strace $0xD0000000  }
0x3: {  	_ = 	snop  }
0x4: {  	_ = 	snop  }
0x5: {  	_ = 	snop  }
0x6: {  	_ = 	snop  }
0x7: {  	_ = 	snop  }
__scs_overlays_trampoline_lowered:
0x8: {  	[smem:$0x3F92] =	sst s0  }
0x9: {  	[smem:$0x3F93] =	sst s1  }
0xa: {  	[smem:$0x3F94] =	sst s2  }
0xb: {  	[smem:$0x3F95] =	sst s3  }
0xc: {  	[smem:$0x3F96] =	sst s4  }
0xd: {  	[smem:$0x3F97] =	sst s5  }
0xe: {  	[smem:$0x3F98] =	sst s6  }
0xf: {  	[smem:$0x3F99] =	sst s7  }
0x10: {  	[smem:$0x3F9A] =	sst s8  }
0x11: {  	[smem:$0x3F9B] =	sst s9;
	s0 =	simm.s32 @!p0 $0x0  }
0x12: {  	s1 =	sld [smem:$0x3F81];
	s0 =	simm.s32 @p0 $0x1  }
0x13: {  	[smem:$0x3F9C] =	sst s0;
	s0 =	simm.s32 @!p1 $0x0  }
0x14: {  	s2 =	sld [smem:$0x3F80];
	s0 =	simm.s32 @p1 $0x1  }
0x15: {  	[smem:$0x3F9D] =	sst s0;
	s0 =	simm.s32 @!p2 $0x0  }
0x16: {  	s3 =	sld [smem:$0x3FDB];
	s0 =	simm.s32 @p2 $0x1  }
0x17: {  	s4 =	simm.s32 $0x1BF5;
	[smem:$0x3F9F] =	sst s0  }
0x18: {  	s0 =	sld [smem:$0x3F82];
	_ =	swait.ge [sflag:s4], $0x0  }
0x19: {  	s7 =	sld [smem:$0x3F83]  }
0x1a: {  	s8 =	sadd.s32 $0xFFFFE003, lr  }
0x1b: {  	s9 =	sadd.s32 $0xFFFFFEF7, lr;
	s5 =	simm.s32 $0xFFFFFFFF;
	p2 =	slt.u32 s8, $0xFFFFF086  }
0x1c: {  	p1 =	slt.u32 s9, $0xF7A;
	s5 =	simm.s32 @!p2 $0x0  }
0x1d: {  	s5 =	simm.s32 @p1 $0x1;
	p0 =	seq.s32 s7, s2  }
0x1e: {  	s7 =	smul.u32 @!p0 $0xF7A, s2;
	p2 =	seq.s32 @!p0 s5, $0x0  }
0x1f: {  	s9 =	smul.u32 $0xF7A, s1;
	s8 =	simm.s32 @!p0 $0x1BF5;
	p2 =	por !p2, p0  }
0x20: {  	[sflag:s8] =	ssyncset.s32 @!p0 $0xFFFFF086;
	s6 =	sadd.s32 @!p0 s3, s7;
	s7 =	simm.s32 @!p0 $0x108  }
0x21: {  	s3 =	sadd.s32 s3, s9;
	s6 =	sadd.s32 @!p0 $0x88, s6;
	s7 =	simm.s32 @p2 $0x1082  }
0x22: {  	[simem:s7], [sflag:s8] =	dma.local @!p0 [hbm:s6], $0xF7A  }
0x23: {  	s9 =	sor.u32 $0xD0000000, s2;
	s6 =	simm.s32 $0x108;
	_ =	swait.ge @!p0 [sflag:s8], $0x0  }
0x24: {  	s3 =	sadd.s32 $0x88, s3;
	s6 =	simm.s32 @!p1 $0x1082;
	[sflag:s4] =	ssyncset.s32 $0xFFFFF086  }
0x25: {  	[simem:s6], [sflag:s4] =	dma.local [hbm:s3], $0xF7A  }
0x26: {  	[smem:$0x3F83] =	sst s1;
	(tag) =	ssettag s2;
	_ =	strace s9  }
0x27: {  	s1 =	sld [smem:$0x3F93]  }
0x28: {  	s2 =	sld [smem:$0x3F94]  }
0x29: {  	s4 =	sld [smem:$0x3F96]  }
0x2a: {  	p0 =	seq.s32 s5, $0x0;
	s5 =	sld [smem:$0x3F97]  }
0x2b: {  	s6 =	sld [smem:$0x3F98]  }
0x2c: {  	s7 =	sld [smem:$0x3F99]  }
0x2d: {  	s3 =	simm.s32 $0x108;
	s8 =	sld [smem:$0x3F9A]  }
0x2e: {  	s3 =	simm.s32 @!p0 $0x1082;
	s9 =	sld [smem:$0x3F9B]  }
0x2f: {  	lr =	sadd.s32 s0, s3;
	s0 =	sld [smem:$0x3F92]  }
0x30: {  	s3 =	sld [smem:$0x3F95]  }
0x31: {  	[smem:$0x3F9E] =	sst s10  }
0x32: {  	s10 =	sld [smem:$0x3F9C];
	_ =	sdelay $0x3  }
0x33: {  	p0 =	seq.s32 s10, $0x1;
	s10 =	sld [smem:$0x3F9E];
	_ =	sdelay $0x3  }
0x34: {  	[smem:$0x3F9E] =	sst s10  }
0x35: {  	s10 =	sld [smem:$0x3F9D];
	_ =	sdelay $0x3  }
0x36: {  	p1 =	seq.s32 s10, $0x1;
	s10 =	sld [smem:$0x3F9E];
	_ =	sdelay $0x3  }
0x37: {  	[smem:$0x3F9E] =	sst s10  }
0x38: {  	s10 =	sld [smem:$0x3F9F]  }
0x39: {  	_ = 	snop;
	(pc) =	sbr.ind lr, $3  }
0x3a: {  	_ = 	snop  }
0x3b: {  	_ = 	snop  }
0x3c: {  	p2 =	seq.s32 s10, $0x1;
	s10 =	sld [smem:$0x3F9E]  }
0x3d: {  	_ =	shalt  }
0x3e: {  	_ =	shalt  }
0x3f: {  	_ =	shalt  }
0x40: {  	_ =	shalt  }
0x41: {  	_ =	shalt  }
0x42: {  	_ =	shalt  }
0x43: {  	_ =	shalt  }
0x44: {  	_ =	shalt  }
0x45: {  	_ =	shalt  }
0x46: {  	_ =	shalt  }
0x47: {  	_ =	shalt  }
0x48: {  	_ =	shalt  }
0x49: {  	_ =	shalt  }
0x4a: {  	_ =	shalt  }
0x4b: {  	_ =	shalt  }
0x4c: {  	_ =	shalt  }
0x4d: {  	_ =	shalt  }
0x4e: {  	_ =	shalt  }
0x4f: {  	_ =	shalt  }
0x50: {  	_ =	shalt  }
0x51: {  	_ =	shalt  }
0x52: {  	_ =	shalt  }
0x53: {  	_ =	shalt  }
0x54: {  	_ =	shalt  }
0x55: {  	_ =	shalt  }
0x56: {  	_ =	shalt  }
0x57: {  	_ =	shalt  }
0x58: {  	_ =	shalt  }
0x59: {  	_ =	shalt  }
0x5a: {  	_ =	shalt  }
0x5b: {  	_ =	shalt  }
0x5c: {  	_ =	shalt  }
0x5d: {  	_ =	shalt  }
0x5e: {  	_ =	shalt  }
0x5f: {  	_ =	shalt  }
0x60: {  	_ =	shalt  }
0x61: {  	_ =	shalt  }
0x62: {  	_ =	shalt  }
0x63: {  	_ =	shalt  }
0x64: {  	_ =	shalt  }
0x65: {  	_ =	shalt  }
0x66: {  	_ =	shalt  }
0x67: {  	_ =	shalt  }
0x68: {  	_ =	shalt  }
0x69: {  	_ =	shalt  }
0x6a: {  	_ =	shalt  }
0x6b: {  	_ =	shalt  }
0x6c: {  	_ =	shalt  }
0x6d: {  	_ =	shalt  }
0x6e: {  	_ =	shalt  }
0x6f: {  	_ =	shalt  }
0x70: {  	_ =	shalt  }
0x71: {  	_ =	shalt  }
0x72: {  	_ =	shalt  }
0x73: {  	_ =	shalt  }
0x74: {  	_ =	shalt  }
0x75: {  	_ =	shalt  }
0x76: {  	_ =	shalt  }
0x77: {  	_ =	shalt  }
0x78: {  	_ =	shalt  }
0x79: {  	_ =	shalt  }
0x7a: {  	_ =	shalt  }
0x7b: {  	_ =	shalt  }
0x7c: {  	_ =	shalt  }
0x7d: {  	_ =	shalt  }
0x7e: {  	_ =	shalt  }
0x7f: {  	_ =	shalt  }
0x80: {  	_ =	shalt  }
0x81: {  	_ =	shalt  }
0x82: {  	_ =	shalt  }
0x83: {  	_ =	shalt  }
0x84: {  	_ =	shalt  }
0x85: {  	_ =	shalt  }
0x86: {  	_ =	shalt  }
0x87: {  	_ =	shalt  }
.Lfunc_end0:
.L_simem_size_0:
called_computation.2_lowered:
.L_overlay_start_0:
0x88: {  	s2 =	sld [smem:$0x3FD9]  }
0x89: {  	s3 =	sld [smem:$0x3FFE];
	_ =	sdelay $0x1  }
0x8a: {  	s1 =	srdreg.scid  }
0x8b: {  	s0 =	sand.u32 $0x1, s1  }
0x8c: {  	s14 =	sshll.u32 s0, $0xA;
	s2 =	sadd.s32 s3, s2  }
0x8d: {  	s2 =	sadd.s32 s2, s14  }
0x8e: {  	[smem:$0x3FAA] =	sst s2  }
0x8f: {  	_ = 	snop  }
0x90: {  	s2 =	sld [smem:$0x3FD0];
	_ =	sdelay $0x2  }
0x91: {  	s15 =	simm.s32 $0xA;
	s4 =	simm.s32 $0x10  }
0x92: {  	[smem:s4], [sflag:s15] =	dma.local [hbm:s2], $0x1  }
0x93: {  	_ =	swait.eq [sflag:s15], $0x1  }
0x94: {  	[sflag:s15] =	ssyncset.done $0x0  }
0x95: {  	[sflag:s15] =	ssyncadd.s32 $0xFFFFFFFF  }
0x96: {  	s2 =	sadd.s32 $0x1, s2;
	s5 =	sld [smem:$0x17]  }
0x97: {  	[smem:s4], [sflag:s15] =	dma.local [hbm:s2], $0x1  }
0x98: {  	_ =	swait.eq [sflag:s15], $0x1  }
0x99: {  	[sflag:s15] =	ssyncset.done $0x0  }
0x9a: {  	[sflag:s15] =	ssyncadd.s32 $0xFFFFFFFF  }
0x9b: {  	s16 =	sld [smem:$0x10];
	(tm) =	ssettm $0x1  }
0x9c: {  	s17 =	sld [smem:$0x3FFB];
	_ =	sdelay $0x3  }
0x9d: {  	_ =	strace s17  }
0x9e: {  	s3 =	sld [smem:$0x3FFC];
	_ =	sdelay $0x3  }
0x9f: {  	_ =	strace s3  }
0xa0: {  	s3 =	sld [smem:$0x3FFD];
	_ =	sdelay $0x3  }
0xa1: {  	_ =	strace s3  }
0xa2: {  	_ =	strace $0x8FFFFFFF  }
0xa3: {  	s18 =	sld [smem:$0x3FDB];
	_ =	sdelay $0x1  }
0xa4: {  	s19 =	simm.s32 $_scs_section_size  }
0xa5: {  	s6 =	simm.s32 $_size__tile_overlayer_lowered;
	s7 =	simm.s32 $_tile_overlayer_lowered  }
0xa6: {  	s22 =	simm.s32 $0x1BFF;
	s21 =	sshll.u32 s7, $0x1;
	s3 =	sadd.s32 s19, s18  }
0xa7: {  	s8 =	simm.s32 $0x0;
	s20 =	sshll.u32 s6, $0x1;
	s6 =	sadd.s32 s21, s3  }
0xa8: {  	[timem:s8], [sflag:s22] =	dma.local [hbm:s6], s20  }
0xa9: {  	_ =	swait.ge [sflag:s22], s20  }
0xaa: {  	s4 =	ssub.s32 $0x0, s20;
	[sflag:s22] =	ssyncset.done $0x0  }
0xab: {  	[sflag:s22] =	ssyncadd.s32 s4;
	_ =	sdelay $0x1  }
0xac: {  	s23 =	simm.s32 $0x1B8B  }
0xad: {  	_ =	swait.ge [sflag:s23], $0x1  }
0xae: {  	[sflag:s23] =	ssyncset.done $0x0  }
0xaf: {  	s25 =	simm.s32 $0x1B8E;
	s24 =	sld [smem:$0x3FFE];
	[sflag:s23] =	ssyncadd.s32 $0xFFFFFFFF  }
0xb0: {  	s26 =	simm.s32 $execute0_lowered;
	[smem:$0x3FD2] =	sst s25  }
0xb1: {  	s6 =	sshll.u32 s26, $0x1;
	_ =	strace $0x8000004C;
	[dreg:$0x1] =	wrdreg $0xFFFFFFFF  }
0xb2: {  	s28 =	simm.s32 $_size_execute0_lowered;
	s3 =	sadd.s32 s3, s6;
	[dreg:$0x0] =	wrdreg $0x0  }
0xb3: {  	s6 =	sshll.u32 s28, $0x1;
	[dreg:$0x2] =	wrdreg s3  }
0xb4: {  	[dreg:$0x3] =	wrdreg s6  }
0xb5: {  	[dreg:$0x4] =	wrdreg $0xC0  }
0xb6: {  	_ =	task [dreg:s8], $0x5FFFF  }
0xb7: {  	[dreg:$0x1] =	wrdreg $0xFFFFFFFF  }
0xb8: {  	[dreg:$0x0] =	wrdreg $0x60  }
0xb9: {  	[dreg:$0x2] =	wrdreg s5  }
0xba: {  	[dreg:$0x3] =	wrdreg s16  }
0xbb: {  	[dreg:$0x4] =	wrdreg s24  }
0xbc: {  	[dreg:$0x5] =	wrdreg $0x9  }
0xbd: {  	_ =	task.clear_ibuf [dreg:s8], $0x6FFFF;
	_ =	strace $0x9000004C  }
0xbe: {  	s29 =	simm.s32 $0x9;
	_ =	strace $0x8000004E  }
0xbf: {  	_ =	swait.ge [sflag:s29], $0x1  }
0xc0: {  	[sflag:s29] =	ssyncadd.s32 $0xFFFFFFFF  }
0xc1: {  	_ =	strace $0x9000004E  }
0xc2: {  	_ =	sfence  }
0xc3: {  	s30 =	sld [smem:$0x0];
	_ =	sdelay $0x2  }
0xc4: {  	s31 =	sshll.u32 s1, $0xD;
	s1 =	sshrl.u32 s1, $0x2  }
0xc5: {  	s3 =	sand.u32 $0x4000, s31;
	s1 =	sadd.s32 s1, s30  }
0xc6: {  	s0 =	sor.u32 s3, s0;
	s1 =	sshll.u32 s1, $0x11  }
0xc7: {  	s0 =	sor.u32 s1, s0  }
0xc8: {  	s0 =	sadd.s32 $0x8F2B, s0  }
0xc9: {  	[sflag:s0] =	ssyncadd.remote.s32 $0x1  }
0xca: {  	_ =	sfence.sel $0xFFFF  }
0xcb: {  	[dreg:$0x0] =	wrdreg $0xFFFFFFFF;
	(pc) =	sbr.abs _section_cstart, $3  }
0xcc: {  	[dreg:$0x1] =	wrdreg $0xFFFFFFFF  }
0xcd: {  	_ =	task.clear_ibuf [dreg:s8], $0x2FFFF;
	_ =	strace $0x9FFFFFFF  }
0xce: {  	(tm) =	ssettm $0x7FFFFFFF  }
0xcf: {  	_ =	shalt  }
tec
execute0_lowered:
.L_overlay_start_1:
0x0: {  	(tag) =	ssettag $0x1  }
0x1: {  	s2 =	rddreg [dreg:$0x0]  }
0x2: {  	s4 =	rddreg [dreg:$0x1]  }
0x3: {  	s5 =	rddreg [dreg:$0x2]  }
0x4: {  	s1 =	stileid.u32;
	s3 =	srdreg.scid  }
0x5: {  	s0 =	rddreg [dreg:$0x3];
	s11 =	simm.s32 $0x0;
	s6 =	sand.u32 $0x1, s3  }
0x6: {  	s7 =	sshll.u32 s1, $0x1;
	s3 =	simm.s32 $0x0;
	s8 =	smul.u32 $0x28000, s1  }
0x7: {  	s7 =	sor.u32 s6, s7;
	s9 =	ssub.s32 $0x2, s6;
	s6 =	smul.u32 $0x14000, s6  }
0x8: {  	[smem:$0x7FF] =	sst s3;
	s7 =	smul.u32 $0x1400, s7;
	s10 =	sshrl.u32 s9, $0x1  }
0x9: {  	_ =	strace $0x8000004D;
	s8 =	sadd.s32 s8, s5;
	s31 =	ssub.s32 s9, s10  }
0xa: {  	s6 =	sadd.s32 s6, s8;
	s8 =	simm.s32 $0x140;
	s9 =	simm.s32 $0x1400  }
0xb: {  	s10 =	simm.s32 $0x1;
	s7 =	sshrl.u32 s7, $0x3;
	s5 =	smax.u32 s31, $0x1  }
0xc: {  	s6 =	sadd.s32 $0xA6400, s6;
	s4 =	sadd.s32 s4, s7;
	s7 =	simm.s32 $0x2  }
.LBB2_1:
0xd: {  	[tilespmem:s3], [sflag:$0x2] =	stream.linear.gather [hbm4b:s4+s3], $0x1400, $0x38;
	[tilespmem:$0xB400] =	vst v63  }
0xe: {  	_ =	swait.ge [sflag:s7], $0x1400  }
0xf: {  	[sflag:s7] =	ssyncset.done $0x0  }
0x10: {  	s12 =	simm.s32 $0x0;
	[sflag:s7] =	ssyncadd.s32 $0xFFFFEC00  }
0x11: {  	[tilespmem:s9], [sflag:$0x1] =	stream.indirect.gather [hbm4b:s2+s8], $0x80, s12, s8, $0xb8;
	[tilespmem:$0xB400] =	vst v63  }
0x12: {  	_ =	swait.ge [sflag:s10], $0xA000  }
0x13: {  	[sflag:s10] =	ssyncset.done $0x0  }
0x14: {  	[sflag:s10] =	ssyncadd.s32 $0xFFFF6000  }
0x15: {  	[hbm4b:s6+s3] =	stream.linear.scatter [tilespmem:s9], [sflag:$0x2], $0xA000, $0x38;
	[tilespmem:$0xB400] =	vst v63  }
0x16: {  	s13 =	simm.s32 $0x500;
	_ =	swait.ge [sflag:s7], $0xA000  }
0x17: {  	s14 =	simm.s32 $0xA00;
	s12 =	sadd.s32 $0x1400, s6;
	[sflag:s7] =	ssyncset.done $0x0  }
.LBB2_2:
0x18: {  	s15 =	sshra.s32 s13, $0x2  }
0x19: {  	[sflag:s7] =	ssyncadd.s32 $0xFFFF6000;
	s13 =	smov.u32 s14;
	s16 =	sadd.s32 $0x500, s14  }
0x1a: {  	[tilespmem:s9], [sflag:$0x1] =	stream.indirect.gather [hbm4b:s2+s8], $0x80, s15, s8, $0xb8;
	[tilespmem:$0xB400] =	vst v63  }
0x1b: {  	p0 =	sne.s32 s14, $0x4B00;
	_ =	swait.ge [sflag:s10], $0xA000  }
.Ltmp0:
0x1c: {  	[sflag:s10] =	ssyncset.done $0x0;
	(pc) =	sbr.rel @p0 .LBB2_2-.Ltmp0, $4  }
0x1d: {  	[sflag:s10] =	ssyncadd.s32 $0xFFFF6000  }
0x1e: {  	[hbm4b:s12+s3] =	stream.linear.scatter [tilespmem:s9], [sflag:$0x2], $0xA000, $0x38;
	[tilespmem:$0xB400] =	vst v63  }
0x1f: {  	_ =	swait.ge [sflag:s7], $0xA000  }
0x20: {  	s14 =	smov.u32 s16;
	s12 =	sadd.s32 $0x1400, s12;
	[sflag:s7] =	ssyncset.done $0x0  }
0x21: {  	s13 =	sshra.s32 s13, $0x2;
	[sflag:s7] =	ssyncadd.s32 $0xFFFF6000  }
0x22: {  	[tilespmem:s9], [sflag:$0x1] =	stream.indirect.gather [hbm4b:s2+s8], $0x80, s13, s8, $0xb8;
	[tilespmem:$0xB400] =	vst v63  }
0x23: {  	s11 =	sadd.s32 $0x1, s11;
	_ =	swait.ge [sflag:s10], $0xA000  }
0x24: {  	p0 =	sne.s32 s11, s5;
	[sflag:s10] =	ssyncset.done $0x0  }
.Ltmp1:
0x25: {  	[sflag:s10] =	ssyncadd.s32 $0xFFFF6000;
	(pc) =	sbr.rel @p0 .LBB2_1-.Ltmp1, $4  }
0x26: {  	[hbm4b:s12+s3] =	stream.linear.scatter [tilespmem:s9], [sflag:$0x2], $0xA000, $0x38;
	[tilespmem:$0xB400] =	vst v63  }
0x27: {  	_ =	swait.ge [sflag:s7], $0xA000  }
0x28: {  	[sflag:s7] =	ssyncset.done $0x0  }
0x29: {  	[sflag:s7] =	ssyncadd.s32 $0xFFFF6000  }
0x2a: {  	_ =	sfence.sel $0x180000  }
0x2b: {  	[bflag:$0x0] =	sbarrier.arrive $0xFFFF  }
0x2c: {  	p0 =	sne.s32 s1, $0x0;
	_ =	strace $0x9000004D  }
0x2d: {  	s0 =	sadd.s32 @!p0 $0x100000, s0;
	[bflag:$0x2] =	sbarrier.arrive $0xFFFF  }
0x2e: {  	[sflag:s0] =	ssyncadd.tile.s32 @!p0 $0x1;
	_ =	shalt  }
.Lfunc_end2:
_tile_overlayer_lowered:
.L_overlay_start_2:
0x2f: {  	(tag) =	ssettag $0x2  }
0x30: {  	s0 =	rddreg [dreg:$0x0];
	s2 =	stileid.u32  }
0x31: {  	s1 =	rddreg [dreg:$0x1];
	p0 =	sne.s32 s2, $0x0  }
0x32: {  	s3 =	rddreg [dreg:$0x2];
	[bflag:$0x3] =	sbarrier.arrive $0xFFFF;
	s2 =	simm.s32 @!p0 $0x1C02  }
0x33: {  	[timem:s3], [sflag:s2] =	dma.local @!p0 [hbm:s0], s1  }
0x34: {  	s0 =	simm.s32 @!p0 $0x2  }
0x35: {  	_ =	swait.ge @!p0 [sflag:s0], s1  }
0x36: {  	s1 =	ssub.s32 @!p0 $0x0, s1;
	[sflag:s0] =	ssyncset.done @!p0 $0x0  }
0x37: {  	[sflag:s0] =	ssyncadd.s32 @!p0 s1  }
0x38: {  	[bflag:$0x3] =	sbarrier.arrive $0xFFFF  }
0x39: {  	_ =	shalt  }

// kernel: kernel.29.cloned.1.call-start
scs
__scs_entry_jumppad:
0x0: {  	(pc) =	sbr.rel $0x88, $3  }
0x1: {  	(tag) =	ssettag $0x0;
	lr =	simm.s32 $0x1  }
0x2: {  	[smem:$0x3F83] =	sst lr;
	_ =	strace $0xD0000000  }
0x3: {  	_ = 	snop  }
0x4: {  	_ = 	snop  }
0x5: {  	_ = 	snop  }
0x6: {  	_ = 	snop  }
0x7: {  	_ = 	snop  }
__scs_overlays_trampoline_lowered:
0x8: {  	[smem:$0x3F92] =	sst s0  }
0x9: {  	[smem:$0x3F93] =	sst s1  }
0xa: {  	[smem:$0x3F94] =	sst s2  }
0xb: {  	[smem:$0x3F95] =	sst s3  }
0xc: {  	[smem:$0x3F96] =	sst s4  }
0xd: {  	[smem:$0x3F97] =	sst s5  }
0xe: {  	[smem:$0x3F98] =	sst s6  }
0xf: {  	[smem:$0x3F99] =	sst s7  }
0x10: {  	[smem:$0x3F9A] =	sst s8  }
0x11: {  	[smem:$0x3F9B] =	sst s9;
	s0 =	simm.s32 @!p0 $0x0  }
0x12: {  	s1 =	sld [smem:$0x3F81];
	s0 =	simm.s32 @p0 $0x1  }
0x13: {  	[smem:$0x3F9C] =	sst s0;
	s0 =	simm.s32 @!p1 $0x0  }
0x14: {  	s2 =	sld [smem:$0x3F80];
	s0 =	simm.s32 @p1 $0x1  }
0x15: {  	[smem:$0x3F9D] =	sst s0;
	s0 =	simm.s32 @!p2 $0x0  }
0x16: {  	s3 =	sld [smem:$0x3FDB];
	s0 =	simm.s32 @p2 $0x1  }
0x17: {  	s4 =	simm.s32 $0x1BF5;
	[smem:$0x3F9F] =	sst s0  }
0x18: {  	s0 =	sld [smem:$0x3F82];
	_ =	swait.ge [sflag:s4], $0x0  }
0x19: {  	s7 =	sld [smem:$0x3F83]  }
0x1a: {  	s8 =	sadd.s32 $0xFFFFE003, lr  }
0x1b: {  	s9 =	sadd.s32 $0xFFFFFEF7, lr;
	s5 =	simm.s32 $0xFFFFFFFF;
	p2 =	slt.u32 s8, $0xFFFFF086  }
0x1c: {  	p1 =	slt.u32 s9, $0xF7A;
	s5 =	simm.s32 @!p2 $0x0  }
0x1d: {  	s5 =	simm.s32 @p1 $0x1;
	p0 =	seq.s32 s7, s2  }
0x1e: {  	s7 =	smul.u32 @!p0 $0xF7A, s2;
	p2 =	seq.s32 @!p0 s5, $0x0  }
0x1f: {  	s9 =	smul.u32 $0xF7A, s1;
	s8 =	simm.s32 @!p0 $0x1BF5;
	p2 =	por !p2, p0  }
0x20: {  	[sflag:s8] =	ssyncset.s32 @!p0 $0xFFFFF086;
	s6 =	sadd.s32 @!p0 s3, s7;
	s7 =	simm.s32 @!p0 $0x108  }
0x21: {  	s3 =	sadd.s32 s3, s9;
	s6 =	sadd.s32 @!p0 $0x88, s6;
	s7 =	simm.s32 @p2 $0x1082  }
0x22: {  	[simem:s7], [sflag:s8] =	dma.local @!p0 [hbm:s6], $0xF7A  }
0x23: {  	s9 =	sor.u32 $0xD0000000, s2;
	s6 =	simm.s32 $0x108;
	_ =	swait.ge @!p0 [sflag:s8], $0x0  }
0x24: {  	s3 =	sadd.s32 $0x88, s3;
	s6 =	simm.s32 @!p1 $0x1082;
	[sflag:s4] =	ssyncset.s32 $0xFFFFF086  }
0x25: {  	[simem:s6], [sflag:s4] =	dma.local [hbm:s3], $0xF7A  }
0x26: {  	[smem:$0x3F83] =	sst s1;
	(tag) =	ssettag s2;
	_ =	strace s9  }
0x27: {  	s1 =	sld [smem:$0x3F93]  }
0x28: {  	s2 =	sld [smem:$0x3F94]  }
0x29: {  	s4 =	sld [smem:$0x3F96]  }
0x2a: {  	p0 =	seq.s32 s5, $0x0;
	s5 =	sld [smem:$0x3F97]  }
0x2b: {  	s6 =	sld [smem:$0x3F98]  }
0x2c: {  	s7 =	sld [smem:$0x3F99]  }
0x2d: {  	s3 =	simm.s32 $0x108;
	s8 =	sld [smem:$0x3F9A]  }
0x2e: {  	s3 =	simm.s32 @!p0 $0x1082;
	s9 =	sld [smem:$0x3F9B]  }
0x2f: {  	lr =	sadd.s32 s0, s3;
	s0 =	sld [smem:$0x3F92]  }
0x30: {  	s3 =	sld [smem:$0x3F95]  }
0x31: {  	[smem:$0x3F9E] =	sst s10  }
0x32: {  	s10 =	sld [smem:$0x3F9C];
	_ =	sdelay $0x3  }
0x33: {  	p0 =	seq.s32 s10, $0x1;
	s10 =	sld [smem:$0x3F9E];
	_ =	sdelay $0x3  }
0x34: {  	[smem:$0x3F9E] =	sst s10  }
0x35: {  	s10 =	sld [smem:$0x3F9D];
	_ =	sdelay $0x3  }
0x36: {  	p1 =	seq.s32 s10, $0x1;
	s10 =	sld [smem:$0x3F9E];
	_ =	sdelay $0x3  }
0x37: {  	[smem:$0x3F9E] =	sst s10  }
0x38: {  	s10 =	sld [smem:$0x3F9F]  }
0x39: {  	_ = 	snop;
	(pc) =	sbr.ind lr, $3  }
0x3a: {  	_ = 	snop  }
0x3b: {  	_ = 	snop  }
0x3c: {  	p2 =	seq.s32 s10, $0x1;
	s10 =	sld [smem:$0x3F9E]  }
0x3d: {  	_ =	shalt  }
0x3e: {  	_ =	shalt  }
0x3f: {  	_ =	shalt  }
0x40: {  	_ =	shalt  }
0x41: {  	_ =	shalt  }
0x42: {  	_ =	shalt  }
0x43: {  	_ =	shalt  }
0x44: {  	_ =	shalt  }
0x45: {  	_ =	shalt  }
0x46: {  	_ =	shalt  }
0x47: {  	_ =	shalt  }
0x48: {  	_ =	shalt  }
0x49: {  	_ =	shalt  }
0x4a: {  	_ =	shalt  }
0x4b: {  	_ =	shalt  }
0x4c: {  	_ =	shalt  }
0x4d: {  	_ =	shalt  }
0x4e: {  	_ =	shalt  }
0x4f: {  	_ =	shalt  }
0x50: {  	_ =	shalt  }
0x51: {  	_ =	shalt  }
0x52: {  	_ =	shalt  }
0x53: {  	_ =	shalt  }
0x54: {  	_ =	shalt  }
0x55: {  	_ =	shalt  }
0x56: {  	_ =	shalt  }
0x57: {  	_ =	shalt  }
0x58: {  	_ =	shalt  }
0x59: {  	_ =	shalt  }
0x5a: {  	_ =	shalt  }
0x5b: {  	_ =	shalt  }
0x5c: {  	_ =	shalt  }
0x5d: {  	_ =	shalt  }
0x5e: {  	_ =	shalt  }
0x5f: {  	_ =	shalt  }
0x60: {  	_ =	shalt  }
0x61: {  	_ =	shalt  }
0x62: {  	_ =	shalt  }
0x63: {  	_ =	shalt  }
0x64: {  	_ =	shalt  }
0x65: {  	_ =	shalt  }
0x66: {  	_ =	shalt  }
0x67: {  	_ =	shalt  }
0x68: {  	_ =	shalt  }
0x69: {  	_ =	shalt  }
0x6a: {  	_ =	shalt  }
0x6b: {  	_ =	shalt  }
0x6c: {  	_ =	shalt  }
0x6d: {  	_ =	shalt  }
0x6e: {  	_ =	shalt  }
0x6f: {  	_ =	shalt  }
0x70: {  	_ =	shalt  }
0x71: {  	_ =	shalt  }
0x72: {  	_ =	shalt  }
0x73: {  	_ =	shalt  }
0x74: {  	_ =	shalt  }
0x75: {  	_ =	shalt  }
0x76: {  	_ =	shalt  }
0x77: {  	_ =	shalt  }
0x78: {  	_ =	shalt  }
0x79: {  	_ =	shalt  }
0x7a: {  	_ =	shalt  }
0x7b: {  	_ =	shalt  }
0x7c: {  	_ =	shalt  }
0x7d: {  	_ =	shalt  }
0x7e: {  	_ =	shalt  }
0x7f: {  	_ =	shalt  }
0x80: {  	_ =	shalt  }
0x81: {  	_ =	shalt  }
0x82: {  	_ =	shalt  }
0x83: {  	_ =	shalt  }
0x84: {  	_ =	shalt  }
0x85: {  	_ =	shalt  }
0x86: {  	_ =	shalt  }
0x87: {  	_ =	shalt  }
.Lfunc_end0:
.L_simem_size_0:
called_computation.3_lowered:
.L_overlay_start_0:
0x88: {  	s2 =	sld [smem:$0x3FD9]  }
0x89: {  	s3 =	sld [smem:$0x3FFE];
	_ =	sdelay $0x1  }
0x8a: {  	s1 =	srdreg.scid  }
0x8b: {  	s0 =	sand.u32 $0x1, s1  }
0x8c: {  	s14 =	sshll.u32 s0, $0xA;
	s2 =	sadd.s32 s3, s2  }
0x8d: {  	s2 =	sadd.s32 s2, s14  }
0x8e: {  	[smem:$0x3FAA] =	sst s2  }
0x8f: {  	_ = 	snop  }
0x90: {  	s2 =	sld [smem:$0x3FD0];
	_ =	sdelay $0x2  }
0x91: {  	s15 =	simm.s32 $0xA;
	s4 =	simm.s32 $0x10  }
0x92: {  	[smem:s4], [sflag:s15] =	dma.local [hbm:s2], $0x1  }
0x93: {  	_ =	swait.eq [sflag:s15], $0x1  }
0x94: {  	[sflag:s15] =	ssyncset.done $0x0  }
0x95: {  	[sflag:s15] =	ssyncadd.s32 $0xFFFFFFFF  }
0x96: {  	s16 =	sld [smem:$0x17];
	(tm) =	ssettm $0x1  }
0x97: {  	s17 =	sld [smem:$0x3FFB];
	_ =	sdelay $0x3  }
0x98: {  	_ =	strace s17  }
0x99: {  	s3 =	sld [smem:$0x3FFC];
	_ =	sdelay $0x3  }
0x9a: {  	_ =	strace s3  }
0x9b: {  	s3 =	sld [smem:$0x3FFD];
	_ =	sdelay $0x3  }
0x9c: {  	_ =	strace s3  }
0x9d: {  	_ =	strace $0x8FFFFFFF  }
0x9e: {  	s18 =	sld [smem:$0x3FDB];
	_ =	sdelay $0x1  }
0x9f: {  	s19 =	simm.s32 $_scs_section_size  }
0xa0: {  	s5 =	simm.s32 $_size__tile_overlayer_lowered;
	s6 =	simm.s32 $_tile_overlayer_lowered  }
0xa1: {  	s22 =	simm.s32 $0x1BFF;
	s21 =	sshll.u32 s6, $0x1;
	s3 =	sadd.s32 s19, s18  }
0xa2: {  	s7 =	simm.s32 $0x0;
	s20 =	sshll.u32 s5, $0x1;
	s5 =	sadd.s32 s21, s3  }
0xa3: {  	[timem:s7], [sflag:s22] =	dma.local [hbm:s5], s20  }
0xa4: {  	_ =	swait.ge [sflag:s22], s20  }
0xa5: {  	s4 =	ssub.s32 $0x0, s20;
	[sflag:s22] =	ssyncset.done $0x0  }
0xa6: {  	[sflag:s22] =	ssyncadd.s32 s4;
	_ =	sdelay $0x1  }
0xa7: {  	s23 =	simm.s32 $0x1B8B  }
0xa8: {  	_ =	swait.ge [sflag:s23], $0x1  }
0xa9: {  	[sflag:s23] =	ssyncset.done $0x0  }
0xaa: {  	s25 =	simm.s32 $0x1B8E;
	s24 =	sld [smem:$0x3FFE];
	[sflag:s23] =	ssyncadd.s32 $0xFFFFFFFF  }
0xab: {  	s26 =	simm.s32 $execute0_lowered;
	[smem:$0x3FD2] =	sst s25  }
0xac: {  	s5 =	sshll.u32 s26, $0x1;
	_ =	strace $0x8000004F;
	[dreg:$0x1] =	wrdreg $0xFFFFFFFF  }
0xad: {  	s28 =	simm.s32 $_size_execute0_lowered;
	s3 =	sadd.s32 s3, s5;
	[dreg:$0x0] =	wrdreg $0x0  }
0xae: {  	s5 =	sshll.u32 s28, $0x1;
	[dreg:$0x2] =	wrdreg s3  }
0xaf: {  	[dreg:$0x3] =	wrdreg s5  }
0xb0: {  	[dreg:$0x4] =	wrdreg $0xC0  }
0xb1: {  	_ =	task [dreg:s7], $0x5FFFF  }
0xb2: {  	[dreg:$0x1] =	wrdreg $0xFFFFFFFF  }
0xb3: {  	[dreg:$0x0] =	wrdreg $0x60  }
0xb4: {  	[dreg:$0x2] =	wrdreg s16  }
0xb5: {  	[dreg:$0x3] =	wrdreg s24  }
0xb6: {  	[dreg:$0x4] =	wrdreg $0x9  }
0xb7: {  	_ =	task.clear_ibuf [dreg:s7], $0x5FFFF;
	_ =	strace $0x9000004F  }
0xb8: {  	s29 =	simm.s32 $0x9;
	_ =	strace $0x80000051  }
0xb9: {  	_ =	swait.ge [sflag:s29], $0x1  }
0xba: {  	[sflag:s29] =	ssyncadd.s32 $0xFFFFFFFF  }
0xbb: {  	_ =	strace $0x90000051  }
0xbc: {  	_ =	sfence  }
0xbd: {  	s30 =	sld [smem:$0x0];
	_ =	sdelay $0x2  }
0xbe: {  	s31 =	sshll.u32 s1, $0xD;
	s1 =	sshrl.u32 s1, $0x2  }
0xbf: {  	s3 =	sand.u32 $0x4000, s31;
	s1 =	sadd.s32 s1, s30  }
0xc0: {  	s0 =	sor.u32 s3, s0;
	s1 =	sshll.u32 s1, $0x11  }
0xc1: {  	s0 =	sor.u32 s1, s0  }
0xc2: {  	s0 =	sadd.s32 $0x8F2B, s0  }
0xc3: {  	[sflag:s0] =	ssyncadd.remote.s32 $0x1  }
0xc4: {  	_ =	sfence.sel $0xFFFF  }
0xc5: {  	[dreg:$0x0] =	wrdreg $0xFFFFFFFF;
	(pc) =	sbr.abs _section_cstart, $3  }
0xc6: {  	[dreg:$0x1] =	wrdreg $0xFFFFFFFF  }
0xc7: {  	_ =	task.clear_ibuf [dreg:s7], $0x2FFFF;
	_ =	strace $0x9FFFFFFF  }
0xc8: {  	(tm) =	ssettm $0x7FFFFFFF  }
0xc9: {  	_ =	shalt  }
tec
execute0_lowered:
.L_overlay_start_1:
0x0: {  	(tag) =	ssettag $0x1  }
0x1: {  	s2 =	rddreg [dreg:$0x0];
	s1 =	srdreg.scid  }
0x2: {  	s0 =	stileid.u32;
	s4 =	rddreg [dreg:$0x1];
	s3 =	simm.s32 $0x0  }
0x3: {  	s11 =	simm.s32 $0x0;
	s5 =	sand.u32 $0x1, s1;
	s1 =	rddreg [dreg:$0x2]  }
0x4: {  	s6 =	sshll.u32 s0, $0x1;
	[smem:$0x7FF] =	sst s3;
	s7 =	smul.u32 $0x28000, s0  }
0x5: {  	s6 =	sor.u32 s5, s6;
	s8 =	ssub.s32 $0x2, s5;
	s10 =	smul.u32 $0x14000, s5  }
0x6: {  	_ =	strace $0x80000050;
	s6 =	smul.u32 $0x1400, s6;
	s9 =	sshrl.u32 s8, $0x1  }
0x7: {  	s30 =	sadd.s32 s7, s4;
	s7 =	simm.s32 $0x2;
	s31 =	ssub.s32 s8, s9  }
0x8: {  	s8 =	simm.s32 $0x140;
	s9 =	simm.s32 $0x1400;
	s6 =	sshrl.u32 s6, $0x3  }
0x9: {  	s5 =	smax.u32 s31, $0x1;
	s29 =	sadd.s32 s6, s4;
	s6 =	sadd.s32 s10, s30  }
0xa: {  	s10 =	simm.s32 $0x1;
	s4 =	sadd.s32 $0xA6400, s29;
	s6 =	sadd.s32 $0xAB400, s6  }
.LBB2_1:
0xb: {  	[tilespmem:s3], [sflag:$0x2] =	stream.linear.gather [hbm4b:s4+s3], $0x1400, $0x38;
	[tilespmem:$0xB400] =	vst v63  }
0xc: {  	_ =	swait.ge [sflag:s7], $0x1400  }
0xd: {  	[sflag:s7] =	ssyncset.done $0x0  }
0xe: {  	s12 =	simm.s32 $0x0;
	[sflag:s7] =	ssyncadd.s32 $0xFFFFEC00  }
0xf: {  	[tilespmem:s9], [sflag:$0x1] =	stream.indirect.gather [hbm4b:s2+s8], $0x80, s12, s8, $0xb8;
	[tilespmem:$0xB400] =	vst v63  }
0x10: {  	_ =	swait.ge [sflag:s10], $0xA000  }
0x11: {  	[sflag:s10] =	ssyncset.done $0x0  }
0x12: {  	[sflag:s10] =	ssyncadd.s32 $0xFFFF6000  }
0x13: {  	[hbm4b:s6+s3] =	stream.linear.scatter [tilespmem:s9], [sflag:$0x2], $0xA000, $0x38;
	[tilespmem:$0xB400] =	vst v63  }
0x14: {  	s13 =	simm.s32 $0x500;
	_ =	swait.ge [sflag:s7], $0xA000  }
0x15: {  	s14 =	simm.s32 $0xA00;
	s12 =	sadd.s32 $0x1400, s6;
	[sflag:s7] =	ssyncset.done $0x0  }
.LBB2_2:
0x16: {  	s15 =	sshra.s32 s13, $0x2  }
0x17: {  	[sflag:s7] =	ssyncadd.s32 $0xFFFF6000;
	s13 =	smov.u32 s14;
	s16 =	sadd.s32 $0x500, s14  }
0x18: {  	[tilespmem:s9], [sflag:$0x1] =	stream.indirect.gather [hbm4b:s2+s8], $0x80, s15, s8, $0xb8;
	[tilespmem:$0xB400] =	vst v63  }
0x19: {  	p0 =	sne.s32 s14, $0x4B00;
	_ =	swait.ge [sflag:s10], $0xA000  }
.Ltmp0:
0x1a: {  	[sflag:s10] =	ssyncset.done $0x0;
	(pc) =	sbr.rel @p0 .LBB2_2-.Ltmp0, $4  }
0x1b: {  	[sflag:s10] =	ssyncadd.s32 $0xFFFF6000  }
0x1c: {  	[hbm4b:s12+s3] =	stream.linear.scatter [tilespmem:s9], [sflag:$0x2], $0xA000, $0x38;
	[tilespmem:$0xB400] =	vst v63  }
0x1d: {  	_ =	swait.ge [sflag:s7], $0xA000  }
0x1e: {  	s14 =	smov.u32 s16;
	s12 =	sadd.s32 $0x1400, s12;
	[sflag:s7] =	ssyncset.done $0x0  }
0x1f: {  	s13 =	sshra.s32 s13, $0x2;
	[sflag:s7] =	ssyncadd.s32 $0xFFFF6000  }
0x20: {  	[tilespmem:s9], [sflag:$0x1] =	stream.indirect.gather [hbm4b:s2+s8], $0x80, s13, s8, $0xb8;
	[tilespmem:$0xB400] =	vst v63  }
0x21: {  	s11 =	sadd.s32 $0x1, s11;
	_ =	swait.ge [sflag:s10], $0xA000  }
0x22: {  	p0 =	sne.s32 s11, s5;
	[sflag:s10] =	ssyncset.done $0x0  }
.Ltmp1:
0x23: {  	[sflag:s10] =	ssyncadd.s32 $0xFFFF6000;
	(pc) =	sbr.rel @p0 .LBB2_1-.Ltmp1, $4  }
0x24: {  	[hbm4b:s12+s3] =	stream.linear.scatter [tilespmem:s9], [sflag:$0x2], $0xA000, $0x38;
	[tilespmem:$0xB400] =	vst v63  }
0x25: {  	_ =	swait.ge [sflag:s7], $0xA000  }
0x26: {  	[sflag:s7] =	ssyncset.done $0x0  }
0x27: {  	[sflag:s7] =	ssyncadd.s32 $0xFFFF6000  }
0x28: {  	_ =	sfence.sel $0x180000  }
0x29: {  	[bflag:$0x0] =	sbarrier.arrive $0xFFFF  }
0x2a: {  	p0 =	sne.s32 s0, $0x0;
	_ =	strace $0x90000050  }
0x2b: {  	s0 =	sadd.s32 @!p0 $0x100000, s1;
	[bflag:$0x2] =	sbarrier.arrive $0xFFFF  }
0x2c: {  	[sflag:s0] =	ssyncadd.tile.s32 @!p0 $0x1;
	_ =	shalt  }
.Lfunc_end2:
_tile_overlayer_lowered:
.L_overlay_start_2:
0x2d: {  	(tag) =	ssettag $0x2  }
0x2e: {  	s0 =	rddreg [dreg:$0x0];
	s2 =	stileid.u32  }
0x2f: {  	s1 =	rddreg [dreg:$0x1];
	p0 =	sne.s32 s2, $0x0  }
0x30: {  	s3 =	rddreg [dreg:$0x2];
	[bflag:$0x3] =	sbarrier.arrive $0xFFFF;
	s2 =	simm.s32 @!p0 $0x1C02  }
0x31: {  	[timem:s3], [sflag:s2] =	dma.local @!p0 [hbm:s0], s1  }
0x32: {  	s0 =	simm.s32 @!p0 $0x2  }
0x33: {  	_ =	swait.ge @!p0 [sflag:s0], s1  }
0x34: {  	s1 =	ssub.s32 @!p0 $0x0, s1;
	[sflag:s0] =	ssyncset.done @!p0 $0x0  }
0x35: {  	[sflag:s0] =	ssyncadd.s32 @!p0 s1  }
0x36: {  	[bflag:$0x3] =	sbarrier.arrive $0xFFFF  }
0x37: {  	_ =	shalt  }

</sc_bundles>
